<compile_context>
chip_gen: v7x
topology: tpu7x:2x2x1
jax: 0.10.2.dev20260603
libtpu: 0.0.44.dev20260713+nightly
codegen_flags: <defaults>
</compile_context>

<pallas_src>
import jax
import jax.numpy as jnp
from jax.experimental import pallas as pl
from jax.experimental.pallas import tpu as pltpu

_B, _H, _W = 16, 32, 32
_N = _H * _W
_CIN, _CO = 192, 384
_CL, _K = 256, 5
_DEF = jax.lax.Precision.DEFAULT
_HI = jax.lax.Precision.HIGHEST
_DN = (((1,), (0,)), ((), ()))
_DNT = (((1,), (1,)), ((), ()))


def _bs(shape):
    nd = len(shape)
    return pl.BlockSpec((1,) + shape, lambda b: (b,) + (0,) * nd)


def _bw(shape):
    nd = len(shape)
    return pl.BlockSpec(shape, lambda b: (0,) * nd)


def _proj_kernel(x_ref, skw_ref, msw_ref, xs_ref, xm_ref):
    x = x_ref[0]
    xs_ref[0] = jax.lax.dot_general(x, skw_ref[...], _DN, precision=_DEF,
                                    preferred_element_type=jnp.float32)
    xm_ref[0] = jax.lax.dot_general(x, msw_ref[...], _DN, precision=_DEF,
                                    preferred_element_type=jnp.float32)


def _knn_kernel(xn_ref, x2c_ref, x2r_ref, dist_ref, d5_ref, dmax_ref):
    def body(i, mx):
        xc = xn_ref[0, pl.ds(i * 128, 128), :]
        e = jax.lax.dot_general(xc, xn_ref[0], _DNT, precision=_DEF,
                                preferred_element_type=jnp.float32)
        d2 = (x2c_ref[0, pl.ds(i * 128, 128), :] + x2r_ref[0]) - 2.0 * e
        dist = jnp.sqrt(jnp.maximum(d2, 0.0)) / (384.0 ** 0.5)
        dist_ref[0, pl.ds(i * 128, 128), :] = dist
        col = jax.lax.broadcasted_iota(jnp.int32, (128, _N), 1)
        cur = dist
        vals = []
        for t in range(_K):
            mv = jnp.min(cur, axis=-1, keepdims=True)
            vals.append(mv)
            if t < _K - 1:
                idx = jnp.min(jnp.where(cur == mv, col, _N), axis=-1, keepdims=True)
                cur = jnp.where(col == idx, jnp.float32(jnp.inf), cur)
        d5_ref[0, pl.ds(i * 128, 128), :] = jnp.concatenate(vals, axis=1)
        return jnp.maximum(mx, jnp.max(dist, axis=(0, 1), keepdims=True))

    mx = jax.lax.fori_loop(0, _N // 128, body,
                           jnp.full((1, 1), -jnp.inf, jnp.float32))
    dmax_ref[0] = mx


def _score_kernel(dist_ref, dc_ref, dr_ref, dmax_ref, sc_ref):
    ch = dist_ref[0]
    dci = dc_ref[0]
    dmin = jnp.min(jnp.where(dr_ref[0] > dci, ch, dmax_ref[0]),
                   axis=-1, keepdims=True)
    sc_ref[0] = dmin * dci


def _rank_kernel(sc_ref, srow_ref, rk_ref):
    j = pl.program_id(1)
    sci = sc_ref[0]
    s_row = srow_ref[0]
    lane = jax.lax.broadcasted_iota(jnp.int32, (128, _N), 1)
    sub = jax.lax.broadcasted_iota(jnp.int32, (128, _N), 0) + j * 128
    gt = (s_row > sci) | ((s_row == sci) & (lane < sub))
    rk_ref[0] = jnp.sum(gt.astype(jnp.float32), axis=-1, keepdims=True)


def _assign_kernel(dist_ref, rk_ref, rrow_ref, idx_ref):
    ch = dist_ref[0]
    rank_row = rrow_ref[0]
    masked = jnp.where(rank_row < jnp.float32(_CL), ch, jnp.float32(jnp.inf))
    mmin = jnp.min(masked, axis=-1, keepdims=True)
    cand = jnp.where(masked == mmin, rank_row, jnp.float32(_N))
    asg = jnp.min(cand, axis=-1, keepdims=True)
    rci = rk_ref[0]
    idx_ref[0] = jnp.where(rci < jnp.float32(_CL), rci, asg)


def _merge_kernel(xn_ref, idx_ref, ts_ref, out_ref):
    def body4(i, aw):
        idxc = idx_ref[0, pl.ds(i * 128, 128), :].astype(jnp.int32)
        twc = jnp.exp(ts_ref[0, pl.ds(i * 128, 128), :])
        ohc = (jax.lax.broadcasted_iota(jnp.int32, (128, _CL), 1) == idxc
               ).astype(jnp.float32)
        return aw + jnp.sum(ohc * twc, axis=0, keepdims=True)

    all_w = jax.lax.fori_loop(0, _N // 128, body4,
                              jnp.zeros((1, _CL), jnp.float32)) + 1e-6

    def body5(i, acc):
        idxc = idx_ref[0, pl.ds(i * 128, 128), :].astype(jnp.int32)
        twc = jnp.exp(ts_ref[0, pl.ds(i * 128, 128), :])
        ohc = (jax.lax.broadcasted_iota(jnp.int32, (128, _CL), 1) == idxc
               ).astype(jnp.float32)
        gath = jnp.sum(ohc * all_w, axis=1, keepdims=True)
        xw = xn_ref[0, pl.ds(i * 128, 128), :] * (twc / gath)
        return acc + jax.lax.dot_general(ohc, xw, (((0,), (0,)), ((), ())),
                                         precision=_HI,
                                         preferred_element_type=jnp.float32)

    out_ref[0] = jax.lax.fori_loop(0, _N // 128, body5,
                                   jnp.zeros((_CL, _CO), jnp.float32))


def _ms_kernel(p00_ref, p01_ref, p10_ref, p11_ref, dwr_ref, dwb_ref, pwt_ref,
               pwb_ref, x3_ref, g_ref, b_ref, out_ref):
    planes = ((p00_ref, p01_ref), (p10_ref, p11_ref))
    acc = jnp.zeros((16, 16, _CO), jnp.float32)
    for ty in range(5):
        for tx in range(5):
            plane = planes[ty % 2][tx % 2][0]
            r0, c0 = ty // 2, tx // 2
            sl = jax.lax.slice(plane, (r0, c0, 0), (r0 + 16, c0 + 16, _CO))
            acc = acc + sl * dwr_ref[5 * ty + tx][None, None, :]
    acc = acc + dwb_ref[0][None, :]
    accf = acc.reshape(256, _CO)
    y = jax.lax.dot_general(accf, pwt_ref[...], _DN, precision=_HI,
                            preferred_element_type=jnp.float32)
    y = y + pwb_ref[0] + x3_ref[0]
    m = jnp.mean(y, axis=-1, keepdims=True)
    v = jnp.mean((y - m) ** 2, axis=-1, keepdims=True)
    out_ref[0] = (y - m) / jnp.sqrt(v + 1e-5) * g_ref[0] + b_ref[0]


def kernel(x, idx_token, agg_weight, loc_orig, skip_w, conv_w, conv_b,
           ms_skip_w, dw_w, dw_b, pw_w, pw_b, norm_g, norm_b, norm1_g,
           norm1_b, score_w, score_b):
    f32 = jnp.float32
    B, N, C_in, C_out = _B, _N, _CIN, _CO

    xs, xm = pl.pallas_call(
        _proj_kernel,
        grid=(B,),
        in_specs=[_bs((N, C_in)), _bw((C_in, C_out)), _bw((C_in, C_out))],
        out_specs=[_bs((N, C_out)), _bs((N, C_out))],
        out_shape=[jax.ShapeDtypeStruct((B, N, C_out), f32),
                   jax.ShapeDtypeStruct((B, N, C_out), f32)],
    )(x, skip_w.T, ms_skip_w.T)

    x_map0 = x.reshape(B, _H, _W, C_in).transpose(0, 3, 1, 2)
    x_map = jax.lax.conv_general_dilated(
        x_map0, conv_w, (2, 2), [(1, 1), (1, 1)],
        dimension_numbers=('NCHW', 'OIHW', 'NCHW'), feature_group_count=1)
    x_map = x_map + conv_b[None, :, None, None]

    Hm, Wm = 16, 16
    loc = jnp.clip(loc_orig, -1.0, 1.0)
    loc = 0.5 * (loc + 1.0) * jnp.array([Wm, Hm], f32)[None, None, :] - 0.5
    loc = jnp.round(loc).astype(jnp.int32)
    xi = jnp.clip(loc[..., 0], 0, Wm - 1)
    yi = jnp.clip(loc[..., 1], 0, Hm - 1)
    idx_hw = yi * Wm + xi
    fm = x_map.transpose(0, 2, 3, 1).reshape(B, Hm * Wm, C_out)
    vals = jnp.take_along_axis(fm, idx_hw[..., None], axis=1)
    ones = jnp.ones(idx_hw.shape, f32)

    def _per_batch(v, idx, w):
        cnt = jax.ops.segment_sum(w, idx, num_segments=N) + 1e-6
        s = jax.ops.segment_sum(v, idx, num_segments=N)
        return s / cnt[:, None]

    x_tok = xs + jax.vmap(_per_batch)(vals, idx_token, ones)

    m = jnp.mean(x_tok, -1, keepdims=True)
    v = jnp.mean((x_tok - m) ** 2, -1, keepdims=True)
    xn = (x_tok - m) / jnp.sqrt(v + 1e-5) * norm_g + norm_b
    ts = jnp.einsum('bnc,oc->bno', xn, score_w) + score_b

    x2 = jnp.sum(xn * xn, -1)
    x2c = x2.reshape(B, N, 1)
    x2r = x2.reshape(B, 1, N)

    dist, d5, dmax = pl.pallas_call(
        _knn_kernel,
        grid=(B,),
        in_specs=[_bs((N, C_out)), _bs((N, 1)), _bs((1, N))],
        out_specs=[_bs((N, N)), _bs((N, _K)), _bs((1, 1))],
        out_shape=[jax.ShapeDtypeStruct((B, N, N), f32),
                   jax.ShapeDtypeStruct((B, N, _K), f32),
                   jax.ShapeDtypeStruct((B, 1, 1), f32)],
    )(xn, x2c, x2r)

    density = jnp.exp(-jnp.mean(d5 ** 2, -1))
    density = density + jax.random.uniform(jax.random.key(1), density.shape,
                                           f32) * 1e-6
    dc = density.reshape(B, N, 1)
    dr = density.reshape(B, 1, N)

    _chunk = pl.BlockSpec((1, 128, 1), lambda b, j: (b, j, 0))
    _chunkN = pl.BlockSpec((1, 128, N), lambda b, j: (b, j, 0))
    _row = pl.BlockSpec((1, 1, N), lambda b, j: (b, 0, 0))
    _one = pl.BlockSpec((1, 1, 1), lambda b, j: (b, 0, 0))

    score = pl.pallas_call(
        _score_kernel,
        grid=(B, N // 128),
        in_specs=[_chunkN, _chunk, _row, _one],
        out_specs=_chunk,
        out_shape=jax.ShapeDtypeStruct((B, N, 1), f32),
    )(dist, dc, dr, dmax)

    rank = pl.pallas_call(
        _rank_kernel,
        grid=(B, N // 128),
        in_specs=[_chunk, _row],
        out_specs=_chunk,
        out_shape=jax.ShapeDtypeStruct((B, N, 1), f32),
    )(score, score.reshape(B, 1, N))

    idxf = pl.pallas_call(
        _assign_kernel,
        grid=(B, N // 128),
        in_specs=[_chunkN, _chunk, _row],
        out_specs=_chunk,
        out_shape=jax.ShapeDtypeStruct((B, N, 1), f32),
    )(dist, rank, rank.reshape(B, 1, N))

    x_down = pl.pallas_call(
        _merge_kernel,
        grid=(B,),
        in_specs=[_bs((N, C_out)), _bs((N, 1)), _bs((N, 1))],
        out_specs=_bs((_CL, C_out)),
        out_shape=jax.ShapeDtypeStruct((B, _CL, C_out), f32),
    )(xn, idxf, ts)

    xm_img = xm.reshape(B, _H, _W, C_out)
    xmp = jnp.pad(xm_img, ((0, 0), (2, 2), (2, 2), (0, 0)))
    pp = [xmp[:, py::2, px::2, :] for py in range(2) for px in range(2)]
    dw_r = dw_w[:, 0, :, :].transpose(1, 2, 0).reshape(25, C_out)
    pw_t = pw_w[:, :, 0, 0].T
    x3 = fm

    x_kv = pl.pallas_call(
        _ms_kernel,
        grid=(B,),
        in_specs=[_bs((18, 18, C_out))] * 4 + [
            _bw((25, C_out)), _bw((1, C_out)), _bw((C_out, C_out)),
            _bw((1, C_out)), _bs((256, C_out)), _bw((1, C_out)),
            _bw((1, C_out))],
        out_specs=_bs((256, C_out)),
        out_shape=jax.ShapeDtypeStruct((B, 256, C_out), f32),
    )(pp[0], pp[1], pp[2], pp[3], dw_r, dw_b.reshape(1, C_out), pw_t,
      pw_b.reshape(1, C_out), x3, norm1_g.reshape(1, C_out),
      norm1_b.reshape(1, C_out))

    return x_down, x_kv, ts

# --- scband reference (transcript-rebuilt; emitter-appended) ---
"""Pipeline reference for scband-ctm-72413148611050 (READ-ONLY COPY).

The authoritative reference and input builder live on the scoring server;
editing this copy changes nothing except your own understanding.
"""

import math
import jax, jax.numpy as jnp
import numpy as np

B, H, W = 16, 32, 32
N = H * W
EMBED_DIM, DIM_OUT = 192, 384
SAMPLE_RATIO, K = 0.25, 5


def conv2d(x, w, b, stride, padding, groups=1):
    out = jax.lax.conv_general_dilated(
        x, w, (stride, stride), [(padding, padding), (padding, padding)],
        dimension_numbers=('NCHW', 'OIHW', 'NCHW'), feature_group_count=groups)
    if b is not None:
        out = out + b[None, :, None, None]
    return out


def layer_norm(x, g, b, eps=1e-5):
    m = jnp.mean(x, -1, keepdims=True)
    v = jnp.mean((x - m) ** 2, -1, keepdims=True)
    return (x - m) / jnp.sqrt(v + eps) * g + b


def map2token(feature_map, idx_token, loc_orig, n_tok):
    # faithful to TCFormer map2token general path (sparse A @ map == normalized scatter-add)
    Bb, C, Hm, Wm = feature_map.shape
    loc = jnp.clip(loc_orig, -1.0, 1.0)
    loc = 0.5 * (loc + 1.0) * jnp.array([Wm, Hm], jnp.float32)[None, None, :] - 0.5
    loc = jnp.round(loc).astype(jnp.int32)
    xi = jnp.clip(loc[..., 0], 0, Wm - 1)
    yi = jnp.clip(loc[..., 1], 0, Hm - 1)
    idx_hw = yi * Wm + xi
    fm = feature_map.transpose(0, 2, 3, 1).reshape(Bb, Hm * Wm, C)
    vals = jnp.take_along_axis(fm, idx_hw[..., None], axis=1)
    ones = jnp.ones(idx_hw.shape, jnp.float32)

    def per_batch(v, idx, w):
        cnt = jax.ops.segment_sum(w, idx, num_segments=n_tok) + 1e-6
        s = jax.ops.segment_sum(v, idx, num_segments=n_tok)
        return s / cnt[:, None]

    return jax.vmap(per_batch)(vals, idx_token, ones)


def cdist(x, y):
    x2 = jnp.sum(x * x, -1)[..., :, None]
    y2 = jnp.sum(y * y, -1)[..., None, :]
    d2 = x2 + y2 - 2.0 * jnp.einsum('bnc,bmc->bnm', x, y)
    return jnp.sqrt(jnp.maximum(d2, 0.0))


def cluster_dpc_knn(x, cluster_num, k):
    Bb, Nn, C = x.shape
    dist = cdist(x, x) / (C ** 0.5)
    dist_nearest = -jax.lax.top_k(-dist, k)[0]
    density = jnp.exp(-jnp.mean(dist_nearest ** 2, -1))
    density = density + jax.random.uniform(jax.random.key(1), density.shape, jnp.float32) * 1e-6
    mask = (density[:, None, :] > density[:, :, None]).astype(jnp.float32)
    dist_max = jnp.max(dist.reshape(Bb, -1), -1)[:, None, None]
    dist_min = jnp.min(dist * mask + dist_max * (1.0 - mask), -1)
    score = dist_min * density
    index_down = jax.lax.top_k(score, cluster_num)[1]
    dm = jnp.take_along_axis(dist, index_down[:, :, None], axis=1)
    idx_cluster = jnp.argmin(dm, axis=1)
    idx_tmp = jnp.arange(cluster_num)
    idx_cluster = jax.vmap(lambda ic, idn: ic.at[idn].set(idx_tmp))(idx_cluster, index_down)
    return idx_cluster


def merge_tokens(x, idx_token, agg_weight, idx_cluster, cluster_num, token_weight):
    def per_batch(xb, ic, tw):
        all_w = jax.ops.segment_sum(tw, ic, num_segments=cluster_num) + 1e-6
        norm_w = tw / all_w[ic]
        xm = jax.ops.segment_sum(xb * norm_w[:, None], ic, num_segments=cluster_num)
        return xm, norm_w

    x_merged, norm_w = jax.vmap(per_batch)(x, idx_cluster, token_weight[..., 0])
    idx_token_new = jnp.take_along_axis(idx_cluster, idx_token, axis=1)
    weight_t = jnp.take_along_axis(norm_w, idx_token, axis=1)[..., None]
    agg_new = agg_weight * weight_t
    agg_new = agg_new / jnp.max(agg_new, axis=1, keepdims=True)
    return x_merged, idx_token_new, agg_new


def ctm_core(x, agg_weight, skip_w, conv_w, conv_b, ms_skip_w, dw_w, dw_b,
             pw_w, pw_b, norm_g, norm_b, norm1_g, norm1_b, score_w, score_b,
             idx_token, loc_orig):
    Bb = x.shape[0]
    # TokenConv_map: skip conv1d (k=1) + token2map (grid shortcut: N == H*W) + conv2d s2 + map2token
    x_skip = jnp.einsum('bnc,oc->bno', x, skip_w)
    x_map0 = x.reshape(Bb, H, W, EMBED_DIM).transpose(0, 3, 1, 2)
    x_map = conv2d(x_map0, conv_w, conv_b, 2, 1)
    x_tok = x_skip + map2token(x_map, idx_token, loc_orig, N)
    x_3 = x_map.reshape(Bb, DIM_OUT, -1).transpose(0, 2, 1)
    xn = layer_norm(x_tok, norm_g, norm_b)
    token_score = jnp.einsum('bnc,oc->bno', xn, score_w) + score_b
    token_weight = jnp.exp(token_score)
    cluster_num = max(math.ceil(N * SAMPLE_RATIO), 1)
    idx_cluster = cluster_dpc_knn(jax.lax.stop_gradient(xn), cluster_num, K)
    x_down, idx_token_new, agg_new = merge_tokens(xn, idx_token, agg_weight, idx_cluster, cluster_num, token_weight)
    # Multiscale branch
    xm = jnp.einsum('bnc,oc->bno', x, ms_skip_w)
    xm = xm.reshape(Bb, H, W, DIM_OUT).transpose(0, 3, 1, 2)
    xm = conv2d(xm, dw_w, dw_b, 2, 2, groups=DIM_OUT)
    xm = conv2d(xm, pw_w, pw_b, 1, 0)
    x_kv = xm.reshape(Bb, DIM_OUT, -1).transpose(0, 2, 1) + x_3
    x_kv = layer_norm(x_kv, norm1_g, norm1_b)
    return x_down, x_kv, token_score


def setup_inputs(seed: int = 0):
    key = jax.random.key(seed)
    ks = jax.random.split(key, 8)
    x = jax.random.normal(ks[0], (B, N, EMBED_DIM), jnp.float32)
    idx_token = jnp.tile(jnp.arange(N, dtype=jnp.int32)[None, :], (B, 1))
    agg_weight = jnp.ones((B, N, 1), jnp.float32)
    yg = 2.0 * ((jnp.arange(H, dtype=jnp.float32) + 0.5) / H) - 1.0
    xg = 2.0 * ((jnp.arange(W, dtype=jnp.float32) + 0.5) / W) - 1.0
    ym, xmg = jnp.meshgrid(yg, xg, indexing='ij')
    loc_orig = jnp.tile(jnp.stack([xmg, ym], -1).reshape(1, N, 2), (B, 1, 1))
    return {
        'x': x, 'idx_token': idx_token, 'agg_weight': agg_weight, 'loc_orig': loc_orig,
        'skip_w': jax.random.normal(ks[1], (DIM_OUT, EMBED_DIM), jnp.float32) * 0.02,
        'conv_w': jax.random.normal(ks[2], (DIM_OUT, EMBED_DIM, 3, 3), jnp.float32) * 0.02,
        'conv_b': jnp.zeros((DIM_OUT,), jnp.float32),
        'ms_skip_w': jax.random.normal(ks[3], (DIM_OUT, EMBED_DIM), jnp.float32) * 0.02,
        'dw_w': jax.random.normal(ks[4], (DIM_OUT, 1, 5, 5), jnp.float32) * 0.02,
        'dw_b': jnp.zeros((DIM_OUT,), jnp.float32),
        'pw_w': jax.random.normal(ks[5], (DIM_OUT, DIM_OUT, 1, 1), jnp.float32) * 0.02,
        'pw_b': jnp.zeros((DIM_OUT,), jnp.float32),
        'norm_g': jnp.ones((DIM_OUT,), jnp.float32),
        'norm_b': jnp.zeros((DIM_OUT,), jnp.float32),
        'norm1_g': jnp.ones((DIM_OUT,), jnp.float32),
        'norm1_b': jnp.zeros((DIM_OUT,), jnp.float32),
        'score_w': jax.random.normal(ks[6], (1, DIM_OUT), jnp.float32) * 0.02,
        'score_b': jnp.zeros((1,), jnp.float32),
    }


def reference(x, idx_token, agg_weight, loc_orig, skip_w, conv_w, conv_b, ms_skip_w,
              dw_w, dw_b, pw_w, pw_b, norm_g, norm_b, norm1_g, norm1_b, score_w, score_b):
    return ctm_core(x, agg_weight, skip_w, conv_w, conv_b, ms_skip_w, dw_w, dw_b,
                    pw_w, pw_b, norm_g, norm_b, norm1_g, norm1_b, score_w, score_b,
                    idx_token, loc_orig)

if __name__ == "__main__":
    import jax
    _d = setup_inputs()
    print(jax.jit(kernel)(*tuple(_d.values())))

</pallas_src>

<mosaic_0001>
module attributes {stable_mosaic.version = 14 : i64} {
  func.func @_proj_kernel(%arg0: i32, %arg1: memref<1x1024x192xf32, #tpu.memory_space<vmem>>, %arg2: memref<192x384xf32, #tpu.memory_space<vmem>>, %arg3: memref<192x384xf32, #tpu.memory_space<vmem>>, %arg4: memref<1x1024x384xf32, #tpu.memory_space<vmem>>, %arg5: memref<1x1024x384xf32, #tpu.memory_space<vmem>>) attributes {dimension_semantics = [#tpu.dimension_semantics<arbitrary>], iteration_bounds = array<i64: 16>, scalar_prefetch = 0 : i64, scratch_operands = 0 : i64, tpu.core_type = #tpu.core_type<tc>, window_params = [{transform_indices = @transform_0, window_bounds = array<i64: 1, 1024, 192>}, {pipeline_mode = #tpu.pipeline_mode<synchronous>, transform_indices = @transform_1, window_bounds = array<i64: 192, 384>}, {pipeline_mode = #tpu.pipeline_mode<synchronous>, transform_indices = @transform_2, window_bounds = array<i64: 192, 384>}, {transform_indices = @transform_3, window_bounds = array<i64: 1, 1024, 384>}, {transform_indices = @transform_4, window_bounds = array<i64: 1, 1024, 384>}]} {
    %get3A = arith.constant 0 : index
    %get3A_0 = arith.constant 0 : index
    %get3A_1 = arith.constant 0 : index
    %get3A_2 = vector.load %arg1[%get3A, %get3A_0, %get3A_1] : memref<1x1024x192xf32, #tpu.memory_space<vmem>>, vector<1x1024x192xf32>
    %get3A_3 = vector.shape_cast %get3A_2 : vector<1x1024x192xf32> to vector<1024x192xf32>
    %get3A_4 = arith.constant 0 : index
    %get3A_5 = arith.constant 0 : index
    %get3A_6 = vector.load %arg2[%get3A_4, %get3A_5] : memref<192x384xf32, #tpu.memory_space<vmem>>, vector<192x384xf32>
    %dot_general3A = arith.constant dense<0.000000e+00> : vector<1024x384xf32>
    %dot_general3A_7 = tpu.matmul %get3A_3, %get3A_6, %dot_general3A {dimension_numbers = #tpu.dot_dimension_numbers<[1], [0], [0], [1], [0, 0, 1, 1], [], []>, transpose_lhs_hint = false} : vector<1024x192xf32>, vector<192x384xf32>, vector<1024x384xf32> -> vector<1024x384xf32>
    %swap3A = arith.constant 0 : index
    %swap3A_8 = arith.constant 0 : index
    %swap3A_9 = arith.constant 0 : index
    %swap3A_10 = vector.load %arg4[%swap3A, %swap3A_8, %swap3A_9] : memref<1x1024x384xf32, #tpu.memory_space<vmem>>, vector<1x1024x384xf32>
    %swap3A_11 = vector.shape_cast %swap3A_10 : vector<1x1024x384xf32> to vector<1024x384xf32>
    %swap3A_12 = vector.shape_cast %dot_general3A_7 : vector<1024x384xf32> to vector<1x1024x384xf32>
    tpu.vector_store %arg4[%swap3A, %swap3A_8, %swap3A_9], %swap3A_12 {strides = array<i32>} : memref<1x1024x384xf32, #tpu.memory_space<vmem>>, vector<1x1024x384xf32>,
    %get3A_13 = arith.constant 0 : index
    %get3A_14 = arith.constant 0 : index
    %get3A_15 = vector.load %arg3[%get3A_13, %get3A_14] : memref<192x384xf32, #tpu.memory_space<vmem>>, vector<192x384xf32>
    %dot_general3A_16 = arith.constant dense<0.000000e+00> : vector<1024x384xf32>
    %dot_general3A_17 = tpu.matmul %get3A_3, %get3A_15, %dot_general3A_16 {dimension_numbers = #tpu.dot_dimension_numbers<[1], [0], [0], [1], [0, 0, 1, 1], [], []>, transpose_lhs_hint = false} : vector<1024x192xf32>, vector<192x384xf32>, vector<1024x384xf32> -> vector<1024x384xf32>
    %swap3A_18 = arith.constant 0 : index
    %swap3A_19 = arith.constant 0 : index
    %swap3A_20 = arith.constant 0 : index
    %swap3A_21 = vector.load %arg5[%swap3A_18, %swap3A_19, %swap3A_20] : memref<1x1024x384xf32, #tpu.memory_space<vmem>>, vector<1x1024x384xf32>
    %swap3A_22 = vector.shape_cast %swap3A_21 : vector<1x1024x384xf32> to vector<1024x384xf32>
    %swap3A_23 = vector.shape_cast %dot_general3A_17 : vector<1024x384xf32> to vector<1x1024x384xf32>
    tpu.vector_store %arg5[%swap3A_18, %swap3A_19, %swap3A_20], %swap3A_23 {strides = array<i32>} : memref<1x1024x384xf32, #tpu.memory_space<vmem>>, vector<1x1024x384xf32>,
    return
  }
  func.func @transform_0(%arg0: i32) -> (i32, i32, i32) {
    %c0_i32 = arith.constant 0 : i32
    %c0_i32_0 = arith.constant 0 : i32
    %c0_i32_1 = arith.constant 0 : i32
    return %arg0, %c0_i32, %c0_i32_0 : i32, i32, i32
  }
  func.func @transform_1(%arg0: i32) -> (i32, i32) {
    %c0_i32 = arith.constant 0 : i32
    %c0_i32_0 = arith.constant 0 : i32
    %c0_i32_1 = arith.constant 0 : i32
    return %c0_i32, %c0_i32_0 : i32, i32
  }
  func.func @transform_2(%arg0: i32) -> (i32, i32) {
    %c0_i32 = arith.constant 0 : i32
    %c0_i32_0 = arith.constant 0 : i32
    %c0_i32_1 = arith.constant 0 : i32
    return %c0_i32, %c0_i32_0 : i32, i32
  }
  func.func @transform_3(%arg0: i32) -> (i32, i32, i32) {
    %c0_i32 = arith.constant 0 : i32
    %c0_i32_0 = arith.constant 0 : i32
    %c0_i32_1 = arith.constant 0 : i32
    return %arg0, %c0_i32, %c0_i32_0 : i32, i32, i32
  }
  func.func @transform_4(%arg0: i32) -> (i32, i32, i32) {
    %c0_i32 = arith.constant 0 : i32
    %c0_i32_0 = arith.constant 0 : i32
    %c0_i32_1 = arith.constant 0 : i32
    return %arg0, %c0_i32, %c0_i32_0 : i32, i32, i32
  }
}

module attributes {stable_mosaic.version = 14 : i64} {
  func.func @_ms_kernel(%arg0: i32, %arg1: memref<1x18x18x384xf32, #tpu.memory_space<vmem>>, %arg2: memref<1x18x18x384xf32, #tpu.memory_space<vmem>>, %arg3: memref<1x18x18x384xf32, #tpu.memory_space<vmem>>, %arg4: memref<1x18x18x384xf32, #tpu.memory_space<vmem>>, %arg5: memref<25x384xf32, #tpu.memory_space<vmem>>, %arg6: memref<1x384xf32, #tpu.memory_space<vmem>>, %arg7: memref<384x384xf32, #tpu.memory_space<vmem>>, %arg8: memref<1x384xf32, #tpu.memory_space<vmem>>, %arg9: memref<1x256x384xf32, #tpu.memory_space<vmem>>, %arg10: memref<1x384xf32, #tpu.memory_space<vmem>>, %arg11: memref<1x384xf32, #tpu.memory_space<vmem>>, %arg12: memref<1x256x384xf32, #tpu.memory_space<vmem>>) attributes {dimension_semantics = [#tpu.dimension_semantics<arbitrary>], iteration_bounds = array<i64: 16>, scalar_prefetch = 0 : i64, scratch_operands = 0 : i64, tpu.core_type = #tpu.core_type<tc>, window_params = [{transform_indices = @transform_0, window_bounds = array<i64: 1, 18, 18, 384>}, {transform_indices = @transform_1, window_bounds = array<i64: 1, 18, 18, 384>}, {transform_indices = @transform_2, window_bounds = array<i64: 1, 18, 18, 384>}, {transform_indices = @transform_3, window_bounds = array<i64: 1, 18, 18, 384>}, {pipeline_mode = #tpu.pipeline_mode<synchronous>, transform_indices = @transform_4, window_bounds = array<i64: 25, 384>}, {pipeline_mode = #tpu.pipeline_mode<synchronous>, transform_indices = @transform_5, window_bounds = array<i64: 1, 384>}, {pipeline_mode = #tpu.pipeline_mode<synchronous>, transform_indices = @transform_6, window_bounds = array<i64: 384, 384>}, {pipeline_mode = #tpu.pipeline_mode<synchronous>, transform_indices = @transform_7, window_bounds = array<i64: 1, 384>}, {transform_indices = @transform_8, window_bounds = array<i64: 1, 256, 384>}, {pipeline_mode = #tpu.pipeline_mode<synchronous>, transform_indices = @transform_9, window_bounds = array<i64: 1, 384>}, {pipeline_mode = #tpu.pipeline_mode<synchronous>, transform_indices = @transform_10, window_bounds = array<i64: 1, 384>}, {transform_indices = @transform_11, window_bounds = array<i64: 1, 256, 384>}]} {
    %broadcast_in_dim3A = arith.constant 0.000000e+00 : f32
    %broadcast_in_dim3A_0 = vector.broadcast %broadcast_in_dim3A : f32 to vector<16x16x384xf32>
    %get3A = arith.constant 0 : index
    %get3A_1 = arith.constant 0 : index
    %get3A_2 = arith.constant 0 : index
    %get3A_3 = arith.constant 0 : index
    %get3A_4 = vector.load %arg1[%get3A, %get3A_1, %get3A_2, %get3A_3] : memref<1x18x18x384xf32, #tpu.memory_space<vmem>>, vector<1x18x18x384xf32>
    %get3A_5 = vector.shape_cast %get3A_4 : vector<1x18x18x384xf32> to vector<18x18x384xf32>
    %slice3A = vector.extract_strided_slice %get3A_5 {offsets = [0, 0, 0], sizes = [16, 16, 384], strides = [1, 1, 1]} : vector<18x18x384xf32> to vector<16x16x384xf32>
    %get3A_6 = arith.constant 0 : index
    %get3A_7 = arith.constant 0 : index
    %get3A_8 = vector.load %arg5[%get3A_6, %get3A_7] : memref<25x384xf32, #tpu.memory_space<vmem>>, vector<1x384xf32>
    %get3A_9 = vector.shape_cast %get3A_8 : vector<1x384xf32> to vector<384xf32>
    %broadcast_in_dim3A_10 = vector.shape_cast %get3A_9 : vector<384xf32> to vector<1x1x384xf32>
    %mul3A = vector.broadcast %broadcast_in_dim3A_10 : vector<1x1x384xf32> to vector<16x16x384xf32>
    %mul3A_11 = arith.mulf %slice3A, %mul3A : vector<16x16x384xf32>
    %add3A = arith.addf %broadcast_in_dim3A_0, %mul3A_11 : vector<16x16x384xf32>
    %get3A_12 = arith.constant 0 : index
    %get3A_13 = arith.constant 0 : index
    %get3A_14 = arith.constant 0 : index
    %get3A_15 = arith.constant 0 : index
    %get3A_16 = vector.load %arg2[%get3A_12, %get3A_13, %get3A_14, %get3A_15] : memref<1x18x18x384xf32, #tpu.memory_space<vmem>>, vector<1x18x18x384xf32>
    %get3A_17 = vector.shape_cast %get3A_16 : vector<1x18x18x384xf32> to vector<18x18x384xf32>
    %slice3A_18 = vector.extract_strided_slice %get3A_17 {offsets = [0, 0, 0], sizes = [16, 16, 384], strides = [1, 1, 1]} : vector<18x18x384xf32> to vector<16x16x384xf32>
    %get3A_19 = arith.constant 1 : index
    %get3A_20 = arith.constant 0 : index
    %get3A_21 = vector.load %arg5[%get3A_19, %get3A_20] : memref<25x384xf32, #tpu.memory_space<vmem>>, vector<1x384xf32>
    %get3A_22 = vector.shape_cast %get3A_21 : vector<1x384xf32> to vector<384xf32>
    %broadcast_in_dim3A_23 = vector.shape_cast %get3A_22 : vector<384xf32> to vector<1x1x384xf32>
    %mul3A_24 = vector.broadcast %broadcast_in_dim3A_23 : vector<1x1x384xf32> to vector<16x16x384xf32>
    %mul3A_25 = arith.mulf %slice3A_18, %mul3A_24 : vector<16x16x384xf32>
    %add3A_26 = arith.addf %add3A, %mul3A_25 : vector<16x16x384xf32>
    %get3A_27 = arith.constant 0 : index
    %get3A_28 = arith.constant 0 : index
    %get3A_29 = arith.constant 0 : index
    %get3A_30 = arith.constant 0 : index
    %get3A_31 = vector.load %arg1[%get3A_27, %get3A_28, %get3A_29, %get3A_30] : memref<1x18x18x384xf32, #tpu.memory_space<vmem>>, vector<1x18x18x384xf32>
    %get3A_32 = vector.shape_cast %get3A_31 : vector<1x18x18x384xf32> to vector<18x18x384xf32>
    %slice3A_33 = vector.extract_strided_slice %get3A_32 {offsets = [0, 1, 0], sizes = [16, 16, 384], strides = [1, 1, 1]} : vector<18x18x384xf32> to vector<16x16x384xf32>
    %get3A_34 = arith.constant 2 : index
    %get3A_35 = arith.constant 0 : index
    %get3A_36 = vector.load %arg5[%get3A_34, %get3A_35] : memref<25x384xf32, #tpu.memory_space<vmem>>, vector<1x384xf32>
    %get3A_37 = vector.shape_cast %get3A_36 : vector<1x384xf32> to vector<384xf32>
    %broadcast_in_dim3A_38 = vector.shape_cast %get3A_37 : vector<384xf32> to vector<1x1x384xf32>
    %mul3A_39 = vector.broadcast %broadcast_in_dim3A_38 : vector<1x1x384xf32> to vector<16x16x384xf32>
    %mul3A_40 = arith.mulf %slice3A_33, %mul3A_39 : vector<16x16x384xf32>
    %add3A_41 = arith.addf %add3A_26, %mul3A_40 : vector<16x16x384xf32>
    %get3A_42 = arith.constant 0 : index
    %get3A_43 = arith.constant 0 : index
    %get3A_44 = arith.constant 0 : index
    %get3A_45 = arith.constant 0 : index
    %get3A_46 = vector.load %arg2[%get3A_42, %get3A_43, %get3A_44, %get3A_45] : memref<1x18x18x384xf32, #tpu.memory_space<vmem>>, vector<1x18x18x384xf32>
    %get3A_47 = vector.shape_cast %get3A_46 : vector<1x18x18x384xf32> to vector<18x18x384xf32>
    %slice3A_48 = vector.extract_strided_slice %get3A_47 {offsets = [0, 1, 0], sizes = [16, 16, 384], strides = [1, 1, 1]} : vector<18x18x384xf32> to vector<16x16x384xf32>
    %get3A_49 = arith.constant 3 : index
    %get3A_50 = arith.constant 0 : index
    %get3A_51 = vector.load %arg5[%get3A_49, %get3A_50] : memref<25x384xf32, #tpu.memory_space<vmem>>, vector<1x384xf32>
    %get3A_52 = vector.shape_cast %get3A_51 : vector<1x384xf32> to vector<384xf32>
    %broadcast_in_dim3A_53 = vector.shape_cast %get3A_52 : vector<384xf32> to vector<1x1x384xf32>
    %mul3A_54 = vector.broadcast %broadcast_in_dim3A_53 : vector<1x1x384xf32> to vector<16x16x384xf32>
    %mul3A_55 = arith.mulf %slice3A_48, %mul3A_54 : vector<16x16x384xf32>
    %add3A_56 = arith.addf %add3A_41, %mul3A_55 : vector<16x16x384xf32>
    %get3A_57 = arith.constant 0 : index
    %get3A_58 = arith.constant 0 : index
    %get3A_59 = arith.constant 0 : index
    %get3A_60 = arith.constant 0 : index
    %get3A_61 = vector.load %arg1[%get3A_57, %get3A_58, %get3A_59, %get3A_60] : memref<1x18x18x384xf32, #tpu.memory_space<vmem>>, vector<1x18x18x384xf32>
    %get3A_62 = vector.shape_cast %get3A_61 : vector<1x18x18x384xf32> to vector<18x18x384xf32>
    %slice3A_63 = vector.extract_strided_slice %get3A_62 {offsets = [0, 2, 0], sizes = [16, 16, 384], strides = [1, 1, 1]} : vector<18x18x384xf32> to vector<16x16x384xf32>
    %get3A_64 = arith.constant 4 : index
    %get3A_65 = arith.constant 0 : index
    %get3A_66 = vector.load %arg5[%get3A_64, %get3A_65] : memref<25x384xf32, #tpu.memory_space<vmem>>, vector<1x384xf32>
    %get3A_67 = vector.shape_cast %get3A_66 : vector<1x384xf32> to vector<384xf32>
    %broadcast_in_dim3A_68 = vector.shape_cast %get3A_67 : vector<384xf32> to vector<1x1x384xf32>
    %mul3A_69 = vector.broadcast %broadcast_in_dim3A_68 : vector<1x1x384xf32> to vector<16x16x384xf32>
    %mul3A_70 = arith.mulf %slice3A_63, %mul3A_69 : vector<16x16x384xf32>
    %add3A_71 = arith.addf %add3A_56, %mul3A_70 : vector<16x16x384xf32>
    %get3A_72 = arith.constant 0 : index
    %get3A_73 = arith.constant 0 : index
    %get3A_74 = arith.constant 0 : index
    %get3A_75 = arith.constant 0 : index
    %get3A_76 = vector.load %arg3[%get3A_72, %get3A_73, %get3A_74, %get3A_75] : memref<1x18x18x384xf32, #tpu.memory_space<vmem>>, vector<1x18x18x384xf32>
    %get3A_77 = vector.shape_cast %get3A_76 : vector<1x18x18x384xf32> to vector<18x18x384xf32>
    %slice3A_78 = vector.extract_strided_slice %get3A_77 {offsets = [0, 0, 0], sizes = [16, 16, 384], strides = [1, 1, 1]} : vector<18x18x384xf32> to vector<16x16x384xf32>
    %get3A_79 = arith.constant 5 : index
    %get3A_80 = arith.constant 0 : index
    %get3A_81 = vector.load %arg5[%get3A_79, %get3A_80] : memref<25x384xf32, #tpu.memory_space<vmem>>, vector<1x384xf32>
    %get3A_82 = vector.shape_cast %get3A_81 : vector<1x384xf32> to vector<384xf32>
    %broadcast_in_dim3A_83 = vector.shape_cast %get3A_82 : vector<384xf32> to vector<1x1x384xf32>
    %mul3A_84 = vector.broadcast %broadcast_in_dim3A_83 : vector<1x1x384xf32> to vector<16x16x384xf32>
    %mul3A_85 = arith.mulf %slice3A_78, %mul3A_84 : vector<16x16x384xf32>
    %add3A_86 = arith.addf %add3A_71, %mul3A_85 : vector<16x16x384xf32>
    %get3A_87 = arith.constant 0 : index
    %get3A_88 = arith.constant 0 : index
    %get3A_89 = arith.constant 0 : index
    %get3A_90 = arith.constant 0 : index
    %get3A_91 = vector.load %arg4[%get3A_87, %get3A_88, %get3A_89, %get3A_90] : memref<1x18x18x384xf32, #tpu.memory_space<vmem>>, vector<1x18x18x384xf32>
    %get3A_92 = vector.shape_cast %get3A_91 : vector<1x18x18x384xf32> to vector<18x18x384xf32>
    %slice3A_93 = vector.extract_strided_slice %get3A_92 {offsets = [0, 0, 0], sizes = [16, 16, 384], strides = [1, 1, 1]} : vector<18x18x384xf32> to vector<16x16x384xf32>
    %get3A_94 = arith.constant 6 : index
    %get3A_95 = arith.constant 0 : index
    %get3A_96 = vector.load %arg5[%get3A_94, %get3A_95] : memref<25x384xf32, #tpu.memory_space<vmem>>, vector<1x384xf32>
    %get3A_97 = vector.shape_cast %get3A_96 : vector<1x384xf32> to vector<384xf32>
    %broadcast_in_dim3A_98 = vector.shape_cast %get3A_97 : vector<384xf32> to vector<1x1x384xf32>
    %mul3A_99 = vector.broadcast %broadcast_in_dim3A_98 : vector<1x1x384xf32> to vector<16x16x384xf32>
    %mul3A_100 = arith.mulf %slice3A_93, %mul3A_99 : vector<16x16x384xf32>
    %add3A_101 = arith.addf %add3A_86, %mul3A_100 : vector<16x16x384xf32>
    %get3A_102 = arith.constant 0 : index
    %get3A_103 = arith.constant 0 : index
    %get3A_104 = arith.constant 0 : index
    %get3A_105 = arith.constant 0 : index
    %get3A_106 = vector.load %arg3[%get3A_102, %get3A_103, %get3A_104, %get3A_105] : memref<1x18x18x384xf32, #tpu.memory_space<vmem>>, vector<1x18x18x384xf32>
    %get3A_107 = vector.shape_cast %get3A_106 : vector<1x18x18x384xf32> to vector<18x18x384xf32>
    %slice3A_108 = vector.extract_strided_slice %get3A_107 {offsets = [0, 1, 0], sizes = [16, 16, 384], strides = [1, 1, 1]} : vector<18x18x384xf32> to vector<16x16x384xf32>
    %get3A_109 = arith.constant 7 : index
    %get3A_110 = arith.constant 0 : index
    %get3A_111 = vector.load %arg5[%get3A_109, %get3A_110] : memref<25x384xf32, #tpu.memory_space<vmem>>, vector<1x384xf32>
    %get3A_112 = vector.shape_cast %get3A_111 : vector<1x384xf32> to vector<384xf32>
    %broadcast_in_dim3A_113 = vector.shape_cast %get3A_112 : vector<384xf32> to vector<1x1x384xf32>
    %mul3A_114 = vector.broadcast %broadcast_in_dim3A_113 : vector<1x1x384xf32> to vector<16x16x384xf32>
    %mul3A_115 = arith.mulf %slice3A_108, %mul3A_114 : vector<16x16x384xf32>
    %add3A_116 = arith.addf %add3A_101, %mul3A_115 : vector<16x16x384xf32>
    %get3A_117 = arith.constant 0 : index
    %get3A_118 = arith.constant 0 : index
    %get3A_119 = arith.constant 0 : index
    %get3A_120 = arith.constant 0 : index
    %get3A_121 = vector.load %arg4[%get3A_117, %get3A_118, %get3A_119, %get3A_120] : memref<1x18x18x384xf32, #tpu.memory_space<vmem>>, vector<1x18x18x384xf32>
    %get3A_122 = vector.shape_cast %get3A_121 : vector<1x18x18x384xf32> to vector<18x18x384xf32>
    %slice3A_123 = vector.extract_strided_slice %get3A_122 {offsets = [0, 1, 0], sizes = [16, 16, 384], strides = [1, 1, 1]} : vector<18x18x384xf32> to vector<16x16x384xf32>
    %get3A_124 = arith.constant 8 : index
    %get3A_125 = arith.constant 0 : index
    %get3A_126 = vector.load %arg5[%get3A_124, %get3A_125] : memref<25x384xf32, #tpu.memory_space<vmem>>, vector<1x384xf32>
    %get3A_127 = vector.shape_cast %get3A_126 : vector<1x384xf32> to vector<384xf32>
    %broadcast_in_dim3A_128 = vector.shape_cast %get3A_127 : vector<384xf32> to vector<1x1x384xf32>
    %mul3A_129 = vector.broadcast %broadcast_in_dim3A_128 : vector<1x1x384xf32> to vector<16x16x384xf32>
    %mul3A_130 = arith.mulf %slice3A_123, %mul3A_129 : vector<16x16x384xf32>
    %add3A_131 = arith.addf %add3A_116, %mul3A_130 : vector<16x16x384xf32>
    %get3A_132 = arith.constant 0 : index
    %get3A_133 = arith.constant 0 : index
    %get3A_134 = arith.constant 0 : index
    %get3A_135 = arith.constant 0 : index
    %get3A_136 = vector.load %arg3[%get3A_132, %get3A_133, %get3A_134, %get3A_135] : memref<1x18x18x384xf32, #tpu.memory_space<vmem>>, vector<1x18x18x384xf32>
    %get3A_137 = vector.shape_cast %get3A_136 : vector<1x18x18x384xf32> to vector<18x18x384xf32>
    %slice3A_138 = vector.extract_strided_slice %get3A_137 {offsets = [0, 2, 0], sizes = [16, 16, 384], strides = [1, 1, 1]} : vector<18x18x384xf32> to vector<16x16x384xf32>
    %get3A_139 = arith.constant 9 : index
    %get3A_140 = arith.constant 0 : index
    %get3A_141 = vector.load %arg5[%get3A_139, %get3A_140] : memref<25x384xf32, #tpu.memory_space<vmem>>, vector<1x384xf32>
    %get3A_142 = vector.shape_cast %get3A_141 : vector<1x384xf32> to vector<384xf32>
    %broadcast_in_dim3A_143 = vector.shape_cast %get3A_142 : vector<384xf32> to vector<1x1x384xf32>
    %mul3A_144 = vector.broadcast %broadcast_in_dim3A_143 : vector<1x1x384xf32> to vector<16x16x384xf32>
    %mul3A_145 = arith.mulf %slice3A_138, %mul3A_144 : vector<16x16x384xf32>
    %add3A_146 = arith.addf %add3A_131, %mul3A_145 : vector<16x16x384xf32>
    %get3A_147 = arith.constant 0 : index
    %get3A_148 = arith.constant 0 : index
    %get3A_149 = arith.constant 0 : index
    %get3A_150 = arith.constant 0 : index
    %get3A_151 = vector.load %arg1[%get3A_147, %get3A_148, %get3A_149, %get3A_150] : memref<1x18x18x384xf32, #tpu.memory_space<vmem>>, vector<1x18x18x384xf32>
    %get3A_152 = vector.shape_cast %get3A_151 : vector<1x18x18x384xf32> to vector<18x18x384xf32>
    %slice3A_153 = vector.extract_strided_slice %get3A_152 {offsets = [1, 0, 0], sizes = [16, 16, 384], strides = [1, 1, 1]} : vector<18x18x384xf32> to vector<16x16x384xf32>
    %get3A_154 = arith.constant 10 : index
    %get3A_155 = arith.constant 0 : index
    %get3A_156 = vector.load %arg5[%get3A_154, %get3A_155] : memref<25x384xf32, #tpu.memory_space<vmem>>, vector<1x384xf32>
    %get3A_157 = vector.shape_cast %get3A_156 : vector<1x384xf32> to vector<384xf32>
    %broadcast_in_dim3A_158 = vector.shape_cast %get3A_157 : vector<384xf32> to vector<1x1x384xf32>
    %mul3A_159 = vector.broadcast %broadcast_in_dim3A_158 : vector<1x1x384xf32> to vector<16x16x384xf32>
    %mul3A_160 = arith.mulf %slice3A_153, %mul3A_159 : vector<16x16x384xf32>
    %add3A_161 = arith.addf %add3A_146, %mul3A_160 : vector<16x16x384xf32>
    %get3A_162 = arith.constant 0 : index
    %get3A_163 = arith.constant 0 : index
    %get3A_164 = arith.constant 0 : index
    %get3A_165 = arith.constant 0 : index
    %get3A_166 = vector.load %arg2[%get3A_162, %get3A_163, %get3A_164, %get3A_165] : memref<1x18x18x384xf32, #tpu.memory_space<vmem>>, vector<1x18x18x384xf32>
    %get3A_167 = vector.shape_cast %get3A_166 : vector<1x18x18x384xf32> to vector<18x18x384xf32>
    %slice3A_168 = vector.extract_strided_slice %get3A_167 {offsets = [1, 0, 0], sizes = [16, 16, 384], strides = [1, 1, 1]} : vector<18x18x384xf32> to vector<16x16x384xf32>
    %get3A_169 = arith.constant 11 : index
    %get3A_170 = arith.constant 0 : index
    %get3A_171 = vector.load %arg5[%get3A_169, %get3A_170] : memref<25x384xf32, #tpu.memory_space<vmem>>, vector<1x384xf32>
    %get3A_172 = vector.shape_cast %get3A_171 : vector<1x384xf32> to vector<384xf32>
    %broadcast_in_dim3A_173 = vector.shape_cast %get3A_172 : vector<384xf32> to vector<1x1x384xf32>
    %mul3A_174 = vector.broadcast %broadcast_in_dim3A_173 : vector<1x1x384xf32> to vector<16x16x384xf32>
    %mul3A_175 = arith.mulf %slice3A_168, %mul3A_174 : vector<16x16x384xf32>
    %add3A_176 = arith.addf %add3A_161, %mul3A_175 : vector<16x16x384xf32>
    %get3A_177 = arith.constant 0 : index
    %get3A_178 = arith.constant 0 : index
    %get3A_179 = arith.constant 0 : index
    %get3A_180 = arith.constant 0 : index
    %get3A_181 = vector.load %arg1[%get3A_177, %get3A_178, %get3A_179, %get3A_180] : memref<1x18x18x384xf32, #tpu.memory_space<vmem>>, vector<1x18x18x384xf32>
    %get3A_182 = vector.shape_cast %get3A_181 : vector<1x18x18x384xf32> to vector<18x18x384xf32>
    %slice3A_183 = vector.extract_strided_slice %get3A_182 {offsets = [1, 1, 0], sizes = [16, 16, 384], strides = [1, 1, 1]} : vector<18x18x384xf32> to vector<16x16x384xf32>
    %get3A_184 = arith.constant 12 : index
    %get3A_185 = arith.constant 0 : index
    %get3A_186 = vector.load %arg5[%get3A_184, %get3A_185] : memref<25x384xf32, #tpu.memory_space<vmem>>, vector<1x384xf32>
    %get3A_187 = vector.shape_cast %get3A_186 : vector<1x384xf32> to vector<384xf32>
    %broadcast_in_dim3A_188 = vector.shape_cast %get3A_187 : vector<384xf32> to vector<1x1x384xf32>
    %mul3A_189 = vector.broadcast %broadcast_in_dim3A_188 : vector<1x1x384xf32> to vector<16x16x384xf32>
    %mul3A_190 = arith.mulf %slice3A_183, %mul3A_189 : vector<16x16x384xf32>
    %add3A_191 = arith.addf %add3A_176, %mul3A_190 : vector<16x16x384xf32>
    %get3A_192 = arith.constant 0 : index
    %get3A_193 = arith.constant 0 : index
    %get3A_194 = arith.constant 0 : index
    %get3A_195 = arith.constant 0 : index
    %get3A_196 = vector.load %arg2[%get3A_192, %get3A_193, %get3A_194, %get3A_195] : memref<1x18x18x384xf32, #tpu.memory_space<vmem>>, vector<1x18x18x384xf32>
    %get3A_197 = vector.shape_cast %get3A_196 : vector<1x18x18x384xf32> to vector<18x18x384xf32>
    %slice3A_198 = vector.extract_strided_slice %get3A_197 {offsets = [1, 1, 0], sizes = [16, 16, 384], strides = [1, 1, 1]} : vector<18x18x384xf32> to vector<16x16x384xf32>
    %get3A_199 = arith.constant 13 : index
    %get3A_200 = arith.constant 0 : index
    %get3A_201 = vector.load %arg5[%get3A_199, %get3A_200] : memref<25x384xf32, #tpu.memory_space<vmem>>, vector<1x384xf32>
    %get3A_202 = vector.shape_cast %get3A_201 : vector<1x384xf32> to vector<384xf32>
    %broadcast_in_dim3A_203 = vector.shape_cast %get3A_202 : vector<384xf32> to vector<1x1x384xf32>
    %mul3A_204 = vector.broadcast %broadcast_in_dim3A_203 : vector<1x1x384xf32> to vector<16x16x384xf32>
    %mul3A_205 = arith.mulf %slice3A_198, %mul3A_204 : vector<16x16x384xf32>
    %add3A_206 = arith.addf %add3A_191, %mul3A_205 : vector<16x16x384xf32>
    %get3A_207 = arith.constant 0 : index
    %get3A_208 = arith.constant 0 : index
    %get3A_209 = arith.constant 0 : index
    %get3A_210 = arith.constant 0 : index
    %get3A_211 = vector.load %arg1[%get3A_207, %get3A_208, %get3A_209, %get3A_210] : memref<1x18x18x384xf32, #tpu.memory_space<vmem>>, vector<1x18x18x384xf32>
    %get3A_212 = vector.shape_cast %get3A_211 : vector<1x18x18x384xf32> to vector<18x18x384xf32>
    %slice3A_213 = vector.extract_strided_slice %get3A_212 {offsets = [1, 2, 0], sizes = [16, 16, 384], strides = [1, 1, 1]} : vector<18x18x384xf32> to vector<16x16x384xf32>
    %get3A_214 = arith.constant 14 : index
    %get3A_215 = arith.constant 0 : index
    %get3A_216 = vector.load %arg5[%get3A_214, %get3A_215] : memref<25x384xf32, #tpu.memory_space<vmem>>, vector<1x384xf32>
    %get3A_217 = vector.shape_cast %get3A_216 : vector<1x384xf32> to vector<384xf32>
    %broadcast_in_dim3A_218 = vector.shape_cast %get3A_217 : vector<384xf32> to vector<1x1x384xf32>
    %mul3A_219 = vector.broadcast %broadcast_in_dim3A_218 : vector<1x1x384xf32> to vector<16x16x384xf32>
    %mul3A_220 = arith.mulf %slice3A_213, %mul3A_219 : vector<16x16x384xf32>
    %add3A_221 = arith.addf %add3A_206, %mul3A_220 : vector<16x16x384xf32>
    %get3A_222 = arith.constant 0 : index
    %get3A_223 = arith.constant 0 : index
    %get3A_224 = arith.constant 0 : index
    %get3A_225 = arith.constant 0 : index
    %get3A_226 = vector.load %arg3[%get3A_222, %get3A_223, %get3A_224, %get3A_225] : memref<1x18x18x384xf32, #tpu.memory_space<vmem>>, vector<1x18x18x384xf32>
    %get3A_227 = vector.shape_cast %get3A_226 : vector<1x18x18x384xf32> to vector<18x18x384xf32>
    %slice3A_228 = vector.extract_strided_slice %get3A_227 {offsets = [1, 0, 0], sizes = [16, 16, 384], strides = [1, 1, 1]} : vector<18x18x384xf32> to vector<16x16x384xf32>
    %get3A_229 = arith.constant 15 : index
    %get3A_230 = arith.constant 0 : index
    %get3A_231 = vector.load %arg5[%get3A_229, %get3A_230] : memref<25x384xf32, #tpu.memory_space<vmem>>, vector<1x384xf32>
    %get3A_232 = vector.shape_cast %get3A_231 : vector<1x384xf32> to vector<384xf32>
    %broadcast_in_dim3A_233 = vector.shape_cast %get3A_232 : vector<384xf32> to vector<1x1x384xf32>
    %mul3A_234 = vector.broadcast %broadcast_in_dim3A_233 : vector<1x1x384xf32> to vector<16x16x384xf32>
    %mul3A_235 = arith.mulf %slice3A_228, %mul3A_234 : vector<16x16x384xf32>
    %add3A_236 = arith.addf %add3A_221, %mul3A_235 : vector<16x16x384xf32>
    %get3A_237 = arith.constant 0 : index
    %get3A_238 = arith.constant 0 : index
    %get3A_239 = arith.constant 0 : index
    %get3A_240 = arith.constant 0 : index
    %get3A_241 = vector.load %arg4[%get3A_237, %get3A_238, %get3A_239, %get3A_240] : memref<1x18x18x384xf32, #tpu.memory_space<vmem>>, vector<1x18x18x384xf32>
    %get3A_242 = vector.shape_cast %get3A_241 : vector<1x18x18x384xf32> to vector<18x18x384xf32>
    %slice3A_243 = vector.extract_strided_slice %get3A_242 {offsets = [1, 0, 0], sizes = [16, 16, 384], strides = [1, 1, 1]} : vector<18x18x384xf32> to vector<16x16x384xf32>
    %get3A_244 = arith.constant 16 : index
    %get3A_245 = arith.constant 0 : index
    %get3A_246 = vector.load %arg5[%get3A_244, %get3A_245] : memref<25x384xf32, #tpu.memory_space<vmem>>, vector<1x384xf32>
    %get3A_247 = vector.shape_cast %get3A_246 : vector<1x384xf32> to vector<384xf32>
    %broadcast_in_dim3A_248 = vector.shape_cast %get3A_247 : vector<384xf32> to vector<1x1x384xf32>
    %mul3A_249 = vector.broadcast %broadcast_in_dim3A_248 : vector<1x1x384xf32> to vector<16x16x384xf32>
    %mul3A_250 = arith.mulf %slice3A_243, %mul3A_249 : vector<16x16x384xf32>
    %add3A_251 = arith.addf %add3A_236, %mul3A_250 : vector<16x16x384xf32>
    %get3A_252 = arith.constant 0 : index
    %get3A_253 = arith.constant 0 : index
    %get3A_254 = arith.constant 0 : index
    %get3A_255 = arith.constant 0 : index
    %get3A_256 = vector.load %arg3[%get3A_252, %get3A_253, %get3A_254, %get3A_255] : memref<1x18x18x384xf32, #tpu.memory_space<vmem>>, vector<1x18x18x384xf32>
    %get3A_257 = vector.shape_cast %get3A_256 : vector<1x18x18x384xf32> to vector<18x18x384xf32>
    %slice3A_258 = vector.extract_strided_slice %get3A_257 {offsets = [1, 1, 0], sizes = [16, 16, 384], strides = [1, 1, 1]} : vector<18x18x384xf32> to vector<16x16x384xf32>
    %get3A_259 = arith.constant 17 : index
    %get3A_260 = arith.constant 0 : index
    %get3A_261 = vector.load %arg5[%get3A_259, %get3A_260] : memref<25x384xf32, #tpu.memory_space<vmem>>, vector<1x384xf32>
    %get3A_262 = vector.shape_cast %get3A_261 : vector<1x384xf32> to vector<384xf32>
    %broadcast_in_dim3A_263 = vector.shape_cast %get3A_262 : vector<384xf32> to vector<1x1x384xf32>
    %mul3A_264 = vector.broadcast %broadcast_in_dim3A_263 : vector<1x1x384xf32> to vector<16x16x384xf32>
    %mul3A_265 = arith.mulf %slice3A_258, %mul3A_264 : vector<16x16x384xf32>
    %add3A_266 = arith.addf %add3A_251, %mul3A_265 : vector<16x16x384xf32>
    %get3A_267 = arith.constant 0 : index
    %get3A_268 = arith.constant 0 : index
    %get3A_269 = arith.constant 0 : index
    %get3A_270 = arith.constant 0 : index
    %get3A_271 = vector.load %arg4[%get3A_267, %get3A_268, %get3A_269, %get3A_270] : memref<1x18x18x384xf32, #tpu.memory_space<vmem>>, vector<1x18x18x384xf32>
    %get3A_272 = vector.shape_cast %get3A_271 : vector<1x18x18x384xf32> to vector<18x18x384xf32>
    %slice3A_273 = vector.extract_strided_slice %get3A_272 {offsets = [1, 1, 0], sizes = [16, 16, 384], strides = [1, 1, 1]} : vector<18x18x384xf32> to vector<16x16x384xf32>
    %get3A_274 = arith.constant 18 : index
    %get3A_275 = arith.constant 0 : index
    %get3A_276 = vector.load %arg5[%get3A_274, %get3A_275] : memref<25x384xf32, #tpu.memory_space<vmem>>, vector<1x384xf32>
    %get3A_277 = vector.shape_cast %get3A_276 : vector<1x384xf32> to vector<384xf32>
    %broadcast_in_dim3A_278 = vector.shape_cast %get3A_277 : vector<384xf32> to vector<1x1x384xf32>
    %mul3A_279 = vector.broadcast %broadcast_in_dim3A_278 : vector<1x1x384xf32> to vector<16x16x384xf32>
    %mul3A_280 = arith.mulf %slice3A_273, %mul3A_279 : vector<16x16x384xf32>
    %add3A_281 = arith.addf %add3A_266, %mul3A_280 : vector<16x16x384xf32>
    %get3A_282 = arith.constant 0 : index
    %get3A_283 = arith.constant 0 : index
    %get3A_284 = arith.constant 0 : index
    %get3A_285 = arith.constant 0 : index
    %get3A_286 = vector.load %arg3[%get3A_282, %get3A_283, %get3A_284, %get3A_285] : memref<1x18x18x384xf32, #tpu.memory_space<vmem>>, vector<1x18x18x384xf32>
    %get3A_287 = vector.shape_cast %get3A_286 : vector<1x18x18x384xf32> to vector<18x18x384xf32>
    %slice3A_288 = vector.extract_strided_slice %get3A_287 {offsets = [1, 2, 0], sizes = [16, 16, 384], strides = [1, 1, 1]} : vector<18x18x384xf32> to vector<16x16x384xf32>
    %get3A_289 = arith.constant 19 : index
    %get3A_290 = arith.constant 0 : index
    %get3A_291 = vector.load %arg5[%get3A_289, %get3A_290] : memref<25x384xf32, #tpu.memory_space<vmem>>, vector<1x384xf32>
    %get3A_292 = vector.shape_cast %get3A_291 : vector<1x384xf32> to vector<384xf32>
    %broadcast_in_dim3A_293 = vector.shape_cast %get3A_292 : vector<384xf32> to vector<1x1x384xf32>
    %mul3A_294 = vector.broadcast %broadcast_in_dim3A_293 : vector<1x1x384xf32> to vector<16x16x384xf32>
    %mul3A_295 = arith.mulf %slice3A_288, %mul3A_294 : vector<16x16x384xf32>
    %add3A_296 = arith.addf %add3A_281, %mul3A_295 : vector<16x16x384xf32>
    %get3A_297 = arith.constant 0 : index
    %get3A_298 = arith.constant 0 : index
    %get3A_299 = arith.constant 0 : index
    %get3A_300 = arith.constant 0 : index
    %get3A_301 = vector.load %arg1[%get3A_297, %get3A_298, %get3A_299, %get3A_300] : memref<1x18x18x384xf32, #tpu.memory_space<vmem>>, vector<1x18x18x384xf32>
    %get3A_302 = vector.shape_cast %get3A_301 : vector<1x18x18x384xf32> to vector<18x18x384xf32>
    %slice3A_303 = vector.extract_strided_slice %get3A_302 {offsets = [2, 0, 0], sizes = [16, 16, 384], strides = [1, 1, 1]} : vector<18x18x384xf32> to vector<16x16x384xf32>
    %get3A_304 = arith.constant 20 : index
    %get3A_305 = arith.constant 0 : index
    %get3A_306 = vector.load %arg5[%get3A_304, %get3A_305] : memref<25x384xf32, #tpu.memory_space<vmem>>, vector<1x384xf32>
    %get3A_307 = vector.shape_cast %get3A_306 : vector<1x384xf32> to vector<384xf32>
    %broadcast_in_dim3A_308 = vector.shape_cast %get3A_307 : vector<384xf32> to vector<1x1x384xf32>
    %mul3A_309 = vector.broadcast %broadcast_in_dim3A_308 : vector<1x1x384xf32> to vector<16x16x384xf32>
    %mul3A_310 = arith.mulf %slice3A_303, %mul3A_309 : vector<16x16x384xf32>
    %add3A_311 = arith.addf %add3A_296, %mul3A_310 : vector<16x16x384xf32>
    %get3A_312 = arith.constant 0 : index
    %get3A_313 = arith.constant 0 : index
    %get3A_314 = arith.constant 0 : index
    %get3A_315 = arith.constant 0 : index
    %get3A_316 = vector.load %arg2[%get3A_312, %get3A_313, %get3A_314, %get3A_315] : memref<1x18x18x384xf32, #tpu.memory_space<vmem>>, vector<1x18x18x384xf32>
    %get3A_317 = vector.shape_cast %get3A_316 : vector<1x18x18x384xf32> to vector<18x18x384xf32>
    %slice3A_318 = vector.extract_strided_slice %get3A_317 {offsets = [2, 0, 0], sizes = [16, 16, 384], strides = [1, 1, 1]} : vector<18x18x384xf32> to vector<16x16x384xf32>
    %get3A_319 = arith.constant 21 : index
    %get3A_320 = arith.constant 0 : index
    %get3A_321 = vector.load %arg5[%get3A_319, %get3A_320] : memref<25x384xf32, #tpu.memory_space<vmem>>, vector<1x384xf32>
    %get3A_322 = vector.shape_cast %get3A_321 : vector<1x384xf32> to vector<384xf32>
    %broadcast_in_dim3A_323 = vector.shape_cast %get3A_322 : vector<384xf32> to vector<1x1x384xf32>
    %mul3A_324 = vector.broadcast %broadcast_in_dim3A_323 : vector<1x1x384xf32> to vector<16x16x384xf32>
    %mul3A_325 = arith.mulf %slice3A_318, %mul3A_324 : vector<16x16x384xf32>
    %add3A_326 = arith.addf %add3A_311, %mul3A_325 : vector<16x16x384xf32>
    %get3A_327 = arith.constant 0 : index
    %get3A_328 = arith.constant 0 : index
    %get3A_329 = arith.constant 0 : index
    %get3A_330 = arith.constant 0 : index
    %get3A_331 = vector.load %arg1[%get3A_327, %get3A_328, %get3A_329, %get3A_330] : memref<1x18x18x384xf32, #tpu.memory_space<vmem>>, vector<1x18x18x384xf32>
    %get3A_332 = vector.shape_cast %get3A_331 : vector<1x18x18x384xf32> to vector<18x18x384xf32>
    %slice3A_333 = vector.extract_strided_slice %get3A_332 {offsets = [2, 1, 0], sizes = [16, 16, 384], strides = [1, 1, 1]} : vector<18x18x384xf32> to vector<16x16x384xf32>
    %get3A_334 = arith.constant 22 : index
    %get3A_335 = arith.constant 0 : index
    %get3A_336 = vector.load %arg5[%get3A_334, %get3A_335] : memref<25x384xf32, #tpu.memory_space<vmem>>, vector<1x384xf32>
    %get3A_337 = vector.shape_cast %get3A_336 : vector<1x384xf32> to vector<384xf32>
    %broadcast_in_dim3A_338 = vector.shape_cast %get3A_337 : vector<384xf32> to vector<1x1x384xf32>
    %mul3A_339 = vector.broadcast %broadcast_in_dim3A_338 : vector<1x1x384xf32> to vector<16x16x384xf32>
    %mul3A_340 = arith.mulf %slice3A_333, %mul3A_339 : vector<16x16x384xf32>
    %add3A_341 = arith.addf %add3A_326, %mul3A_340 : vector<16x16x384xf32>
    %get3A_342 = arith.constant 0 : index
    %get3A_343 = arith.constant 0 : index
    %get3A_344 = arith.constant 0 : index
    %get3A_345 = arith.constant 0 : index
    %get3A_346 = vector.load %arg2[%get3A_342, %get3A_343, %get3A_344, %get3A_345] : memref<1x18x18x384xf32, #tpu.memory_space<vmem>>, vector<1x18x18x384xf32>
    %get3A_347 = vector.shape_cast %get3A_346 : vector<1x18x18x384xf32> to vector<18x18x384xf32>
    %slice3A_348 = vector.extract_strided_slice %get3A_347 {offsets = [2, 1, 0], sizes = [16, 16, 384], strides = [1, 1, 1]} : vector<18x18x384xf32> to vector<16x16x384xf32>
    %get3A_349 = arith.constant 23 : index
    %get3A_350 = arith.constant 0 : index
    %get3A_351 = vector.load %arg5[%get3A_349, %get3A_350] : memref<25x384xf32, #tpu.memory_space<vmem>>, vector<1x384xf32>
    %get3A_352 = vector.shape_cast %get3A_351 : vector<1x384xf32> to vector<384xf32>
    %broadcast_in_dim3A_353 = vector.shape_cast %get3A_352 : vector<384xf32> to vector<1x1x384xf32>
    %mul3A_354 = vector.broadcast %broadcast_in_dim3A_353 : vector<1x1x384xf32> to vector<16x16x384xf32>
    %mul3A_355 = arith.mulf %slice3A_348, %mul3A_354 : vector<16x16x384xf32>
    %add3A_356 = arith.addf %add3A_341, %mul3A_355 : vector<16x16x384xf32>
    %get3A_357 = arith.constant 0 : index
    %get3A_358 = arith.constant 0 : index
    %get3A_359 = arith.constant 0 : index
    %get3A_360 = arith.constant 0 : index
    %get3A_361 = vector.load %arg1[%get3A_357, %get3A_358, %get3A_359, %get3A_360] : memref<1x18x18x384xf32, #tpu.memory_space<vmem>>, vector<1x18x18x384xf32>
    %get3A_362 = vector.shape_cast %get3A_361 : vector<1x18x18x384xf32> to vector<18x18x384xf32>
    %slice3A_363 = vector.extract_strided_slice %get3A_362 {offsets = [2, 2, 0], sizes = [16, 16, 384], strides = [1, 1, 1]} : vector<18x18x384xf32> to vector<16x16x384xf32>
    %get3A_364 = arith.constant 24 : index
    %get3A_365 = arith.constant 0 : index
    %get3A_366 = vector.load %arg5[%get3A_364, %get3A_365] : memref<25x384xf32, #tpu.memory_space<vmem>>, vector<1x384xf32>
    %get3A_367 = vector.shape_cast %get3A_366 : vector<1x384xf32> to vector<384xf32>
    %broadcast_in_dim3A_368 = vector.shape_cast %get3A_367 : vector<384xf32> to vector<1x1x384xf32>
    %mul3A_369 = vector.broadcast %broadcast_in_dim3A_368 : vector<1x1x384xf32> to vector<16x16x384xf32>
    %mul3A_370 = arith.mulf %slice3A_363, %mul3A_369 : vector<16x16x384xf32>
    %add3A_371 = arith.addf %add3A_356, %mul3A_370 : vector<16x16x384xf32>
    %get3A_372 = arith.constant 0 : index
    %get3A_373 = arith.constant 0 : index
    %get3A_374 = vector.load %arg6[%get3A_372, %get3A_373] : memref<1x384xf32, #tpu.memory_space<vmem>>, vector<1x384xf32>
    %get3A_375 = vector.shape_cast %get3A_374 : vector<1x384xf32> to vector<384xf32>
    %broadcast_in_dim3A_376 = vector.shape_cast %get3A_375 : vector<384xf32> to vector<1x384xf32>
    %broadcast_in_dim3A_377 = vector.shape_cast %broadcast_in_dim3A_376 : vector<1x384xf32> to vector<1x1x384xf32>
    %add3A_378 = vector.broadcast %broadcast_in_dim3A_377 : vector<1x1x384xf32> to vector<16x16x384xf32>
    %add3A_379 = arith.addf %add3A_371, %add3A_378 : vector<16x16x384xf32>
    %reshape3A = vector.shape_cast %add3A_379 : vector<16x16x384xf32> to vector<256x384xf32>
    %get3A_380 = arith.constant 0 : index
    %get3A_381 = arith.constant 0 : index
    %get3A_382 = vector.load %arg7[%get3A_380, %get3A_381] : memref<384x384xf32, #tpu.memory_space<vmem>>, vector<384x384xf32>
    %dot_general3A = arith.constant dense<0.000000e+00> : vector<256x384xf32>
    %dot_general3A_383 = tpu.matmul %reshape3A, %get3A_382, %dot_general3A {dimension_numbers = #tpu.dot_dimension_numbers<[1], [0], [0], [1], [0, 0, 1, 1], [], []>, precision = #tpu.contract_precision<fp32>, transpose_lhs_hint = false} : vector<256x384xf32>, vector<384x384xf32>, vector<256x384xf32> -> vector<256x384xf32>
    %get3A_384 = arith.constant 0 : index
    %get3A_385 = arith.constant 0 : index
    %get3A_386 = vector.load %arg8[%get3A_384, %get3A_385] : memref<1x384xf32, #tpu.memory_space<vmem>>, vector<1x384xf32>
    %get3A_387 = vector.shape_cast %get3A_386 : vector<1x384xf32> to vector<384xf32>
    %broadcast_in_dim3A_388 = vector.shape_cast %get3A_387 : vector<384xf32> to vector<1x384xf32>
    %add3A_389 = vector.broadcast %broadcast_in_dim3A_388 : vector<1x384xf32> to vector<256x384xf32>
    %add3A_390 = arith.addf %dot_general3A_383, %add3A_389 : vector<256x384xf32>
    %get3A_391 = arith.constant 0 : index
    %get3A_392 = arith.constant 0 : index
    %get3A_393 = arith.constant 0 : index
    %get3A_394 = vector.load %arg9[%get3A_391, %get3A_392, %get3A_393] : memref<1x256x384xf32, #tpu.memory_space<vmem>>, vector<1x256x384xf32>
    %get3A_395 = vector.shape_cast %get3A_394 : vector<1x256x384xf32> to vector<256x384xf32>
    %add3A_396 = arith.addf %add3A_390, %get3A_395 : vector<256x384xf32>
    %reduce_sum3A = arith.constant dense<0.000000e+00> : vector<256xf32>
    %reduce_sum3A_397 = vector.multi_reduction <add>, %add3A_396, %reduce_sum3A [1] : vector<256x384xf32> to vector<256xf32>
    %broadcast_in_dim3A_398 = vector.shape_cast %reduce_sum3A_397 : vector<256xf32> to vector<256x1xf32>
    %div3A = arith.constant 3.840000e+02 : f32
    %div3A_399 = vector.broadcast %div3A : f32 to vector<256x1xf32>
    %div3A_400 = arith.divf %broadcast_in_dim3A_398, %div3A_399 : vector<256x1xf32>
    %sub3A = vector.broadcast %div3A_400 : vector<256x1xf32> to vector<256x384xf32>
    %sub3A_401 = arith.subf %add3A_396, %sub3A : vector<256x384xf32>
    %integer_pow3A = arith.mulf %sub3A_401, %sub3A_401 : vector<256x384xf32>
    %reduce_sum3A_402 = arith.constant dense<0.000000e+00> : vector<256xf32>
    %reduce_sum3A_403 = vector.multi_reduction <add>, %integer_pow3A, %reduce_sum3A_402 [1] : vector<256x384xf32> to vector<256xf32>
    %broadcast_in_dim3A_404 = vector.shape_cast %reduce_sum3A_403 : vector<256xf32> to vector<256x1xf32>
    %div3A_405 = arith.constant 3.840000e+02 : f32
    %div3A_406 = vector.broadcast %div3A_405 : f32 to vector<256x1xf32>
    %div3A_407 = arith.divf %broadcast_in_dim3A_404, %div3A_406 : vector<256x1xf32>
    %sub3A_408 = vector.broadcast %div3A_400 : vector<256x1xf32> to vector<256x384xf32>
    %sub3A_409 = arith.subf %add3A_396, %sub3A_408 : vector<256x384xf32>
    %add3A_410 = arith.constant 9.99999974E-6 : f32
    %add3A_411 = vector.broadcast %add3A_410 : f32 to vector<256x1xf32>
    %add3A_412 = arith.addf %div3A_407, %add3A_411 : vector<256x1xf32>
    %sqrt3A = math.sqrt %add3A_412 : vector<256x1xf32>
    %div3A_413 = vector.broadcast %sqrt3A : vector<256x1xf32> to vector<256x384xf32>
    %div3A_414 = arith.divf %sub3A_409, %div3A_413 : vector<256x384xf32>
    %get3A_415 = arith.constant 0 : index
    %get3A_416 = arith.constant 0 : index
    %get3A_417 = vector.load %arg10[%get3A_415, %get3A_416] : memref<1x384xf32, #tpu.memory_space<vmem>>, vector<1x384xf32>
    %get3A_418 = vector.shape_cast %get3A_417 : vector<1x384xf32> to vector<384xf32>
    %broadcast_in_dim3A_419 = vector.shape_cast %get3A_418 : vector<384xf32> to vector<1x384xf32>
    %mul3A_420 = vector.broadcast %broadcast_in_dim3A_419 : vector<1x384xf32> to vector<256x384xf32>
    %mul3A_421 = arith.mulf %div3A_414, %mul3A_420 : vector<256x384xf32>
    %get3A_422 = arith.constant 0 : index
    %get3A_423 = arith.constant 0 : index
    %get3A_424 = vector.load %arg11[%get3A_422, %get3A_423] : memref<1x384xf32, #tpu.memory_space<vmem>>, vector<1x384xf32>
    %get3A_425 = vector.shape_cast %get3A_424 : vector<1x384xf32> to vector<384xf32>
    %broadcast_in_dim3A_426 = vector.shape_cast %get3A_425 : vector<384xf32> to vector<1x384xf32>
    %add3A_427 = vector.broadcast %broadcast_in_dim3A_426 : vector<1x384xf32> to vector<256x384xf32>
    %add3A_428 = arith.addf %mul3A_421, %add3A_427 : vector<256x384xf32>
    %swap3A = arith.constant 0 : index
    %swap3A_429 = arith.constant 0 : index
    %swap3A_430 = arith.constant 0 : index
    %swap3A_431 = vector.load %arg12[%swap3A, %swap3A_429, %swap3A_430] : memref<1x256x384xf32, #tpu.memory_space<vmem>>, vector<1x256x384xf32>
    %swap3A_432 = vector.shape_cast %swap3A_431 : vector<1x256x384xf32> to vector<256x384xf32>
    %swap3A_433 = vector.shape_cast %add3A_428 : vector<256x384xf32> to vector<1x256x384xf32>
    tpu.vector_store %arg12[%swap3A, %swap3A_429, %swap3A_430], %swap3A_433 {strides = array<i32>} : memref<1x256x384xf32, #tpu.memory_space<vmem>>, vector<1x256x384xf32>,
    return
  }
  func.func @transform_0(%arg0: i32) -> (i32, i32, i32, i32) {
    %c0_i32 = arith.constant 0 : i32
    %c0_i32_0 = arith.constant 0 : i32
    %c0_i32_1 = arith.constant 0 : i32
    %c0_i32_2 = arith.constant 0 : i32
    return %arg0, %c0_i32, %c0_i32_0, %c0_i32_1 : i32, i32, i32, i32
  }
  func.func @transform_1(%arg0: i32) -> (i32, i32, i32, i32) {
    %c0_i32 = arith.constant 0 : i32
    %c0_i32_0 = arith.constant 0 : i32
    %c0_i32_1 = arith.constant 0 : i32
    %c0_i32_2 = arith.constant 0 : i32
    return %arg0, %c0_i32, %c0_i32_0, %c0_i32_1 : i32, i32, i32, i32
  }
  func.func @transform_2(%arg0: i32) -> (i32, i32, i32, i32) {
    %c0_i32 = arith.constant 0 : i32
    %c0_i32_0 = arith.constant 0 : i32
    %c0_i32_1 = arith.constant 0 : i32
    %c0_i32_2 = arith.constant 0 : i32
    return %arg0, %c0_i32, %c0_i32_0, %c0_i32_1 : i32, i32, i32, i32
  }
  func.func @transform_3(%arg0: i32) -> (i32, i32, i32, i32) {
    %c0_i32 = arith.constant 0 : i32
    %c0_i32_0 = arith.constant 0 : i32
    %c0_i32_1 = arith.constant 0 : i32
    %c0_i32_2 = arith.constant 0 : i32
    return %arg0, %c0_i32, %c0_i32_0, %c0_i32_1 : i32, i32, i32, i32
  }
  func.func @transform_4(%arg0: i32) -> (i32, i32) {
    %c0_i32 = arith.constant 0 : i32
    %c0_i32_0 = arith.constant 0 : i32
    %c0_i32_1 = arith.constant 0 : i32
    return %c0_i32, %c0_i32_0 : i32, i32
  }
  func.func @transform_5(%arg0: i32) -> (i32, i32) {
    %c0_i32 = arith.constant 0 : i32
    %c0_i32_0 = arith.constant 0 : i32
    %c0_i32_1 = arith.constant 0 : i32
    return %c0_i32, %c0_i32_0 : i32, i32
  }
  func.func @transform_6(%arg0: i32) -> (i32, i32) {
    %c0_i32 = arith.constant 0 : i32
    %c0_i32_0 = arith.constant 0 : i32
    %c0_i32_1 = arith.constant 0 : i32
    return %c0_i32, %c0_i32_0 : i32, i32
  }
  func.func @transform_7(%arg0: i32) -> (i32, i32) {
    %c0_i32 = arith.constant 0 : i32
    %c0_i32_0 = arith.constant 0 : i32
    %c0_i32_1 = arith.constant 0 : i32
    return %c0_i32, %c0_i32_0 : i32, i32
  }
  func.func @transform_8(%arg0: i32) -> (i32, i32, i32) {
    %c0_i32 = arith.constant 0 : i32
    %c0_i32_0 = arith.constant 0 : i32
    %c0_i32_1 = arith.constant 0 : i32
    return %arg0, %c0_i32, %c0_i32_0 : i32, i32, i32
  }
  func.func @transform_9(%arg0: i32) -> (i32, i32) {
    %c0_i32 = arith.constant 0 : i32
    %c0_i32_0 = arith.constant 0 : i32
    %c0_i32_1 = arith.constant 0 : i32
    return %c0_i32, %c0_i32_0 : i32, i32
  }
  func.func @transform_10(%arg0: i32) -> (i32, i32) {
    %c0_i32 = arith.constant 0 : i32
    %c0_i32_0 = arith.constant 0 : i32
    %c0_i32_1 = arith.constant 0 : i32
    return %c0_i32, %c0_i32_0 : i32, i32
  }
  func.func @transform_11(%arg0: i32) -> (i32, i32, i32) {
    %c0_i32 = arith.constant 0 : i32
    %c0_i32_0 = arith.constant 0 : i32
    %c0_i32_1 = arith.constant 0 : i32
    return %arg0, %c0_i32, %c0_i32_0 : i32, i32, i32
  }
}

module attributes {stable_mosaic.version = 14 : i64} {
  func.func @_knn_kernel(%arg0: i32, %arg1: memref<1x1024x384xf32, #tpu.memory_space<vmem>>, %arg2: memref<1x1024x1xf32, #tpu.memory_space<vmem>>, %arg3: memref<1x1x1024xf32, #tpu.memory_space<vmem>>, %arg4: memref<1x1024x1024xf32, #tpu.memory_space<vmem>>, %arg5: memref<1x1024x5xf32, #tpu.memory_space<vmem>>, %arg6: memref<1x1x1xf32, #tpu.memory_space<vmem>>) attributes {dimension_semantics = [#tpu.dimension_semantics<arbitrary>], iteration_bounds = array<i64: 16>, scalar_prefetch = 0 : i64, scratch_operands = 0 : i64, tpu.core_type = #tpu.core_type<tc>, window_params = [{transform_indices = @transform_0, window_bounds = array<i64: 1, 1024, 384>}, {transform_indices = @transform_1, window_bounds = array<i64: 1, 1024, 1>}, {transform_indices = @transform_2, window_bounds = array<i64: 1, 1, 1024>}, {transform_indices = @transform_3, window_bounds = array<i64: 1, 1024, 1024>}, {transform_indices = @transform_4, window_bounds = array<i64: 1, 1024, 5>}, {transform_indices = @transform_5, window_bounds = array<i64: 1, 1, 1>}]} {
    %broadcast_in_dim3A = arith.constant 0xFF800000 : f32
    %broadcast_in_dim3A_0 = vector.broadcast %broadcast_in_dim3A : f32 to vector<1x1xf32>
    %scan3A = arith.constant 0 : i32
    %scan3A_1 = arith.constant 8 : i32
    %scan3A_2 = arith.addi %scan3A, %scan3A_1 : i32
    %scan3A_3 = arith.constant 1 : i32
    %scan3A_4 = scf.for %scan3A_11 = %scan3A to %scan3A_2 step %scan3A_3 iter_args(%scan3A_12 = %broadcast_in_dim3A_0) -> (vector<1x1xf32>)  : i32 {
      %mul3A = arith.constant 128 : i32
      %mul3A_13 = arith.muli %scan3A_11, %mul3A : i32
      %get3A = arith.constant 0 : index
      %get3A_14 = arith.index_cast %mul3A_13 : i32 to index
      %get3A_15 = arith.constant 0 : index
      %get3A_16 = vector.load %arg1[%get3A, %get3A_14, %get3A_15] : memref<1x1024x384xf32, #tpu.memory_space<vmem>>, vector<1x128x384xf32>
      %get3A_17 = vector.shape_cast %get3A_16 : vector<1x128x384xf32> to vector<128x384xf32>
      %get3A_18 = arith.constant 0 : index
      %get3A_19 = arith.constant 0 : index
      %get3A_20 = arith.constant 0 : index
      %get3A_21 = vector.load %arg1[%get3A_18, %get3A_19, %get3A_20] : memref<1x1024x384xf32, #tpu.memory_space<vmem>>, vector<1x1024x384xf32>
      %get3A_22 = vector.shape_cast %get3A_21 : vector<1x1024x384xf32> to vector<1024x384xf32>
      %dot_general3A = arith.constant dense<0.000000e+00> : vector<128x1024xf32>
      %dot_general3A_23 = tpu.matmul %get3A_17, %get3A_22, %dot_general3A {dimension_numbers = #tpu.dot_dimension_numbers<[1], [1], [0], [0], [0, 0, 1, 0], [], []>, transpose_lhs_hint = false} : vector<128x384xf32>, vector<1024x384xf32>, vector<128x1024xf32> -> vector<128x1024xf32>
      %mul3A_24 = arith.constant 128 : i32
      %mul3A_25 = arith.muli %scan3A_11, %mul3A_24 : i32
      %get3A_26 = arith.constant 0 : index
      %get3A_27 = arith.index_cast %mul3A_25 : i32 to index
      %get3A_28 = arith.constant 0 : index
      %get3A_29 = vector.load %arg2[%get3A_26, %get3A_27, %get3A_28] : memref<1x1024x1xf32, #tpu.memory_space<vmem>>, vector<1x128x1xf32>
      %get3A_30 = vector.shape_cast %get3A_29 : vector<1x128x1xf32> to vector<128x1xf32>
      %get3A_31 = arith.constant 0 : index
      %get3A_32 = arith.constant 0 : index
      %get3A_33 = arith.constant 0 : index
      %get3A_34 = vector.load %arg3[%get3A_31, %get3A_32, %get3A_33] : memref<1x1x1024xf32, #tpu.memory_space<vmem>>, vector<1x1x1024xf32>
      %get3A_35 = vector.shape_cast %get3A_34 : vector<1x1x1024xf32> to vector<1x1024xf32>
      %add3A = vector.broadcast %get3A_30 : vector<128x1xf32> to vector<128x1024xf32>
      %add3A_36 = vector.broadcast %get3A_35 : vector<1x1024xf32> to vector<128x1024xf32>
      %add3A_37 = arith.addf %add3A, %add3A_36 : vector<128x1024xf32>
      %mul3A_38 = arith.constant 2.000000e+00 : f32
      %mul3A_39 = vector.broadcast %mul3A_38 : f32 to vector<128x1024xf32>
      %mul3A_40 = arith.mulf %mul3A_39, %dot_general3A_23 : vector<128x1024xf32>
      %sub3A = arith.subf %add3A_37, %mul3A_40 : vector<128x1024xf32>
      %max3A = arith.constant 0.000000e+00 : f32
      %max3A_41 = vector.broadcast %max3A : f32 to vector<128x1024xf32>
      %max3A_42 = arith.maximumf %sub3A, %max3A_41 : vector<128x1024xf32>
      %sqrt3A = math.sqrt %max3A_42 : vector<128x1024xf32>
      %div3A = arith.constant 19.5959187 : f32
      %div3A_43 = vector.broadcast %div3A : f32 to vector<128x1024xf32>
      %div3A_44 = arith.divf %sqrt3A, %div3A_43 : vector<128x1024xf32>
      %mul3A_45 = arith.constant 128 : i32
      %mul3A_46 = arith.muli %scan3A_11, %mul3A_45 : i32
      %swap3A_47 = arith.constant 0 : index
      %swap3A_48 = arith.index_cast %mul3A_46 : i32 to index
      %swap3A_49 = arith.constant 0 : index
      %swap3A_50 = vector.load %arg4[%swap3A_47, %swap3A_48, %swap3A_49] : memref<1x1024x1024xf32, #tpu.memory_space<vmem>>, vector<1x128x1024xf32>
      %swap3A_51 = vector.shape_cast %swap3A_50 : vector<1x128x1024xf32> to vector<128x1024xf32>
      %swap3A_52 = vector.shape_cast %div3A_44 : vector<128x1024xf32> to vector<1x128x1024xf32>
      tpu.vector_store %arg4[%swap3A_47, %swap3A_48, %swap3A_49], %swap3A_52 {strides = array<i32>} : memref<1x1024x1024xf32, #tpu.memory_space<vmem>>, vector<1x128x1024xf32>,
      %iota3A = tpu.iota {dimensions = array<i32: 1>} : vector<128x1024xi32>
      %reduce_min3A = arith.constant dense<0x7F800000> : vector<128xf32>
      %reduce_min3A_53 = vector.multi_reduction <minimumf>, %div3A_44, %reduce_min3A [1] : vector<128x1024xf32> to vector<128xf32>
      %broadcast_in_dim3A_54 = vector.shape_cast %reduce_min3A_53 : vector<128xf32> to vector<128x1xf32>
      %eq3A = vector.broadcast %broadcast_in_dim3A_54 : vector<128x1xf32> to vector<128x1024xf32>
      %eq3A_55 = arith.cmpf oeq, %div3A_44, %eq3A : vector<128x1024xf32>
      %jit3A = arith.constant 1024 : i32
      %broadcast_in_dim3A_56 = vector.broadcast %jit3A : i32 to vector<128x1024xi32>
      %select_n3A = arith.select %eq3A_55, %iota3A, %broadcast_in_dim3A_56 : vector<128x1024xi1>, vector<128x1024xi32>
      %reduce_min3A_57 = arith.constant dense<2147483647> : vector<128xi32>
      %reduce_min3A_58 = vector.multi_reduction <minsi>, %select_n3A, %reduce_min3A_57 [1] : vector<128x1024xi32> to vector<128xi32>
      %broadcast_in_dim3A_59 = vector.shape_cast %reduce_min3A_58 : vector<128xi32> to vector<128x1xi32>
      %eq3A_60 = vector.broadcast %broadcast_in_dim3A_59 : vector<128x1xi32> to vector<128x1024xi32>
      %eq3A_61 = arith.cmpi eq, %iota3A, %eq3A_60 : vector<128x1024xi32>
      %jit3A_62 = arith.constant 0x7F800000 : f32
      %broadcast_in_dim3A_63 = vector.broadcast %jit3A_62 : f32 to vector<128x1024xf32>
      %select_n3A_64 = arith.select %eq3A_61, %broadcast_in_dim3A_63, %div3A_44 : vector<128x1024xi1>, vector<128x1024xf32>
      %reduce_min3A_65 = arith.constant dense<0x7F800000> : vector<128xf32>
      %reduce_min3A_66 = vector.multi_reduction <minimumf>, %select_n3A_64, %reduce_min3A_65 [1] : vector<128x1024xf32> to vector<128xf32>
      %broadcast_in_dim3A_67 = vector.shape_cast %reduce_min3A_66 : vector<128xf32> to vector<128x1xf32>
      %eq3A_68 = vector.broadcast %broadcast_in_dim3A_67 : vector<128x1xf32> to vector<128x1024xf32>
      %eq3A_69 = arith.cmpf oeq, %select_n3A_64, %eq3A_68 : vector<128x1024xf32>
      %jit3A_70 = arith.constant 1024 : i32
      %broadcast_in_dim3A_71 = vector.broadcast %jit3A_70 : i32 to vector<128x1024xi32>
      %select_n3A_72 = arith.select %eq3A_69, %iota3A, %broadcast_in_dim3A_71 : vector<128x1024xi1>, vector<128x1024xi32>
      %reduce_min3A_73 = arith.constant dense<2147483647> : vector<128xi32>
      %reduce_min3A_74 = vector.multi_reduction <minsi>, %select_n3A_72, %reduce_min3A_73 [1] : vector<128x1024xi32> to vector<128xi32>
      %broadcast_in_dim3A_75 = vector.shape_cast %reduce_min3A_74 : vector<128xi32> to vector<128x1xi32>
      %eq3A_76 = vector.broadcast %broadcast_in_dim3A_75 : vector<128x1xi32> to vector<128x1024xi32>
      %eq3A_77 = arith.cmpi eq, %iota3A, %eq3A_76 : vector<128x1024xi32>
      %jit3A_78 = arith.constant 0x7F800000 : f32
      %broadcast_in_dim3A_79 = vector.broadcast %jit3A_78 : f32 to vector<128x1024xf32>
      %select_n3A_80 = arith.select %eq3A_77, %broadcast_in_dim3A_79, %select_n3A_64 : vector<128x1024xi1>, vector<128x1024xf32>
      %reduce_min3A_81 = arith.constant dense<0x7F800000> : vector<128xf32>
      %reduce_min3A_82 = vector.multi_reduction <minimumf>, %select_n3A_80, %reduce_min3A_81 [1] : vector<128x1024xf32> to vector<128xf32>
      %broadcast_in_dim3A_83 = vector.shape_cast %reduce_min3A_82 : vector<128xf32> to vector<128x1xf32>
      %eq3A_84 = vector.broadcast %broadcast_in_dim3A_83 : vector<128x1xf32> to vector<128x1024xf32>
      %eq3A_85 = arith.cmpf oeq, %select_n3A_80, %eq3A_84 : vector<128x1024xf32>
      %jit3A_86 = arith.constant 1024 : i32
      %broadcast_in_dim3A_87 = vector.broadcast %jit3A_86 : i32 to vector<128x1024xi32>
      %select_n3A_88 = arith.select %eq3A_85, %iota3A, %broadcast_in_dim3A_87 : vector<128x1024xi1>, vector<128x1024xi32>
      %reduce_min3A_89 = arith.constant dense<2147483647> : vector<128xi32>
      %reduce_min3A_90 = vector.multi_reduction <minsi>, %select_n3A_88, %reduce_min3A_89 [1] : vector<128x1024xi32> to vector<128xi32>
      %broadcast_in_dim3A_91 = vector.shape_cast %reduce_min3A_90 : vector<128xi32> to vector<128x1xi32>
      %eq3A_92 = vector.broadcast %broadcast_in_dim3A_91 : vector<128x1xi32> to vector<128x1024xi32>
      %eq3A_93 = arith.cmpi eq, %iota3A, %eq3A_92 : vector<128x1024xi32>
      %jit3A_94 = arith.constant 0x7F800000 : f32
      %broadcast_in_dim3A_95 = vector.broadcast %jit3A_94 : f32 to vector<128x1024xf32>
      %select_n3A_96 = arith.select %eq3A_93, %broadcast_in_dim3A_95, %select_n3A_80 : vector<128x1024xi1>, vector<128x1024xf32>
      %reduce_min3A_97 = arith.constant dense<0x7F800000> : vector<128xf32>
      %reduce_min3A_98 = vector.multi_reduction <minimumf>, %select_n3A_96, %reduce_min3A_97 [1] : vector<128x1024xf32> to vector<128xf32>
      %broadcast_in_dim3A_99 = vector.shape_cast %reduce_min3A_98 : vector<128xf32> to vector<128x1xf32>
      %eq3A_100 = vector.broadcast %broadcast_in_dim3A_99 : vector<128x1xf32> to vector<128x1024xf32>
      %eq3A_101 = arith.cmpf oeq, %select_n3A_96, %eq3A_100 : vector<128x1024xf32>
      %jit3A_102 = arith.constant 1024 : i32
      %broadcast_in_dim3A_103 = vector.broadcast %jit3A_102 : i32 to vector<128x1024xi32>
      %select_n3A_104 = arith.select %eq3A_101, %iota3A, %broadcast_in_dim3A_103 : vector<128x1024xi1>, vector<128x1024xi32>
      %reduce_min3A_105 = arith.constant dense<2147483647> : vector<128xi32>
      %reduce_min3A_106 = vector.multi_reduction <minsi>, %select_n3A_104, %reduce_min3A_105 [1] : vector<128x1024xi32> to vector<128xi32>
      %broadcast_in_dim3A_107 = vector.shape_cast %reduce_min3A_106 : vector<128xi32> to vector<128x1xi32>
      %eq3A_108 = vector.broadcast %broadcast_in_dim3A_107 : vector<128x1xi32> to vector<128x1024xi32>
      %eq3A_109 = arith.cmpi eq, %iota3A, %eq3A_108 : vector<128x1024xi32>
      %jit3A_110 = arith.constant 0x7F800000 : f32
      %broadcast_in_dim3A_111 = vector.broadcast %jit3A_110 : f32 to vector<128x1024xf32>
      %select_n3A_112 = arith.select %eq3A_109, %broadcast_in_dim3A_111, %select_n3A_96 : vector<128x1024xi1>, vector<128x1024xf32>
      %reduce_min3A_113 = arith.constant dense<0x7F800000> : vector<128xf32>
      %reduce_min3A_114 = vector.multi_reduction <minimumf>, %select_n3A_112, %reduce_min3A_113 [1] : vector<128x1024xf32> to vector<128xf32>
      %broadcast_in_dim3A_115 = vector.shape_cast %reduce_min3A_114 : vector<128xf32> to vector<128x1xf32>
      %concatenate3A = tpu.concatenate %broadcast_in_dim3A_54, %broadcast_in_dim3A_67, %broadcast_in_dim3A_83, %broadcast_in_dim3A_99, %broadcast_in_dim3A_115 in 1 : vector<128x1xf32>, vector<128x1xf32>, vector<128x1xf32>, vector<128x1xf32>, vector<128x1xf32> -> vector<128x5xf32>
      %mul3A_116 = arith.constant 128 : i32
      %mul3A_117 = arith.muli %scan3A_11, %mul3A_116 : i32
      %swap3A_118 = arith.constant 0 : index
      %swap3A_119 = arith.index_cast %mul3A_117 : i32 to index
      %swap3A_120 = arith.constant 0 : index
      %swap3A_121 = vector.load %arg5[%swap3A_118, %swap3A_119, %swap3A_120] : memref<1x1024x5xf32, #tpu.memory_space<vmem>>, vector<1x128x5xf32>
      %swap3A_122 = vector.shape_cast %swap3A_121 : vector<1x128x5xf32> to vector<128x5xf32>
      %swap3A_123 = vector.shape_cast %concatenate3A : vector<128x5xf32> to vector<1x128x5xf32>
      tpu.vector_store %arg5[%swap3A_118, %swap3A_119, %swap3A_120], %swap3A_123 {strides = array<i32>} : memref<1x1024x5xf32, #tpu.memory_space<vmem>>, vector<1x128x5xf32>,
      %reduce_max3A = vector.shape_cast %div3A_44 : vector<128x1024xf32> to vector<1x128x1024xf32>
      %reduce_max3A_124 = arith.constant dense<0xFF800000> : vector<1xf32>
      %reduce_max3A_125 = vector.multi_reduction <maximumf>, %reduce_max3A, %reduce_max3A_124 [1, 2] : vector<1x128x1024xf32> to vector<1xf32>
      %reduce_max3A_126 = vector.shape_cast %reduce_max3A_125 : vector<1xf32> to vector<1x1x1xf32>
      %reduce_max3A_127 = vector.extract %reduce_max3A_126[0, 0, 0] : f32 from vector<1x1x1xf32>
      %broadcast_in_dim3A_128 = vector.broadcast %reduce_max3A_127 : f32 to vector<1x1xf32>
      %max3A_129 = arith.maximumf %scan3A_12, %broadcast_in_dim3A_128 : vector<1x1xf32>
      scf.yield %max3A_129 : vector<1x1xf32>
    }
    %scan3A_5 = arith.constant 8 : i32
    %swap3A = arith.constant 0 : index
    %swap3A_6 = arith.constant 0 : index
    %swap3A_7 = arith.constant 0 : index
    %swap3A_8 = vector.load %arg6[%swap3A, %swap3A_6, %swap3A_7] : memref<1x1x1xf32, #tpu.memory_space<vmem>>, vector<1x1x1xf32>
    %swap3A_9 = vector.shape_cast %swap3A_8 : vector<1x1x1xf32> to vector<1x1xf32>
    %swap3A_10 = vector.shape_cast %scan3A_4 : vector<1x1xf32> to vector<1x1x1xf32>
    tpu.vector_store %arg6[%swap3A, %swap3A_6, %swap3A_7], %swap3A_10 {strides = array<i32>} : memref<1x1x1xf32, #tpu.memory_space<vmem>>, vector<1x1x1xf32>,
    return
  }
  func.func @transform_0(%arg0: i32) -> (i32, i32, i32) {
    %c0_i32 = arith.constant 0 : i32
    %c0_i32_0 = arith.constant 0 : i32
    %c0_i32_1 = arith.constant 0 : i32
    return %arg0, %c0_i32, %c0_i32_0 : i32, i32, i32
  }
  func.func @transform_1(%arg0: i32) -> (i32, i32, i32) {
    %c0_i32 = arith.constant 0 : i32
    %c0_i32_0 = arith.constant 0 : i32
    %c0_i32_1 = arith.constant 0 : i32
    return %arg0, %c0_i32, %c0_i32_0 : i32, i32, i32
  }
  func.func @transform_2(%arg0: i32) -> (i32, i32, i32) {
    %c0_i32 = arith.constant 0 : i32
    %c0_i32_0 = arith.constant 0 : i32
    %c0_i32_1 = arith.constant 0 : i32
    return %arg0, %c0_i32, %c0_i32_0 : i32, i32, i32
  }
  func.func @transform_3(%arg0: i32) -> (i32, i32, i32) {
    %c0_i32 = arith.constant 0 : i32
    %c0_i32_0 = arith.constant 0 : i32
    %c0_i32_1 = arith.constant 0 : i32
    return %arg0, %c0_i32, %c0_i32_0 : i32, i32, i32
  }
  func.func @transform_4(%arg0: i32) -> (i32, i32, i32) {
    %c0_i32 = arith.constant 0 : i32
    %c0_i32_0 = arith.constant 0 : i32
    %c0_i32_1 = arith.constant 0 : i32
    return %arg0, %c0_i32, %c0_i32_0 : i32, i32, i32
  }
  func.func @transform_5(%arg0: i32) -> (i32, i32, i32) {
    %c0_i32 = arith.constant 0 : i32
    %c0_i32_0 = arith.constant 0 : i32
    %c0_i32_1 = arith.constant 0 : i32
    return %arg0, %c0_i32, %c0_i32_0 : i32, i32, i32
  }
}

module attributes {stable_mosaic.version = 14 : i64} {
  func.func @_score_kernel(%arg0: i32, %arg1: i32, %arg2: memref<1x128x1024xf32, #tpu.memory_space<vmem>>, %arg3: memref<1x128x1xf32, #tpu.memory_space<vmem>>, %arg4: memref<1x1x1024xf32, #tpu.memory_space<vmem>>, %arg5: memref<1x1x1xf32, #tpu.memory_space<vmem>>, %arg6: memref<1x128x1xf32, #tpu.memory_space<vmem>>) attributes {dimension_semantics = [#tpu.dimension_semantics<arbitrary>, #tpu.dimension_semantics<arbitrary>], iteration_bounds = array<i64: 16, 8>, scalar_prefetch = 0 : i64, scratch_operands = 0 : i64, tpu.core_type = #tpu.core_type<tc>, window_params = [{transform_indices = @transform_0, window_bounds = array<i64: 1, 128, 1024>}, {transform_indices = @transform_1, window_bounds = array<i64: 1, 128, 1>}, {transform_indices = @transform_2, window_bounds = array<i64: 1, 1, 1024>}, {transform_indices = @transform_3, window_bounds = array<i64: 1, 1, 1>}, {transform_indices = @transform_4, window_bounds = array<i64: 1, 128, 1>}]} {
    %get3A = arith.constant 0 : index
    %get3A_0 = arith.constant 0 : index
    %get3A_1 = arith.constant 0 : index
    %get3A_2 = vector.load %arg2[%get3A, %get3A_0, %get3A_1] : memref<1x128x1024xf32, #tpu.memory_space<vmem>>, vector<1x128x1024xf32>
    %get3A_3 = vector.shape_cast %get3A_2 : vector<1x128x1024xf32> to vector<128x1024xf32>
    %get3A_4 = arith.constant 0 : index
    %get3A_5 = arith.constant 0 : index
    %get3A_6 = arith.constant 0 : index
    %get3A_7 = vector.load %arg3[%get3A_4, %get3A_5, %get3A_6] : memref<1x128x1xf32, #tpu.memory_space<vmem>>, vector<1x128x1xf32>
    %get3A_8 = vector.shape_cast %get3A_7 : vector<1x128x1xf32> to vector<128x1xf32>
    %get3A_9 = arith.constant 0 : index
    %get3A_10 = arith.constant 0 : index
    %get3A_11 = arith.constant 0 : index
    %get3A_12 = vector.load %arg4[%get3A_9, %get3A_10, %get3A_11] : memref<1x1x1024xf32, #tpu.memory_space<vmem>>, vector<1x1x1024xf32>
    %get3A_13 = vector.shape_cast %get3A_12 : vector<1x1x1024xf32> to vector<1x1024xf32>
    %gt3A = vector.broadcast %get3A_13 : vector<1x1024xf32> to vector<128x1024xf32>
    %gt3A_14 = vector.broadcast %get3A_8 : vector<128x1xf32> to vector<128x1024xf32>
    %gt3A_15 = arith.cmpf ogt, %gt3A, %gt3A_14 : vector<128x1024xf32>
    %get3A_16 = arith.constant 0 : index
    %get3A_17 = arith.constant 0 : index
    %get3A_18 = arith.constant 0 : index
    %get3A_19 = vector.load %arg5[%get3A_16, %get3A_17, %get3A_18] : memref<1x1x1xf32, #tpu.memory_space<vmem>>, vector<1x1x1xf32>
    %get3A_20 = vector.shape_cast %get3A_19 : vector<1x1x1xf32> to vector<1x1xf32>
    %broadcast_in_dim3A = vector.shape_cast %get3A_20 : vector<1x1xf32> to vector<1x1xf32>
    %broadcast_in_dim3A_21 = vector.broadcast %broadcast_in_dim3A : vector<1x1xf32> to vector<128x1024xf32>
    %select_n3A = arith.select %gt3A_15, %get3A_3, %broadcast_in_dim3A_21 : vector<128x1024xi1>, vector<128x1024xf32>
    %reduce_min3A = arith.constant dense<0x7F800000> : vector<128xf32>
    %reduce_min3A_22 = vector.multi_reduction <minimumf>, %select_n3A, %reduce_min3A [1] : vector<128x1024xf32> to vector<128xf32>
    %broadcast_in_dim3A_23 = vector.shape_cast %reduce_min3A_22 : vector<128xf32> to vector<128x1xf32>
    %mul3A = arith.mulf %broadcast_in_dim3A_23, %get3A_8 : vector<128x1xf32>
    %swap3A = arith.constant 0 : index
    %swap3A_24 = arith.constant 0 : index
    %swap3A_25 = arith.constant 0 : index
    %swap3A_26 = vector.load %arg6[%swap3A, %swap3A_24, %swap3A_25] : memref<1x128x1xf32, #tpu.memory_space<vmem>>, vector<1x128x1xf32>
    %swap3A_27 = vector.shape_cast %swap3A_26 : vector<1x128x1xf32> to vector<128x1xf32>
    %swap3A_28 = vector.shape_cast %mul3A : vector<128x1xf32> to vector<1x128x1xf32>
    tpu.vector_store %arg6[%swap3A, %swap3A_24, %swap3A_25], %swap3A_28 {strides = array<i32>} : memref<1x128x1xf32, #tpu.memory_space<vmem>>, vector<1x128x1xf32>,
    return
  }
  func.func @transform_0(%arg0: i32, %arg1: i32) -> (i32, i32, i32) {
    %c0_i32 = arith.constant 0 : i32
    %c0_i32_0 = arith.constant 0 : i32
    return %arg0, %arg1, %c0_i32 : i32, i32, i32
  }
  func.func @transform_1(%arg0: i32, %arg1: i32) -> (i32, i32, i32) {
    %c0_i32 = arith.constant 0 : i32
    %c0_i32_0 = arith.constant 0 : i32
    return %arg0, %arg1, %c0_i32 : i32, i32, i32
  }
  func.func @transform_2(%arg0: i32, %arg1: i32) -> (i32, i32, i32) {
    %c0_i32 = arith.constant 0 : i32
    %c0_i32_0 = arith.constant 0 : i32
    %c0_i32_1 = arith.constant 0 : i32
    return %arg0, %c0_i32, %c0_i32_0 : i32, i32, i32
  }
  func.func @transform_3(%arg0: i32, %arg1: i32) -> (i32, i32, i32) {
    %c0_i32 = arith.constant 0 : i32
    %c0_i32_0 = arith.constant 0 : i32
    %c0_i32_1 = arith.constant 0 : i32
    return %arg0, %c0_i32, %c0_i32_0 : i32, i32, i32
  }
  func.func @transform_4(%arg0: i32, %arg1: i32) -> (i32, i32, i32) {
    %c0_i32 = arith.constant 0 : i32
    %c0_i32_0 = arith.constant 0 : i32
    return %arg0, %arg1, %c0_i32 : i32, i32, i32
  }
}

module attributes {stable_mosaic.version = 14 : i64} {
  func.func @_rank_kernel(%arg0: i32, %arg1: i32, %arg2: memref<1x128x1xf32, #tpu.memory_space<vmem>>, %arg3: memref<1x1x1024xf32, #tpu.memory_space<vmem>>, %arg4: memref<1x128x1xf32, #tpu.memory_space<vmem>>) attributes {dimension_semantics = [#tpu.dimension_semantics<arbitrary>, #tpu.dimension_semantics<arbitrary>], iteration_bounds = array<i64: 16, 8>, scalar_prefetch = 0 : i64, scratch_operands = 0 : i64, tpu.core_type = #tpu.core_type<tc>, window_params = [{transform_indices = @transform_0, window_bounds = array<i64: 1, 128, 1>}, {transform_indices = @transform_1, window_bounds = array<i64: 1, 1, 1024>}, {transform_indices = @transform_2, window_bounds = array<i64: 1, 128, 1>}]} {
    %get3A = arith.constant 0 : index
    %get3A_0 = arith.constant 0 : index
    %get3A_1 = arith.constant 0 : index
    %get3A_2 = vector.load %arg2[%get3A, %get3A_0, %get3A_1] : memref<1x128x1xf32, #tpu.memory_space<vmem>>, vector<1x128x1xf32>
    %get3A_3 = vector.shape_cast %get3A_2 : vector<1x128x1xf32> to vector<128x1xf32>
    %get3A_4 = arith.constant 0 : index
    %get3A_5 = arith.constant 0 : index
    %get3A_6 = arith.constant 0 : index
    %get3A_7 = vector.load %arg3[%get3A_4, %get3A_5, %get3A_6] : memref<1x1x1024xf32, #tpu.memory_space<vmem>>, vector<1x1x1024xf32>
    %get3A_8 = vector.shape_cast %get3A_7 : vector<1x1x1024xf32> to vector<1x1024xf32>
    %iota3A = tpu.iota {dimensions = array<i32: 1>} : vector<128x1024xi32>
    %iota3A_9 = tpu.iota {dimensions = array<i32: 0>} : vector<128x1024xi32>
    %mul3A = arith.constant 128 : i32
    %mul3A_10 = arith.muli %arg1, %mul3A : i32
    %add3A = vector.broadcast %mul3A_10 : i32 to vector<128x1024xi32>
    %add3A_11 = arith.addi %iota3A_9, %add3A : vector<128x1024xi32>
    %gt3A = vector.broadcast %get3A_8 : vector<1x1024xf32> to vector<128x1024xf32>
    %gt3A_12 = vector.broadcast %get3A_3 : vector<128x1xf32> to vector<128x1024xf32>
    %gt3A_13 = arith.cmpf ogt, %gt3A, %gt3A_12 : vector<128x1024xf32>
    %eq3A = vector.broadcast %get3A_8 : vector<1x1024xf32> to vector<128x1024xf32>
    %eq3A_14 = vector.broadcast %get3A_3 : vector<128x1xf32> to vector<128x1024xf32>
    %eq3A_15 = arith.cmpf oeq, %eq3A, %eq3A_14 : vector<128x1024xf32>
    %lt3A = arith.cmpi slt, %iota3A, %add3A_11 : vector<128x1024xi32>
    %and3A = arith.andi %eq3A_15, %lt3A : vector<128x1024xi1>
    %or3A = arith.ori %gt3A_13, %and3A : vector<128x1024xi1>
    %convert_element_type3A = arith.extui %or3A : vector<128x1024xi1> to vector<128x1024xi32>
    %convert_element_type3A_16 = arith.sitofp %convert_element_type3A : vector<128x1024xi32> to vector<128x1024xf32>
    %reduce_sum3A = arith.constant dense<0.000000e+00> : vector<128xf32>
    %reduce_sum3A_17 = vector.multi_reduction <add>, %convert_element_type3A_16, %reduce_sum3A [1] : vector<128x1024xf32> to vector<128xf32>
    %broadcast_in_dim3A = vector.shape_cast %reduce_sum3A_17 : vector<128xf32> to vector<128x1xf32>
    %swap3A = arith.constant 0 : index
    %swap3A_18 = arith.constant 0 : index
    %swap3A_19 = arith.constant 0 : index
    %swap3A_20 = vector.load %arg4[%swap3A, %swap3A_18, %swap3A_19] : memref<1x128x1xf32, #tpu.memory_space<vmem>>, vector<1x128x1xf32>
    %swap3A_21 = vector.shape_cast %swap3A_20 : vector<1x128x1xf32> to vector<128x1xf32>
    %swap3A_22 = vector.shape_cast %broadcast_in_dim3A : vector<128x1xf32> to vector<1x128x1xf32>
    tpu.vector_store %arg4[%swap3A, %swap3A_18, %swap3A_19], %swap3A_22 {strides = array<i32>} : memref<1x128x1xf32, #tpu.memory_space<vmem>>, vector<1x128x1xf32>,
    return
  }
  func.func @transform_0(%arg0: i32, %arg1: i32) -> (i32, i32, i32) {
    %c0_i32 = arith.constant 0 : i32
    %c0_i32_0 = arith.constant 0 : i32
    return %arg0, %arg1, %c0_i32 : i32, i32, i32
  }
  func.func @transform_1(%arg0: i32, %arg1: i32) -> (i32, i32, i32) {
    %c0_i32 = arith.constant 0 : i32
    %c0_i32_0 = arith.constant 0 : i32
    %c0_i32_1 = arith.constant 0 : i32
    return %arg0, %c0_i32, %c0_i32_0 : i32, i32, i32
  }
  func.func @transform_2(%arg0: i32, %arg1: i32) -> (i32, i32, i32) {
    %c0_i32 = arith.constant 0 : i32
    %c0_i32_0 = arith.constant 0 : i32
    return %arg0, %arg1, %c0_i32 : i32, i32, i32
  }
}

module attributes {stable_mosaic.version = 14 : i64} {
  func.func @_assign_kernel(%arg0: i32, %arg1: i32, %arg2: memref<1x128x1024xf32, #tpu.memory_space<vmem>>, %arg3: memref<1x128x1xf32, #tpu.memory_space<vmem>>, %arg4: memref<1x1x1024xf32, #tpu.memory_space<vmem>>, %arg5: memref<1x128x1xf32, #tpu.memory_space<vmem>>) attributes {dimension_semantics = [#tpu.dimension_semantics<arbitrary>, #tpu.dimension_semantics<arbitrary>], iteration_bounds = array<i64: 16, 8>, scalar_prefetch = 0 : i64, scratch_operands = 0 : i64, tpu.core_type = #tpu.core_type<tc>, window_params = [{transform_indices = @transform_0, window_bounds = array<i64: 1, 128, 1024>}, {transform_indices = @transform_1, window_bounds = array<i64: 1, 128, 1>}, {transform_indices = @transform_2, window_bounds = array<i64: 1, 1, 1024>}, {transform_indices = @transform_3, window_bounds = array<i64: 1, 128, 1>}]} {
    %get3A = arith.constant 0 : index
    %get3A_0 = arith.constant 0 : index
    %get3A_1 = arith.constant 0 : index
    %get3A_2 = vector.load %arg2[%get3A, %get3A_0, %get3A_1] : memref<1x128x1024xf32, #tpu.memory_space<vmem>>, vector<1x128x1024xf32>
    %get3A_3 = vector.shape_cast %get3A_2 : vector<1x128x1024xf32> to vector<128x1024xf32>
    %get3A_4 = arith.constant 0 : index
    %get3A_5 = arith.constant 0 : index
    %get3A_6 = arith.constant 0 : index
    %get3A_7 = vector.load %arg4[%get3A_4, %get3A_5, %get3A_6] : memref<1x1x1024xf32, #tpu.memory_space<vmem>>, vector<1x1x1024xf32>
    %get3A_8 = vector.shape_cast %get3A_7 : vector<1x1x1024xf32> to vector<1x1024xf32>
    %lt3A = arith.constant 2.560000e+02 : f32
    %lt3A_9 = vector.broadcast %lt3A : f32 to vector<1x1024xf32>
    %lt3A_10 = arith.cmpf olt, %get3A_8, %lt3A_9 : vector<1x1024xf32>
    %jit3A = arith.constant 0x7F800000 : f32
    %broadcast_in_dim3A = vector.shape_cast %lt3A_10 : vector<1x1024xi1> to vector<1x1024xi1>
    %broadcast_in_dim3A_11 = vector.broadcast %broadcast_in_dim3A : vector<1x1024xi1> to vector<128x1024xi1>
    %broadcast_in_dim3A_12 = vector.broadcast %jit3A : f32 to vector<128x1024xf32>
    %select_n3A = arith.select %broadcast_in_dim3A_11, %get3A_3, %broadcast_in_dim3A_12 : vector<128x1024xi1>, vector<128x1024xf32>
    %reduce_min3A = arith.constant dense<0x7F800000> : vector<128xf32>
    %reduce_min3A_13 = vector.multi_reduction <minimumf>, %select_n3A, %reduce_min3A [1] : vector<128x1024xf32> to vector<128xf32>
    %broadcast_in_dim3A_14 = vector.shape_cast %reduce_min3A_13 : vector<128xf32> to vector<128x1xf32>
    %eq3A = vector.broadcast %broadcast_in_dim3A_14 : vector<128x1xf32> to vector<128x1024xf32>
    %eq3A_15 = arith.cmpf oeq, %select_n3A, %eq3A : vector<128x1024xf32>
    %jit3A_16 = arith.constant 1.024000e+03 : f32
    %broadcast_in_dim3A_17 = vector.shape_cast %get3A_8 : vector<1x1024xf32> to vector<1x1024xf32>
    %broadcast_in_dim3A_18 = vector.broadcast %broadcast_in_dim3A_17 : vector<1x1024xf32> to vector<128x1024xf32>
    %broadcast_in_dim3A_19 = vector.broadcast %jit3A_16 : f32 to vector<128x1024xf32>
    %select_n3A_20 = arith.select %eq3A_15, %broadcast_in_dim3A_18, %broadcast_in_dim3A_19 : vector<128x1024xi1>, vector<128x1024xf32>
    %reduce_min3A_21 = arith.constant dense<0x7F800000> : vector<128xf32>
    %reduce_min3A_22 = vector.multi_reduction <minimumf>, %select_n3A_20, %reduce_min3A_21 [1] : vector<128x1024xf32> to vector<128xf32>
    %broadcast_in_dim3A_23 = vector.shape_cast %reduce_min3A_22 : vector<128xf32> to vector<128x1xf32>
    %get3A_24 = arith.constant 0 : index
    %get3A_25 = arith.constant 0 : index
    %get3A_26 = arith.constant 0 : index
    %get3A_27 = vector.load %arg3[%get3A_24, %get3A_25, %get3A_26] : memref<1x128x1xf32, #tpu.memory_space<vmem>>, vector<1x128x1xf32>
    %get3A_28 = vector.shape_cast %get3A_27 : vector<1x128x1xf32> to vector<128x1xf32>
    %lt3A_29 = arith.constant 2.560000e+02 : f32
    %lt3A_30 = vector.broadcast %lt3A_29 : f32 to vector<128x1xf32>
    %lt3A_31 = arith.cmpf olt, %get3A_28, %lt3A_30 : vector<128x1xf32>
    %select_n3A_32 = arith.select %lt3A_31, %get3A_28, %broadcast_in_dim3A_23 : vector<128x1xi1>, vector<128x1xf32>
    %swap3A = arith.constant 0 : index
    %swap3A_33 = arith.constant 0 : index
    %swap3A_34 = arith.constant 0 : index
    %swap3A_35 = vector.load %arg5[%swap3A, %swap3A_33, %swap3A_34] : memref<1x128x1xf32, #tpu.memory_space<vmem>>, vector<1x128x1xf32>
    %swap3A_36 = vector.shape_cast %swap3A_35 : vector<1x128x1xf32> to vector<128x1xf32>
    %swap3A_37 = vector.shape_cast %select_n3A_32 : vector<128x1xf32> to vector<1x128x1xf32>
    tpu.vector_store %arg5[%swap3A, %swap3A_33, %swap3A_34], %swap3A_37 {strides = array<i32>} : memref<1x128x1xf32, #tpu.memory_space<vmem>>, vector<1x128x1xf32>,
    return
  }
  func.func @transform_0(%arg0: i32, %arg1: i32) -> (i32, i32, i32) {
    %c0_i32 = arith.constant 0 : i32
    %c0_i32_0 = arith.constant 0 : i32
    return %arg0, %arg1, %c0_i32 : i32, i32, i32
  }
  func.func @transform_1(%arg0: i32, %arg1: i32) -> (i32, i32, i32) {
    %c0_i32 = arith.constant 0 : i32
    %c0_i32_0 = arith.constant 0 : i32
    return %arg0, %arg1, %c0_i32 : i32, i32, i32
  }
  func.func @transform_2(%arg0: i32, %arg1: i32) -> (i32, i32, i32) {
    %c0_i32 = arith.constant 0 : i32
    %c0_i32_0 = arith.constant 0 : i32
    %c0_i32_1 = arith.constant 0 : i32
    return %arg0, %c0_i32, %c0_i32_0 : i32, i32, i32
  }
  func.func @transform_3(%arg0: i32, %arg1: i32) -> (i32, i32, i32) {
    %c0_i32 = arith.constant 0 : i32
    %c0_i32_0 = arith.constant 0 : i32
    return %arg0, %arg1, %c0_i32 : i32, i32, i32
  }
}

module attributes {stable_mosaic.version = 14 : i64} {
  func.func @_merge_kernel(%arg0: i32, %arg1: memref<1x1024x384xf32, #tpu.memory_space<vmem>>, %arg2: memref<1x1024x1xf32, #tpu.memory_space<vmem>>, %arg3: memref<1x1024x1xf32, #tpu.memory_space<vmem>>, %arg4: memref<1x256x384xf32, #tpu.memory_space<vmem>>) attributes {dimension_semantics = [#tpu.dimension_semantics<arbitrary>], iteration_bounds = array<i64: 16>, scalar_prefetch = 0 : i64, scratch_operands = 0 : i64, tpu.core_type = #tpu.core_type<tc>, window_params = [{transform_indices = @transform_0, window_bounds = array<i64: 1, 1024, 384>}, {transform_indices = @transform_1, window_bounds = array<i64: 1, 1024, 1>}, {transform_indices = @transform_2, window_bounds = array<i64: 1, 1024, 1>}, {transform_indices = @transform_3, window_bounds = array<i64: 1, 256, 384>}]} {
    %broadcast_in_dim3A = arith.constant 0.000000e+00 : f32
    %broadcast_in_dim3A_0 = vector.broadcast %broadcast_in_dim3A : f32 to vector<1x256xf32>
    %scan3A = arith.constant 0 : i32
    %scan3A_1 = arith.constant 8 : i32
    %scan3A_2 = arith.addi %scan3A, %scan3A_1 : i32
    %scan3A_3 = arith.constant 1 : i32
    %scan3A_4 = scf.for %scan3A_21 = %scan3A to %scan3A_2 step %scan3A_3 iter_args(%scan3A_22 = %broadcast_in_dim3A_0) -> (vector<1x256xf32>)  : i32 {
      %mul3A = arith.constant 128 : i32
      %mul3A_23 = arith.muli %scan3A_21, %mul3A : i32
      %get3A = arith.constant 0 : index
      %get3A_24 = arith.index_cast %mul3A_23 : i32 to index
      %get3A_25 = arith.constant 0 : index
      %get3A_26 = vector.load %arg2[%get3A, %get3A_24, %get3A_25] : memref<1x1024x1xf32, #tpu.memory_space<vmem>>, vector<1x128x1xf32>
      %get3A_27 = vector.shape_cast %get3A_26 : vector<1x128x1xf32> to vector<128x1xf32>
      %convert_element_type3A = arith.fptosi %get3A_27 : vector<128x1xf32> to vector<128x1xi32>
      %mul3A_28 = arith.constant 128 : i32
      %mul3A_29 = arith.muli %scan3A_21, %mul3A_28 : i32
      %get3A_30 = arith.constant 0 : index
      %get3A_31 = arith.index_cast %mul3A_29 : i32 to index
      %get3A_32 = arith.constant 0 : index
      %get3A_33 = vector.load %arg3[%get3A_30, %get3A_31, %get3A_32] : memref<1x1024x1xf32, #tpu.memory_space<vmem>>, vector<1x128x1xf32>
      %get3A_34 = vector.shape_cast %get3A_33 : vector<1x128x1xf32> to vector<128x1xf32>
      %exp3A = math.exp %get3A_34 : vector<128x1xf32>
      %iota3A = tpu.iota {dimensions = array<i32: 1>} : vector<128x256xi32>
      %eq3A = vector.broadcast %convert_element_type3A : vector<128x1xi32> to vector<128x256xi32>
      %eq3A_35 = arith.cmpi eq, %iota3A, %eq3A : vector<128x256xi32>
      %convert_element_type3A_36 = arith.extui %eq3A_35 : vector<128x256xi1> to vector<128x256xi32>
      %convert_element_type3A_37 = arith.sitofp %convert_element_type3A_36 : vector<128x256xi32> to vector<128x256xf32>
      %mul3A_38 = vector.broadcast %exp3A : vector<128x1xf32> to vector<128x256xf32>
      %mul3A_39 = arith.mulf %convert_element_type3A_37, %mul3A_38 : vector<128x256xf32>
      %reduce_sum3A = arith.constant dense<0.000000e+00> : vector<256xf32>
      %reduce_sum3A_40 = vector.multi_reduction <add>, %mul3A_39, %reduce_sum3A [0] : vector<128x256xf32> to vector<256xf32>
      %broadcast_in_dim3A_41 = vector.shape_cast %reduce_sum3A_40 : vector<256xf32> to vector<1x256xf32>
      %add3A_42 = arith.addf %scan3A_22, %broadcast_in_dim3A_41 : vector<1x256xf32>
      scf.yield %add3A_42 : vector<1x256xf32>
    }
    %scan3A_5 = arith.constant 8 : i32
    %add3A = arith.constant 9.99999997E-7 : f32
    %add3A_6 = vector.broadcast %add3A : f32 to vector<1x256xf32>
    %add3A_7 = arith.addf %scan3A_4, %add3A_6 : vector<1x256xf32>
    %broadcast_in_dim3A_8 = arith.constant 0.000000e+00 : f32
    %broadcast_in_dim3A_9 = vector.broadcast %broadcast_in_dim3A_8 : f32 to vector<256x384xf32>
    %scan3A_10 = arith.constant 0 : i32
    %scan3A_11 = arith.constant 8 : i32
    %scan3A_12 = arith.addi %scan3A_10, %scan3A_11 : i32
    %scan3A_13 = arith.constant 1 : i32
    %scan3A_14 = scf.for %scan3A_21 = %scan3A_10 to %scan3A_12 step %scan3A_13 iter_args(%scan3A_22 = %broadcast_in_dim3A_9) -> (vector<256x384xf32>)  : i32 {
      %mul3A = arith.constant 128 : i32
      %mul3A_23 = arith.muli %scan3A_21, %mul3A : i32
      %get3A = arith.constant 0 : index
      %get3A_24 = arith.index_cast %mul3A_23 : i32 to index
      %get3A_25 = arith.constant 0 : index
      %get3A_26 = vector.load %arg2[%get3A, %get3A_24, %get3A_25] : memref<1x1024x1xf32, #tpu.memory_space<vmem>>, vector<1x128x1xf32>
      %get3A_27 = vector.shape_cast %get3A_26 : vector<1x128x1xf32> to vector<128x1xf32>
      %convert_element_type3A = arith.fptosi %get3A_27 : vector<128x1xf32> to vector<128x1xi32>
      %mul3A_28 = arith.constant 128 : i32
      %mul3A_29 = arith.muli %scan3A_21, %mul3A_28 : i32
      %get3A_30 = arith.constant 0 : index
      %get3A_31 = arith.index_cast %mul3A_29 : i32 to index
      %get3A_32 = arith.constant 0 : index
      %get3A_33 = vector.load %arg3[%get3A_30, %get3A_31, %get3A_32] : memref<1x1024x1xf32, #tpu.memory_space<vmem>>, vector<1x128x1xf32>
      %get3A_34 = vector.shape_cast %get3A_33 : vector<1x128x1xf32> to vector<128x1xf32>
      %exp3A = math.exp %get3A_34 : vector<128x1xf32>
      %iota3A = tpu.iota {dimensions = array<i32: 1>} : vector<128x256xi32>
      %eq3A = vector.broadcast %convert_element_type3A : vector<128x1xi32> to vector<128x256xi32>
      %eq3A_35 = arith.cmpi eq, %iota3A, %eq3A : vector<128x256xi32>
      %convert_element_type3A_36 = arith.extui %eq3A_35 : vector<128x256xi1> to vector<128x256xi32>
      %convert_element_type3A_37 = arith.sitofp %convert_element_type3A_36 : vector<128x256xi32> to vector<128x256xf32>
      %mul3A_38 = vector.broadcast %add3A_7 : vector<1x256xf32> to vector<128x256xf32>
      %mul3A_39 = arith.mulf %convert_element_type3A_37, %mul3A_38 : vector<128x256xf32>
      %reduce_sum3A = arith.constant dense<0.000000e+00> : vector<128xf32>
      %reduce_sum3A_40 = vector.multi_reduction <add>, %mul3A_39, %reduce_sum3A [1] : vector<128x256xf32> to vector<128xf32>
      %broadcast_in_dim3A_41 = vector.shape_cast %reduce_sum3A_40 : vector<128xf32> to vector<128x1xf32>
      %mul3A_42 = arith.constant 128 : i32
      %mul3A_43 = arith.muli %scan3A_21, %mul3A_42 : i32
      %get3A_44 = arith.constant 0 : index
      %get3A_45 = arith.index_cast %mul3A_43 : i32 to index
      %get3A_46 = arith.constant 0 : index
      %get3A_47 = vector.load %arg1[%get3A_44, %get3A_45, %get3A_46] : memref<1x1024x384xf32, #tpu.memory_space<vmem>>, vector<1x128x384xf32>
      %get3A_48 = vector.shape_cast %get3A_47 : vector<1x128x384xf32> to vector<128x384xf32>
      %div3A = arith.divf %exp3A, %broadcast_in_dim3A_41 : vector<128x1xf32>
      %mul3A_49 = vector.broadcast %div3A : vector<128x1xf32> to vector<128x384xf32>
      %mul3A_50 = arith.mulf %get3A_48, %mul3A_49 : vector<128x384xf32>
      %dot_general3A = arith.constant dense<0.000000e+00> : vector<256x384xf32>
      %dot_general3A_51 = tpu.matmul %convert_element_type3A_37, %mul3A_50, %dot_general3A {dimension_numbers = #tpu.dot_dimension_numbers<[0], [0], [1], [1], [0, 1, 1, 1], [], []>, precision = #tpu.contract_precision<fp32>, transpose_lhs_hint = false} : vector<128x256xf32>, vector<128x384xf32>, vector<256x384xf32> -> vector<256x384xf32>
      %add3A_52 = arith.addf %scan3A_22, %dot_general3A_51 : vector<256x384xf32>
      scf.yield %add3A_52 : vector<256x384xf32>
    }
    %scan3A_15 = arith.constant 8 : i32
    %swap3A = arith.constant 0 : index
    %swap3A_16 = arith.constant 0 : index
    %swap3A_17 = arith.constant 0 : index
    %swap3A_18 = vector.load %arg4[%swap3A, %swap3A_16, %swap3A_17] : memref<1x256x384xf32, #tpu.memory_space<vmem>>, vector<1x256x384xf32>
    %swap3A_19 = vector.shape_cast %swap3A_18 : vector<1x256x384xf32> to vector<256x384xf32>
    %swap3A_20 = vector.shape_cast %scan3A_14 : vector<256x384xf32> to vector<1x256x384xf32>
    tpu.vector_store %arg4[%swap3A, %swap3A_16, %swap3A_17], %swap3A_20 {strides = array<i32>} : memref<1x256x384xf32, #tpu.memory_space<vmem>>, vector<1x256x384xf32>,
    return
  }
  func.func @transform_0(%arg0: i32) -> (i32, i32, i32) {
    %c0_i32 = arith.constant 0 : i32
    %c0_i32_0 = arith.constant 0 : i32
    %c0_i32_1 = arith.constant 0 : i32
    return %arg0, %c0_i32, %c0_i32_0 : i32, i32, i32
  }
  func.func @transform_1(%arg0: i32) -> (i32, i32, i32) {
    %c0_i32 = arith.constant 0 : i32
    %c0_i32_0 = arith.constant 0 : i32
    %c0_i32_1 = arith.constant 0 : i32
    return %arg0, %c0_i32, %c0_i32_0 : i32, i32, i32
  }
  func.func @transform_2(%arg0: i32) -> (i32, i32, i32) {
    %c0_i32 = arith.constant 0 : i32
    %c0_i32_0 = arith.constant 0 : i32
    %c0_i32_1 = arith.constant 0 : i32
    return %arg0, %c0_i32, %c0_i32_0 : i32, i32, i32
  }
  func.func @transform_3(%arg0: i32) -> (i32, i32, i32) {
    %c0_i32 = arith.constant 0 : i32
    %c0_i32_0 = arith.constant 0 : i32
    %c0_i32_1 = arith.constant 0 : i32
    return %arg0, %c0_i32, %c0_i32_0 : i32, i32, i32
  }
}

</mosaic_0001>

<sc_bundles>
// kernel: scatter_offload_async_start.1
scs
__scs_entry_jumppad:
0x0: {  	(pc) =	sbr.rel $0x88, $3  }
0x1: {  	(tag) =	ssettag $0x0;
	lr =	simm.s32 $0x1  }
0x2: {  	[smem:$0x3F90] =	sst lr;
	_ =	strace $0xD0000000  }
0x3: {  	_ = 	snop  }
0x4: {  	_ = 	snop  }
0x5: {  	_ = 	snop  }
0x6: {  	_ = 	snop  }
0x7: {  	_ = 	snop  }
__scs_overlays_trampoline_lowered:
0x8: {  	[smem:$0x3F9F] =	sst s0  }
0x9: {  	[smem:$0x3FA0] =	sst s1  }
0xa: {  	[smem:$0x3FA1] =	sst s2  }
0xb: {  	[smem:$0x3FA2] =	sst s3  }
0xc: {  	[smem:$0x3FA3] =	sst s4  }
0xd: {  	[smem:$0x3FA4] =	sst s5  }
0xe: {  	[smem:$0x3FA5] =	sst s6  }
0xf: {  	[smem:$0x3FA6] =	sst s7  }
0x10: {  	[smem:$0x3FA7] =	sst s8  }
0x11: {  	[smem:$0x3FA8] =	sst s9;
	s0 =	simm.s32 @!p0 $0x0  }
0x12: {  	s1 =	sld [smem:$0x3F8E];
	s0 =	simm.s32 @p0 $0x1  }
0x13: {  	[smem:$0x3FA9] =	sst s0;
	s0 =	simm.s32 @!p1 $0x0  }
0x14: {  	s2 =	sld [smem:$0x3F8D];
	s0 =	simm.s32 @p1 $0x1  }
0x15: {  	[smem:$0x3FAA] =	sst s0;
	s0 =	simm.s32 @!p2 $0x0  }
0x16: {  	s3 =	sld [smem:$0x3FDB];
	s0 =	simm.s32 @p2 $0x1  }
0x17: {  	s4 =	simm.s32 $0x1BF5;
	[smem:$0x3FAC] =	sst s0  }
0x18: {  	s0 =	sld [smem:$0x3F8F];
	_ =	swait.ge [sflag:s4], $0x0  }
0x19: {  	s7 =	sld [smem:$0x3F90]  }
0x1a: {  	s8 =	sadd.s32 $0xFFFFE003, lr  }
0x1b: {  	s9 =	sadd.s32 $0xFFFFFEF7, lr;
	s5 =	simm.s32 $0xFFFFFFFF;
	p2 =	slt.u32 s8, $0xFFFFF086  }
0x1c: {  	p1 =	slt.u32 s9, $0xF7A;
	s5 =	simm.s32 @!p2 $0x0  }
0x1d: {  	s5 =	simm.s32 @p1 $0x1;
	p0 =	seq.s32 s7, s2  }
0x1e: {  	s7 =	smul.u32 @!p0 $0xF7A, s2;
	p2 =	seq.s32 @!p0 s5, $0x0  }
0x1f: {  	s9 =	smul.u32 $0xF7A, s1;
	s8 =	simm.s32 @!p0 $0x1BF5;
	p2 =	por !p2, p0  }
0x20: {  	[sflag:s8] =	ssyncset.s32 @!p0 $0xFFFFF086;
	s6 =	sadd.s32 @!p0 s3, s7;
	s7 =	simm.s32 @!p0 $0x108  }
0x21: {  	s3 =	sadd.s32 s3, s9;
	s6 =	sadd.s32 @!p0 $0x88, s6;
	s7 =	simm.s32 @p2 $0x1082  }
0x22: {  	[simem:s7], [sflag:s8] =	dma.local @!p0 [hbm:s6], $0xF7A  }
0x23: {  	s9 =	sor.u32 $0xD0000000, s2;
	s6 =	simm.s32 $0x108;
	_ =	swait.ge @!p0 [sflag:s8], $0x0  }
0x24: {  	s3 =	sadd.s32 $0x88, s3;
	s6 =	simm.s32 @!p1 $0x1082;
	[sflag:s4] =	ssyncset.s32 $0xFFFFF086  }
0x25: {  	[simem:s6], [sflag:s4] =	dma.local [hbm:s3], $0xF7A  }
0x26: {  	[smem:$0x3F90] =	sst s1;
	(tag) =	ssettag s2;
	_ =	strace s9  }
0x27: {  	s1 =	sld [smem:$0x3FA0]  }
0x28: {  	s2 =	sld [smem:$0x3FA1]  }
0x29: {  	s4 =	sld [smem:$0x3FA3]  }
0x2a: {  	p0 =	seq.s32 s5, $0x0;
	s5 =	sld [smem:$0x3FA4]  }
0x2b: {  	s6 =	sld [smem:$0x3FA5]  }
0x2c: {  	s7 =	sld [smem:$0x3FA6]  }
0x2d: {  	s3 =	simm.s32 $0x108;
	s8 =	sld [smem:$0x3FA7]  }
0x2e: {  	s3 =	simm.s32 @!p0 $0x1082;
	s9 =	sld [smem:$0x3FA8]  }
0x2f: {  	lr =	sadd.s32 s0, s3;
	s0 =	sld [smem:$0x3F9F]  }
0x30: {  	s3 =	sld [smem:$0x3FA2]  }
0x31: {  	[smem:$0x3FAB] =	sst s10  }
0x32: {  	s10 =	sld [smem:$0x3FA9];
	_ =	sdelay $0x3  }
0x33: {  	p0 =	seq.s32 s10, $0x1;
	s10 =	sld [smem:$0x3FAB];
	_ =	sdelay $0x3  }
0x34: {  	[smem:$0x3FAB] =	sst s10  }
0x35: {  	s10 =	sld [smem:$0x3FAA];
	_ =	sdelay $0x3  }
0x36: {  	p1 =	seq.s32 s10, $0x1;
	s10 =	sld [smem:$0x3FAB];
	_ =	sdelay $0x3  }
0x37: {  	[smem:$0x3FAB] =	sst s10  }
0x38: {  	s10 =	sld [smem:$0x3FAC]  }
0x39: {  	_ = 	snop;
	(pc) =	sbr.ind lr, $3  }
0x3a: {  	_ = 	snop  }
0x3b: {  	_ = 	snop  }
0x3c: {  	p2 =	seq.s32 s10, $0x1;
	s10 =	sld [smem:$0x3FAB]  }
0x3d: {  	_ =	shalt  }
0x3e: {  	_ =	shalt  }
0x3f: {  	_ =	shalt  }
0x40: {  	_ =	shalt  }
0x41: {  	_ =	shalt  }
0x42: {  	_ =	shalt  }
0x43: {  	_ =	shalt  }
0x44: {  	_ =	shalt  }
0x45: {  	_ =	shalt  }
0x46: {  	_ =	shalt  }
0x47: {  	_ =	shalt  }
0x48: {  	_ =	shalt  }
0x49: {  	_ =	shalt  }
0x4a: {  	_ =	shalt  }
0x4b: {  	_ =	shalt  }
0x4c: {  	_ =	shalt  }
0x4d: {  	_ =	shalt  }
0x4e: {  	_ =	shalt  }
0x4f: {  	_ =	shalt  }
0x50: {  	_ =	shalt  }
0x51: {  	_ =	shalt  }
0x52: {  	_ =	shalt  }
0x53: {  	_ =	shalt  }
0x54: {  	_ =	shalt  }
0x55: {  	_ =	shalt  }
0x56: {  	_ =	shalt  }
0x57: {  	_ =	shalt  }
0x58: {  	_ =	shalt  }
0x59: {  	_ =	shalt  }
0x5a: {  	_ =	shalt  }
0x5b: {  	_ =	shalt  }
0x5c: {  	_ =	shalt  }
0x5d: {  	_ =	shalt  }
0x5e: {  	_ =	shalt  }
0x5f: {  	_ =	shalt  }
0x60: {  	_ =	shalt  }
0x61: {  	_ =	shalt  }
0x62: {  	_ =	shalt  }
0x63: {  	_ =	shalt  }
0x64: {  	_ =	shalt  }
0x65: {  	_ =	shalt  }
0x66: {  	_ =	shalt  }
0x67: {  	_ =	shalt  }
0x68: {  	_ =	shalt  }
0x69: {  	_ =	shalt  }
0x6a: {  	_ =	shalt  }
0x6b: {  	_ =	shalt  }
0x6c: {  	_ =	shalt  }
0x6d: {  	_ =	shalt  }
0x6e: {  	_ =	shalt  }
0x6f: {  	_ =	shalt  }
0x70: {  	_ =	shalt  }
0x71: {  	_ =	shalt  }
0x72: {  	_ =	shalt  }
0x73: {  	_ =	shalt  }
0x74: {  	_ =	shalt  }
0x75: {  	_ =	shalt  }
0x76: {  	_ =	shalt  }
0x77: {  	_ =	shalt  }
0x78: {  	_ =	shalt  }
0x79: {  	_ =	shalt  }
0x7a: {  	_ =	shalt  }
0x7b: {  	_ =	shalt  }
0x7c: {  	_ =	shalt  }
0x7d: {  	_ =	shalt  }
0x7e: {  	_ =	shalt  }
0x7f: {  	_ =	shalt  }
0x80: {  	_ =	shalt  }
0x81: {  	_ =	shalt  }
0x82: {  	_ =	shalt  }
0x83: {  	_ =	shalt  }
0x84: {  	_ =	shalt  }
0x85: {  	_ =	shalt  }
0x86: {  	_ =	shalt  }
0x87: {  	_ =	shalt  }
.Lfunc_end0:
.L_simem_size_0:
called_computation.1_lowered:
.L_overlay_start_0:
0x88: {  	s0 =	sld [smem:$0x3FD9]  }
0x89: {  	s1 =	sld [smem:$0x3FFE];
	_ =	sdelay $0x3  }
0x8a: {  	s0 =	sadd.s32 s1, s0  }
0x8b: {  	[smem:$0x3FB7] =	sst s0  }
0x8c: {  	_ = 	snop  }
0x8d: {  	(tm) =	ssettm $0x1  }
0x8e: {  	s15 =	sld [smem:$0x3FFB];
	_ =	sdelay $0x3  }
0x8f: {  	_ =	strace s15  }
0x90: {  	s0 =	sld [smem:$0x3FFC];
	_ =	sdelay $0x3  }
0x91: {  	_ =	strace s0  }
0x92: {  	s0 =	sld [smem:$0x3FFD];
	_ =	sdelay $0x3  }
0x93: {  	_ =	strace s0  }
0x94: {  	_ =	strace $0x8FFFFFFF  }
0x95: {  	s16 =	sld [smem:$0x3FDB];
	_ =	sdelay $0x1  }
0x96: {  	s17 =	simm.s32 $_scs_section_size  }
0x97: {  	s2 =	simm.s32 $_size__tile_overlayer_lowered;
	s3 =	simm.s32 $_tile_overlayer_lowered  }
0x98: {  	s20 =	simm.s32 $0x1BFF;
	s19 =	sshll.u32 s3, $0x1;
	s0 =	sadd.s32 s17, s16  }
0x99: {  	s4 =	simm.s32 $0x0;
	s18 =	sshll.u32 s2, $0x1;
	s2 =	sadd.s32 s19, s0  }
0x9a: {  	[timem:s4], [sflag:s20] =	dma.local [hbm:s2], s18  }
0x9b: {  	_ =	swait.ge [sflag:s20], s18  }
0x9c: {  	s1 =	ssub.s32 $0x0, s18;
	[sflag:s20] =	ssyncset.done $0x0  }
0x9d: {  	[sflag:s20] =	ssyncadd.s32 s1;
	_ =	sdelay $0x1  }
0x9e: {  	s21 =	simm.s32 $0x1B8B  }
0x9f: {  	_ =	swait.ge [sflag:s21], $0x1  }
0xa0: {  	[sflag:s21] =	ssyncset.done $0x0  }
0xa1: {  	s23 =	simm.s32 $0x1B8E;
	s22 =	sld [smem:$0x3FFE];
	[sflag:s21] =	ssyncadd.s32 $0xFFFFFFFF  }
0xa2: {  	s24 =	simm.s32 $execute0_lowered;
	[smem:$0x3FD2] =	sst s23  }
0xa3: {  	s2 =	sshll.u32 s24, $0x1;
	_ =	strace $0x80000046;
	[dreg:$0x1] =	wrdreg $0xFFFFFFFF  }
0xa4: {  	s25 =	simm.s32 $_size_execute0_lowered;
	s0 =	sadd.s32 s0, s2;
	[dreg:$0x0] =	wrdreg $0x0  }
0xa5: {  	s2 =	sshll.u32 s25, $0x1;
	[dreg:$0x2] =	wrdreg s0  }
0xa6: {  	[dreg:$0x3] =	wrdreg s2  }
0xa7: {  	[dreg:$0x4] =	wrdreg $0xC0  }
0xa8: {  	_ =	task [dreg:s4], $0x5FFFF  }
0xa9: {  	[dreg:$0x1] =	wrdreg $0xFFFFFFFF  }
0xaa: {  	[dreg:$0x0] =	wrdreg $0x60  }
0xab: {  	[dreg:$0x2] =	wrdreg s22  }
0xac: {  	[dreg:$0x3] =	wrdreg $0xA  }
0xad: {  	_ =	task.clear_ibuf [dreg:s4], $0x4FFFF;
	_ =	strace $0x90000046  }
0xae: {  	s26 =	simm.s32 $0xA;
	_ =	strace $0x80000048  }
0xaf: {  	_ =	swait.ge [sflag:s26], $0x1  }
0xb0: {  	[sflag:s26] =	ssyncadd.s32 $0xFFFFFFFF  }
0xb1: {  	_ =	strace $0x90000048  }
0xb2: {  	_ =	sfence  }
0xb3: {  	s28 =	sld [smem:$0x0];
	_ =	sdelay $0x1  }
0xb4: {  	s29 =	srdreg.scid  }
0xb5: {  	s30 =	sshll.u32 s29, $0xD;
	s31 =	sshrl.u32 s29, $0x2  }
0xb6: {  	s1 =	sand.u32 $0x1, s29;
	s2 =	sand.u32 $0x4000, s30;
	s0 =	sadd.s32 s31, s28  }
0xb7: {  	s1 =	sor.u32 s2, s1;
	s0 =	sshll.u32 s0, $0x11  }
0xb8: {  	s0 =	sor.u32 s0, s1  }
0xb9: {  	s0 =	sadd.s32 $0x8F2B, s0  }
0xba: {  	[sflag:s0] =	ssyncadd.remote.s32 $0x1  }
0xbb: {  	_ =	sfence.sel $0xFFFF  }
0xbc: {  	[dreg:$0x0] =	wrdreg $0xFFFFFFFF;
	(pc) =	sbr.abs _section_cstart, $3  }
0xbd: {  	[dreg:$0x1] =	wrdreg $0xFFFFFFFF  }
0xbe: {  	_ =	task.clear_ibuf [dreg:s4], $0x2FFFF;
	_ =	strace $0x9FFFFFFF  }
0xbf: {  	(tm) =	ssettm $0x7FFFFFFF  }
tec
execute0_lowered:
.L_overlay_start_1:
0x0: {  	(tag) =	ssettag $0x1  }
0x1: {  	s3 =	rddreg [dreg:$0x0];
	_ =	strace $0x80000047;
	s4 =	simm.s32 $0x1  }
0x2: {  	v1 =	vimm.s32 $0xFFFFFFFF;
	[sflag:s4] =	ssyncpa.u1 $0x0  }
0x3: {  	[tilespmem:$0x10] =	vst v1  }
0x4: {  	v0 =	vimm.f32 $0.0e+00;
	[tilespmem:$0x20] =	vst v1  }
0x5: {  	[tilespmem:$0x30] =	vst v0  }
0x6: {  	s0 =	simm.s32 $0x2;
	s6 =	simm.s32 $0x7;
	[tilespmem:$0x40] =	vst v0  }
0x7: {  	s2 =	stileid.u32;
	s7 =	simm.s32 $0x8;
	s31 =	simm.s32 $0x9;
	[tilespmem:$0x50] =	vst v0  }
0x8: {  	s14 =	simm.s32 $0x0;
	s15 =	simm.s32 $0x100;
	s18 =	simm.s32 $0x10;
	[tilespmem:$0x60] =	vst v1  }
0x9: {  	s19 =	simm.s32 $0x2500;
	s20 =	simm.s32 $0xF;
	s21 =	simm.s32 $0x50;
	[tilespmem:$0x70] =	vst v1  }
0xa: {  	s22 =	simm.s32 $0x10FF;
	s23 =	simm.s32 $0x20;
	s24 =	simm.s32 $0x30;
	[tilespmem:$0x80] =	vst v1  }
0xb: {  	s25 =	simm.s32 $0x20FF;
	s26 =	simm.s32 $0x80;
	s30 =	simm.s32 $0x0;
	v1 =	vimm.s32 $0x0;
	[tilespmem:$0xB0] =	vst v0  }
.Ltmp0:
0xc: {  	s29 =	simm.s32 $0x0;
	s1 =	sadd.s32 $0x1000, s3;
	[tilespmem:$0x90] =	vst v1;
	(pc) =	sbr.rel .LBB2_1-.Ltmp0, $4  }
0xd: {  	s5 =	sadd.s32 $0x800, s3;
	s8 =	sshll.u32 s2, $0xA;
	[tilespmem:$0xA0] =	vst v1;
	[sflag:s0] =	ssyncpa.u1 $0x0  }
0xe: {  	s10 =	sshll.u32 s2, $0x1;
	s12 =	sshllo.u32 s2, $0x1;
	[sflag:s6] =	ssyncpa.u1 $0x0  }
0xf: {  	vm0 =	vmmov $0xffff;
	v2 =	vlaneseq.u32;
	s9 =	sadd.s32 $0x400, s8;
	s11 =	sor.u32 $0x81, s10;
	[sflag:s7] =	ssyncpa.u1 $0x0  }
0x10: {  	vm1 =	vmxor vm1, vm1;
	vm2 =	vmmov $0x1;
	vm3 =	vcmask $0x3F3C;
	s13 =	sor.u32 $0x80, s10;
	s28 =	smov.u32 s8;
	[sflag:s31] =	ssyncpa.u1 $0x0  }
.LBB2_3:
0x11: {  	s0 =	sshrl.u32 s28, $0x3  }
0x12: {  	s2 =	sand.u32 $0x7, s28;
	s0 =	sadd.s32 s3, s0  }
0x13: {  	[tilespmem:s15], [sflag:$0x7] =	stream.linear.gather [hbm4b:s0+s2], $0x400, $0x38;
	[tilespmem:$0x2520] =	vst v63  }
.LBB2_4:
0x14: {  	s0 =	sadd.s32 $0x400, s28  }
0x15: {  	s2 =	smov.u32 s8;
	s29 =	sadd.s32 $0x1, s29;
	p0 =	slt.s32 s0, s9  }
0x16: {  	s2 =	smov.u32 @p0 s0;
	p0 =	sne.s32 s29, $0x4  }
.Ltmp1:
0x17: {  	_ = 	snop;
	(pc) =	sbr.rel @!p0 .LBB2_13-.Ltmp1, $2  }
0x18: {  	_ =	sdelay $0x2  }
0x19: {  	s30 =	smov.u32 s28;
	s28 =	smov.u32 s2  }
.LBB2_1:
0x1a: {  	p0 =	sgt.s32 s29, $0x1  }
.Ltmp2:
0x1b: {  	_ = 	snop;
	(pc) =	sbr.rel @p0 .LBB2_11-.Ltmp2, $1  }
0x1c: {  	_ =	sdelay $0x3  }
0x1d: {  	p0 =	seq.s32 s29, $0x0  }
.Ltmp3:
0x1e: {  	_ = 	snop;
	(pc) =	sbr.rel @p0 .LBB2_3-.Ltmp3, $1  }
0x1f: {  	_ =	sdelay $0x3  }
0x20: {  	_ =	swait.ge [sflag:s6], $0x400  }
0x21: {  	[sflag:s6] =	ssyncset.done $0x0  }
0x22: {  	[sflag:s6] =	ssyncadd.s32 $0xFFFFFC00;
	(ifvalue) =	ssetifvalue $0xFFFFFFFF;
	v3 =	vld.msk [tilespmem:s15+$0x0 ss:$0x1], $0xffff;
	_ =	sdelay $0x4  }
0x23: {  	v4 =	vperm.xlane v3, v1  }
0x24: {  	vm4 =	vlt.u32 v3, $0x4000  }
0x25: {  	v3 =	vnsel vm4, $0xFFFFFFFE, v3;
	vm4 =	vlt.u32 v4, $0x4000  }
0x26: {  	[tilespmem:$0x70] =	vst v3;
	v3 =	vnsel vm4, $0xFFFFFFFE, v4  }
0x27: {  	s17 =	simm.s32 $0x4F0;
	[tilespmem:$0x80] =	vst v3  }
0x28: {  	v3 =	vld.msk [tilespmem:s17+$0x0 ss:$0x1], $0xffff;
	_ =	sdelay $0x4  }
0x29: {  	(xrf1) =	vunique.msk.u32 $0xffff, v3;
	_ =	sdelay $0xd  }
0x2a: {  	v4 =	vimm.s32 $0xFFFFFFFF;
	v5, _, _ =	vpop (xrf1)  }
0x2b: {  	vm5 =	vne.s32 v3, v4;
	vm4 =	veq.s32 v5, v2  }
0x2c: {  	vm6 =	vlt.u32 v3, $0x4000;
	vm4 =	vmand vm5, vm4  }
0x2d: {  	vm4 =	vmand vm6, vm4  }
0x2e: {  	v4 =	vnsel vm4, $0xFFFFFFFF, v3;
	_ =	sdelay $0x3  }
0x2f: {  	s0 =	simm.s32 $0x10F0;
	(ifvalue) =	ssetifvalue $0xFFFFFFFF  }
0x30: {  	v3 =	vperm.xlane v3, v1;
	[tilespmem:s0], [sflag:$0x8] =	stream.indirect_vreg.gather [hbm4b:s1+s14], $0x1, v4, vm0, $0x4038;
	v4 =	vnsel vm6, $0xFFFFFFFE, v4;
	[tilespmem:$0x2520] =	vst v63  }
0x31: {  	s2 =	simm.s32 $0x0;
	s16 =	simm.s32 $0x4E0;
	[tilespmem:s17+$0x0] =	vst v4  }
.LBB2_6:
0x32: {  	v4 =	vld.msk [tilespmem:s16+$0x0 ss:$0x1], $0xffff;
	s2 =	sadd.s32 $0x10, s2;
	v5 =	vmov v3;
	s17 =	smov.u32 s16  }
0x33: {  	p0 =	slt.u32 s2, $0x3F0;
	_ =	sdelay $0x4  }
0x34: {  	v3 =	vperm.xlane v4, v1;
	(xrf1) =	vunique.msk.u32 $0xffff, v4;
	_ =	sdelay $0xd  }
0x35: {  	v6, _, _ =	vpop (xrf1)  }
0x36: {  	vm5 =	vne.s32 v4, v5;
	vm4 =	veq.s32 v6, v2  }
0x37: {  	vm6 =	vlt.u32 v4, $0x4000;
	vm4 =	vmand vm5, vm4  }
0x38: {  	vm4 =	vmand vm6, vm4  }
0x39: {  	v4 =	vnsel vm4, $0xFFFFFFFF, v4  }
.Ltmp4:
0x3a: {  	v5 =	vnsel vm6, $0xFFFFFFFE, v4;
	(pc) =	sbr.rel @p0 .LBB2_6-.Ltmp4, $3  }
0x3b: {  	_ =	sdelay $0x1  }
0x3c: {  	s16 =	sadd.s32 $0xFFFFFFF0, s16;
	s0 =	sadd.s32 $0xFFFFFFF0, s0;
	(ifvalue) =	ssetifvalue $0xFFFFFFFF  }
0x3d: {  	[tilespmem:s0], [sflag:$0x8] =	stream.indirect_vreg.gather [hbm4b:s1+s14], $0x1, v4, vm0, $0x4038;
	[tilespmem:s17+$0x0] =	vst v5  }
.Ltmp5:
0x3e: {  	(pc) =	sbr.rel .LBB2_4-.Ltmp5, $4  }
0x3f: {  	_ = 	snop  }
0x40: {  	s0 =	sshrl.u32 s30, $0x3  }
0x41: {  	s2 =	simm.s32 $0x1500;
	s0 =	sadd.s32 s5, s0  }
0x42: {  	[tilespmem:s2], [sflag:$0x8] =	stream.linear.gather [hbm:s0], $0x400, $0x38;
	[tilespmem:$0x2520] =	vst v63  }
.LBB2_11:
0x43: {  	p0 =	seq.s32 s29, $0x2  }
.Ltmp6:
0x44: {  	_ = 	snop;
	(pc) =	sbr.rel @!p0 .LBB2_12-.Ltmp6, $1  }
0x45: {  	_ =	sdelay $0x3  }
0x46: {  	_ =	swait.ge [sflag:s7], $0x800  }
0x47: {  	[sflag:s7] =	ssyncset.done $0x0  }
0x48: {  	s0 =	simm.s32 $0x4FF;
	[sflag:s7] =	ssyncadd.s32 $0xFFFFF800  }
0x49: {  	[spmem:s11] =	stream.linear.scatter [tilespmem:s0], [sflag:$0x1], $0x1, $0x38;
	[tilespmem:$0x2520] =	vst v63  }
0x4a: {  	_ =	swait.ge [sflag:s4], $0x1  }
0x4b: {  	[sflag:s4] =	ssyncset.done $0x0  }
0x4c: {  	[sflag:s4] =	ssyncadd.s32 $0xFFFFFFFF  }
0x4d: {  	v4 =	vld [tilespmem:$0x10]  }
0x4e: {  	v5 =	vld [tilespmem:$0x70]  }
0x4f: {  	v3 =	vld [tilespmem:$0x80];
	_ =	sdelay $0x2  }
0x50: {  	(v2sf) =	vpush v4, $0x0  }
0x51: {  	(v2sf) =	vpush v5, $0x0  }
0x52: {  	(v2sf) =	vpush v3, $0x0;
	_ =	sdelay $0xc  }
0x53: {  	s16 =	spop (v2sf)  }
0x54: {  	s2 =	spop (v2sf)  }
0x55: {  	s30 =	spop (v2sf)  }
0x56: {  	p0 =	seq.s32 s16, s2;
	p1 =	seq.s32 s30, s16  }
0x57: {  	p1 =	por p0, p1  }
0x58: {  	v4 =	vpsel p1, $0xFFFFFFFF, v4  }
0x59: {  	[tilespmem:s18+$0x0] =	vst.msk $0x1, v4  }
0x5a: {  	v4 =	vld [tilespmem:$0x30]  }
0x5b: {  	v5 =	vld [tilespmem:$0x1500]  }
0x5c: {  	v6 =	vld [tilespmem:$0x40];
	_ =	sdelay $0x3  }
0x5d: {  	vm4 =	vmmov vm1;
	v5 =	vadd.f32 v5, v4  }
0x5e: {  	vm5 =	vmmov vm2;
	s31 =	simm.s32 $0x1500;
	vm4 =	vmmov @p0 vm2;
	v4 =	vadd.f32 v6, v4  }
0x5f: {  	vm5 =	vmmov @p1 vm1;
	[tilespmem:s31+$0x0] =	vst.msk vm4, v5  }
0x60: {  	[tilespmem:s19+$0x0] =	vst.msk vm5, v4  }
0x61: {  	v4 =	vld [tilespmem:$0x10F0];
	_ =	sdelay $0x3  }
0x62: {  	v5 =	vimm.f32 $0.0e+00  }
0x63: {  	v4 =	vshift.insert v4, v5, s20;
	_ =	sdelay $0x1  }
0x64: {  	[tilespmem:s21+$0x0] =	vst.msk $0x1, v4  }
0x65: {  	[tilespmem:s22+$0x0] =	vst.msk $0x1, v5  }
0x66: {  	v4 =	vld [tilespmem:$0x4F0];
	_ =	sdelay $0x4  }
0x67: {  	v4 =	vshift.insert v4, v1, s20;
	_ =	sdelay $0x1  }
0x68: {  	[tilespmem:s23+$0x0] =	vst.msk $0x1, v4  }
0x69: {  	s17 =	simm.s32 $0x100;
	v6 =	vld [tilespmem:s31+$0x0]  }
0x6a: {  	v7 =	vld [tilespmem:s17+$0x0];
	_ =	sdelay $0x3  }
0x6b: {  	v5 =	vadd.f32 v6, v5  }
0x6c: {  	vm4 =	vne.s32 v7, $0xFFFFFFFF  }
0x6d: {  	(xrf2) =	vadd.seg.scan.f32 vm4, v5;
	_ =	sdelay $0x3  }
0x6e: {  	s0 =	simm.s32 $0xD00;
	v5 =	vperm.xlane v4, v1  }
0x6f: {  	v6 =	vld [tilespmem:s0+$0x0]  }
0x70: {  	vm5 =	veq.s32 v7, v3;
	vm6 =	veq.s32 v7, v5  }
0x71: {  	vm7 =	vgt.u32 v7, $0xFFFFFFFD;
	vm6 =	vmor vm6, vm5  }
0x72: {  	vm6 =	vmor vm6, vm7  }
0x73: {  	v9 =	vld [tilespmem:$0xA0];
	v7 =	vsel vm6, $0xFFFFFFFF, v7  }
0x74: {  	v10 =	vld [tilespmem:$0x90];
	v6 =	vsel vm5, $0x0, v6;
	v8, _, _ =	vpop (xrf2)  }
0x75: {  	v6 =	vadd.f32 v8, v6  }
0x76: {  	s2 =	simm.s32 $0x1D00  }
0x77: {  	vm4 =	vmand vm4, vm3;
	[tilespmem:s2+$0x0] =	vst v6;
	(ifvalue) =	ssetifvalue $0xFFFFFFFF  }
0x78: {  	vm6 =	veq.s32 v9, $0x1;
	[hbm4b:s1+s14] =	stream.indirect_vreg.scatter [tilespmem:s2], [sflag:$0x2], $0x1, v7, vm0, $0x4038;
	v7 =	vsel vm4, $0x0, v8;
	[tilespmem:$0x2520] =	vst v63  }
0x79: {  	s16 =	simm.s32 $0x0;
	s17 =	simm.s32 $0x110;
	vm4 =	vmor vm6, vm5;
	v6 =	vsel vm5, v8, v10;
	v7 =	vshift.insert v7, v0, s20  }
.LBB2_9:
0x7a: {  	v8 =	vld [tilespmem:s17+$0x0];
	s31 =	sadd.s32 $0x10, s31  }
0x7b: {  	s0 =	sadd.s32 $0x10, s0;
	v9 =	vld [tilespmem:s31+$0x0]  }
0x7c: {  	s16 =	sadd.s32 $0x10, s16;
	v10 =	vld [tilespmem:s0+$0x0]  }
0x7d: {  	p0 =	slt.u32 s16, $0x3F0;
	_ =	sdelay $0x2  }
0x7e: {  	v7 =	vadd.f32 v9, v7  }
0x7f: {  	vm5 =	vne.s32 v8, $0xFFFFFFFF  }
0x80: {  	vm6 =	vmand vm5, vm3;
	(xrf2) =	vadd.seg.scan.f32 vm5, v7;
	_ =	sdelay $0x5  }
0x81: {  	vm7 =	veq.s32 v8, v5;
	vm5 =	veq.s32 v8, v3  }
0x82: {  	vm8 =	vgt.u32 v8, $0xFFFFFFFD;
	vm4 =	vmor vm4, vm5;
	vm7 =	vmor vm7, vm5  }
0x83: {  	vm7 =	vmor vm7, vm8  }
0x84: {  	v8 =	vsel vm7, $0xFFFFFFFF, v8  }
.Ltmp7:
0x85: {  	v7 =	vsel vm5, $0x0, v10;
	v9, _, _ =	vpop (xrf2);
	(pc) =	sbr.rel @p0 .LBB2_9-.Ltmp7, $4  }
0x86: {  	v6 =	vsel vm5, v9, v6;
	v10 =	vadd.f32 v9, v7;
	v7 =	vsel vm6, $0x0, v9  }
0x87: {  	s2 =	sadd.s32 $0x10, s2;
	v7 =	vshift.insert v7, v0, s20  }
0x88: {  	s17 =	sadd.s32 $0x10, s17;
	[tilespmem:s2+$0x0] =	vst v10;
	(ifvalue) =	ssetifvalue $0xFFFFFFFF  }
0x89: {  	[hbm4b:s1+s14] =	stream.indirect_vreg.scatter [tilespmem:s2], [sflag:$0x2], $0x1, v8, vm0, $0x4038;
	[tilespmem:$0x2520] =	vst v63  }
0x8a: {  	v3 =	vld [tilespmem:$0x20F0];
	_ =	sdelay $0x4  }
0x8b: {  	v3 =	vshift.insert v3, v0, s20;
	_ =	sdelay $0x1  }
0x8c: {  	[tilespmem:s24+$0x0] =	vst.msk $0x1, v3  }
0x8d: {  	v3 =	vsel vm4, $0x1, v1;
	[tilespmem:$0x90] =	vst v6  }
0x8e: {  	[tilespmem:$0xA0] =	vst v3  }
0x8f: {  	[spmem:s12] =	stream.linear.scatter [tilespmem:s25], [sflag:$0x1], $0x1, $0x38;
	[tilespmem:$0x2520] =	vst v63  }
0x90: {  	v3 =	vmctz.xlane vm4;
	_ =	swait.ge [sflag:s4], $0x1  }
0x91: {  	(v2sf) =	vpush v4, $0x0  }
0x92: {  	(v2sf) =	vpush v3, $0x0;
	_ =	sdelay $0xd  }
0x93: {  	s0 =	spop (v2sf)  }
0x94: {  	s2 =	spop (v2sf)  }
0x95: {  	[sflag:s4] =	ssyncset.done $0x0;
	p0 =	sne.s32 s30, s0;
	p1 =	slt.s32 s2, $0xF  }
0x96: {  	[sflag:s4] =	ssyncadd.s32 $0xFFFFFFFF;
	v3 =	vimm.s32 @!p0 $0xFFFFFFFF;
	s2 =	simm.s32 @!p1 $0xF  }
0x97: {  	[tilespmem:$0x80] =	vst @!p0 v3;
	s31 =	sadd.s32 $0x90, s2  }
0x98: {  	[spmem:s10] =	stream.linear.scatter [tilespmem:s31], [sflag:$0x1], $0x1, $0x38;
	[tilespmem:$0x2520] =	vst v63  }
0x99: {  	_ =	swait.ge [sflag:s4], $0x1  }
0x9a: {  	[sflag:s4] =	ssyncset.done $0x0  }
0x9b: {  	[sflag:s4] =	ssyncadd.s32 $0xFFFFFFFF  }
0x9c: {  	[spmem:s13] =	stream.linear.scatter [tilespmem:s26], [sflag:$0x1], $0x1, $0x38;
	[tilespmem:$0x2520] =	vst v63  }
0x9d: {  	_ =	swait.ge [sflag:s4], $0x1  }
0x9e: {  	[sflag:s4] =	ssyncset.done $0x0  }
0x9f: {  	[sflag:s4] =	ssyncadd.s32 $0xFFFFFFFF;
	(ifvalue) =	ssetifvalue $0xFFFFFFFF;
	v3 =	vld [tilespmem:$0x10];
	_ =	sdelay $0x3  }
.Ltmp8:
0xa0: {  	_ = 	snop;
	(pc) =	sbr.rel .LBB2_4-.Ltmp8, $3  }
0xa1: {  	_ =	sdelay $0x1  }
0xa2: {  	(ifvalue) =	ssetifvalue $0xFFFFFFFF  }
0xa3: {  	[hbm4b:s1+s14] =	stream.indirect_vreg.scatter [tilespmem:s19], [sflag:$0x9], $0x1, v3, vm0, $0x4038;
	[tilespmem:$0x2520] =	vst v63  }
.LBB2_12:
0xa4: {  	s0 =	simm.s32 $0x2  }
0xa5: {  	_ =	swait.ge [sflag:s0], $0x400  }
0xa6: {  	[sflag:s0] =	ssyncset.done $0x0  }
0xa7: {  	s31 =	simm.s32 $0x9;
	[sflag:s0] =	ssyncadd.s32 $0xFFFFFC00  }
0xa8: {  	_ =	swait.ge [sflag:s31], $0x10  }
0xa9: {  	[sflag:s31] =	ssyncset.done $0x0  }
0xaa: {  	[sflag:s31] =	ssyncadd.s32 $0xFFFFFFF0  }
.LBB2_13:
0xab: {  	_ =	sfence.sel $0x180000  }
0xac: {  	s0 =	simm.s32 $0x7;
	[bflag:$0x0] =	sbarrier.arrive $0xFFFF  }
0xad: {  	s26 =	simm.s32 $0x8;
	[sflag:s0] =	ssyncpa.u1 $0x1  }
0xae: {  	s28 =	simm.s32 $0x9;
	[sflag:s26] =	ssyncpa.u1 $0x1  }
0xaf: {  	[sflag:s28] =	ssyncpa.u1 $0x1  }
0xb0: {  	_ =	sfence.stream.spmem  }
0xb1: {  	s29 =	simm.s32 $0x3;
	[bflag:$0x0] =	sbarrier.arrive $0xFFFF  }
0xb2: {  	s30 =	simm.s32 $0x4;
	[sflag:s29] =	ssyncpa.u1 $0x1  }
0xb3: {  	s31 =	simm.s32 $0x3C;
	s2 =	stileid.u32;
	[sflag:s30] =	ssyncpa.u1 $0x1  }
0xb4: {  	p0 =	sne.s32 s2, $0x0;
	[sflag:s31] =	ssyncpa.u1 $0x1  }
0xb5: {  	s0 =	simm.s32 @p0 $0x1;
	_ =	sfence @p0  }
0xb6: {  	[sflag:s0] =	ssyncpa.u1 @p0 $0x1;
	s0 =	simm.s32 @p0 $0x2  }
0xb7: {  	[sflag:s0] =	ssyncpa.u1 @p0 $0x1  }
0xb8: {  	_ =	strace @p0 $0x90000047  }
0xb9: {  	[bflag:$0x2] =	sbarrier.arrive @p0 $0xFFFF  }
0xba: {  	_ =	shalt @p0  }
.LBB2_14:
0xbb: {  	_ =	sfence.stream.spmem;
	s0 =	simm.s32 $0x5  }
0xbc: {  	s2 =	simm.s32 $0x80;
	s3 =	simm.s32 $0xC0;
	[sflag:s0] =	ssyncpa.u1 $0x0  }
0xbd: {  	[tilespmem:s3], [sflag:$0x5] =	stream.linear.gather [spmem:s2], $0x20, $0x38;
	[tilespmem:$0x2520] =	vst v63  }
0xbe: {  	s2 =	simm.s32 $0x0;
	s3 =	simm.s32 $0xE0  }
0xbf: {  	[tilespmem:s3], [sflag:$0x5] =	stream.linear.gather [spmem:s2], $0x20, $0x38;
	[tilespmem:$0x2520] =	vst v63  }
.Ltmp9:
0xc0: {  	_ = 	snop;
	(pc) =	sbr.rel .LBB2_15-.Ltmp9, $4  }
0xc1: {  	_ =	swait.ge [sflag:s0], $0x40  }
0xc2: {  	[sflag:s0] =	ssyncset.done $0x0  }
0xc3: {  	s31 =	simm.s32 $0x6;
	[sflag:s0] =	ssyncadd.s32 $0xFFFFFFC0  }
0xc4: {  	s4 =	simm.s32 $0x0;
	[sflag:s31] =	ssyncpa.u1 $0x0  }
.LBB2_20:
0xc5: {  	p0 =	sgt.u32 s0, $0x3FFF  }
0xc6: {  	s5 =	sshrl.u32 @!p0 s0, $0x3  }
0xc7: {  	s0 =	sand.u32 @!p0 $0x7, s0;
	s6 =	simm.s32 @!p0 $0xB0;
	s5 =	sadd.s32 @!p0 s1, s5  }
0xc8: {  	[tilespmem:s6], [sflag:$0x6] =	stream.linear.gather @!p0 [hbm4b:s5+s0], $0x1, $0x38;
	[tilespmem:$0x2520] =	vst v63  }
0xc9: {  	s0 =	simm.s32 @!p0 $0x6  }
0xca: {  	_ =	swait.ge @!p0 [sflag:s0], $0x1  }
0xcb: {  	[sflag:s0] =	ssyncset.done @!p0 $0x0  }
0xcc: {  	[sflag:s0] =	ssyncadd.s32 @!p0 $0xFFFFFFFF  }
0xcd: {  	v2 =	vmov @!p0 s4;
	v1 =	vld.msk @!p0 [tilespmem:$0xB0], $0x1;
	_ =	sdelay $0x3  }
0xce: {  	s0 =	simm.s32 @!p0 $0xE0  }
0xcf: {  	[tilespmem:v2+s0+$0x0], v1 =	vst.idx.ret.add.f32.msk @!p0 $0x1, v1  }
0xd0: {  	[tilespmem:s2+$0xC0] =	vst.msk $0x1, v0  }
0xd1: {  	v0 =	vld.msk [tilespmem:s4+$0xE0], $0x1;
	_ =	sdelay $0x4  }
0xd2: {  	[tilespmem:s2+$0xE0] =	vst.msk $0x1, v0;
	s2 =	sadd.s32 $0x1, s2  }
.LBB2_22:
0xd3: {  	s4 =	sadd.s32 $0x1, s4  }
0xd4: {  	p0 =	sne.s32 s4, $0x20  }
.Ltmp10:
0xd5: {  	_ = 	snop;
	(pc) =	sbr.rel @!p0 .LBB2_23-.Ltmp10, $1  }
0xd6: {  	_ =	sdelay $0x3  }
.LBB2_15:
0xd7: {  	v0 =	vld.msk [tilespmem:s4+$0xC0], $0x1;
	_ =	sdelay $0x4  }
0xd8: {  	(v2sf) =	vpush v0, $0x0;
	_ =	sdelay $0xe  }
0xd9: {  	s0 =	spop (v2sf)  }
0xda: {  	p0 =	seq.s32 s0, $0xFFFFFFFF  }
.Ltmp11:
0xdb: {  	_ = 	snop;
	(pc) =	sbr.rel @p0 .LBB2_22-.Ltmp11, $1  }
0xdc: {  	_ =	sdelay $0x3  }
0xdd: {  	p0 =	slt.s32 s2, $0x1  }
.Ltmp12:
0xde: {  	_ = 	snop;
	(pc) =	sbr.rel @p0 .LBB2_20-.Ltmp12, $1  }
0xdf: {  	_ =	sdelay $0x3  }
0xe0: {  	s5 =	simm.s32 $0xC0;
	p0 =	por $0x0, $0x0  }
0xe1: {  	v1 =	vld.msk @!p0 [tilespmem:s5+$0x0], $0x1;
	_ =	sdelay $0x4  }
0xe2: {  	(v2sf) =	vpush @!p0 v1, $0x0;
	_ =	sdelay $0xd  }
0xe3: {  	p2 =	sne.s32 s2, $0x1  }
.Ltmp13:
0xe4: {  	s6 =	spop @!p0 (v2sf);
	(pc) =	sbr.rel @!p2 .LBB2_19-.Ltmp13, $4  }
0xe5: {  	p1 =	seq.s32 @!p0 s0, s6  }
0xe6: {  	s6 =	simm.s32 $0x0;
	p1 =	por !p1, p0  }
0xe7: {  	s8 =	simm.s32 $0xFFFFFFFF;
	s6 =	simm.s32 @p1 $0xFFFFFFFF  }
0xe8: {  	s7 =	simm.s32 $0x1;
	s6 =	smov.u32 @p0 s8  }
.LBB2_18:
0xe9: {  	s8 =	smov.u32 s6;
	p0 =	sne.s32 s6, $0xFFFFFFFF  }
0xea: {  	s5 =	sadd.s32 $0x1, s5;
	s6 =	smov.u32 s7;
	s7 =	sadd.s32 $0x1, s7  }
0xeb: {  	p1 =	sne.s32 s2, s7;
	v1 =	vld.msk @!p0 [tilespmem:s5+$0x0], $0x1;
	_ =	sdelay $0x4  }
0xec: {  	(v2sf) =	vpush @!p0 v1, $0x0;
	_ =	sdelay $0xe  }
.Ltmp14:
0xed: {  	s9 =	spop @!p0 (v2sf);
	(pc) =	sbr.rel @p1 .LBB2_18-.Ltmp14, $4  }
0xee: {  	p2 =	seq.s32 @!p0 s0, s9  }
0xef: {  	p2 =	por !p2, p0  }
0xf0: {  	s6 =	simm.s32 @p2 $0xFFFFFFFF  }
0xf1: {  	s6 =	smov.u32 @p0 s8  }
.LBB2_19:
0xf2: {  	p0 =	sne.s32 s6, $0xFFFFFFFF  }
.Ltmp15:
0xf3: {  	_ = 	snop;
	(pc) =	sbr.rel @!p0 .LBB2_20-.Ltmp15, $1  }
0xf4: {  	_ =	sdelay $0x3  }
0xf5: {  	v0 =	vld.msk [tilespmem:s4+$0xE0], $0x1;
	v1 =	vmov s6  }
.Ltmp16:
0xf6: {  	_ = 	snop;
	(pc) =	sbr.rel .LBB2_22-.Ltmp16, $2  }
0xf7: {  	_ =	sdelay $0x2  }
0xf8: {  	[tilespmem:v1+s3+$0x0], v0 =	vst.idx.ret.add.f32.msk $0x1, v0  }
.LBB2_23:
0xf9: {  	p0 =	slt.s32 s2, $0x1  }
.Ltmp17:
0xfa: {  	_ = 	snop;
	(pc) =	sbr.rel @p0 .LBB2_27-.Ltmp17, $3  }
0xfb: {  	_ =	sdelay $0x1  }
0xfc: {  	s0 =	simm.s32 $0x6  }
0xfd: {  	[sflag:s0] =	ssyncpa.u1 $0x1;
	s0 =	simm.s32 $0x0  }
0xfe: {  	s3 =	simm.s32 $0xC0  }
0xff: {  	v0 =	vld.msk [tilespmem:s3+$0x0], $0x1;
	_ =	sdelay $0x4  }
0x100: {  	(v2sf) =	vpush v0, $0x0;
	_ =	sdelay $0xe  }
0x101: {  	s2 =	sadd.s32 $0xFFFFFFFF, s2;
	s4 =	spop (v2sf)  }
0x102: {  	p1 =	sne.s32 s2, $0x0;
	p0 =	sgt.u32 s4, $0x3FFF  }
.Ltmp18:
0x103: {  	s5 =	sshrl.u32 @!p0 s4, $0x3;
	(pc) =	sbr.rel @!p1 .LBB2_26-.Ltmp18, $4  }
0x104: {  	s3 =	simm.s32 $0xE0;
	s4 =	sand.u32 @!p0 $0x7, s4;
	s5 =	sadd.s32 @!p0 s1, s5  }
0x105: {  	[hbm4b:s5+s4] =	stream.linear.scatter @!p0 [tilespmem:s3], [sflag:$0x5], $0x1, $0x38;
	[tilespmem:$0x2520] =	vst v63  }
0x106: {  	s5 =	simm.s32 $0x0  }
0x107: {  	s4 =	simm.s32 $0xC1;
	s5 =	simm.s32 @!p0 $0x4  }
.LBB2_25:
0x108: {  	v0 =	vld.msk [tilespmem:s4+$0x0], $0x1;
	s2 =	sadd.s32 $0xFFFFFFFF, s2;
	s0 =	sadd.s32 s0, s5  }
0x109: {  	p0 =	sne.s32 s2, $0x0;
	_ =	sdelay $0x3  }
0x10a: {  	(v2sf) =	vpush v0, $0x0;
	_ =	sdelay $0xe  }
.Ltmp19:
0x10b: {  	s6 =	spop (v2sf);
	(pc) =	sbr.rel @p0 .LBB2_25-.Ltmp19, $4  }
0x10c: {  	s5 =	simm.s32 $0x0;
	p1 =	sgt.u32 s6, $0x3FFF  }
0x10d: {  	s3 =	sadd.s32 $0x1, s3;
	s5 =	simm.s32 @!p1 $0x4;
	s7 =	sshrl.u32 @!p1 s6, $0x3  }
0x10e: {  	s4 =	sadd.s32 $0x1, s4;
	s6 =	sand.u32 @!p1 $0x7, s6;
	s7 =	sadd.s32 @!p1 s1, s7  }
0x10f: {  	[hbm4b:s7+s6] =	stream.linear.scatter @!p1 [tilespmem:s3], [sflag:$0x5], $0x1, $0x38;
	[tilespmem:$0x2520] =	vst v63  }
.LBB2_26:
0x110: {  	s0 =	sadd.s32 s0, s5  }
0x111: {  	s0 =	sshrl.u32 s0, $0x2  }
.LBB2_27:
0x112: {  	s1 =	simm.s32 $0x5  }
0x113: {  	_ =	swait.ge [sflag:s1], s0  }
0x114: {  	s28 =	ssub.s32 $0x0, s0;
	[sflag:s1] =	ssyncset.done $0x0  }
0x115: {  	[sflag:s1] =	ssyncadd.s32 s28  }
0x116: {  	[sflag:s1] =	ssyncpa.u1 $0x1  }
0x117: {  	s29 =	simm.s32 $0x1;
	_ =	sfence  }
0x118: {  	s30 =	simm.s32 $0x2;
	[sflag:s29] =	ssyncpa.u1 $0x1  }
0x119: {  	[sflag:s30] =	ssyncpa.u1 $0x1  }
0x11a: {  	_ =	strace $0x90000047  }
0x11b: {  	[bflag:$0x2] =	sbarrier.arrive $0xFFFF  }
0x11c: {  	s31 =	rddreg [dreg:$0x1]  }
0x11d: {  	s0 =	sadd.s32 $0x100000, s31  }
0x11e: {  	[sflag:s0] =	ssyncadd.tile.s32 $0x1;
	_ =	shalt  }
.Lfunc_end2:
_tile_overlayer_lowered:
.L_overlay_start_2:
0x11f: {  	(tag) =	ssettag $0x2  }
0x120: {  	s0 =	rddreg [dreg:$0x0];
	s2 =	stileid.u32  }
0x121: {  	s1 =	rddreg [dreg:$0x1];
	p0 =	sne.s32 s2, $0x0  }
0x122: {  	s3 =	rddreg [dreg:$0x2];
	[bflag:$0x3] =	sbarrier.arrive $0xFFFF;
	s2 =	simm.s32 @!p0 $0x1C01  }
0x123: {  	[timem:s3], [sflag:s2] =	dma.local @!p0 [hbm:s0], s1  }
0x124: {  	s0 =	simm.s32 @!p0 $0x1  }
0x125: {  	_ =	swait.ge @!p0 [sflag:s0], s1  }
0x126: {  	s1 =	ssub.s32 @!p0 $0x0, s1;
	[sflag:s0] =	ssyncset.done @!p0 $0x0  }
0x127: {  	[sflag:s0] =	ssyncadd.s32 @!p0 s1  }
0x128: {  	[bflag:$0x3] =	sbarrier.arrive $0xFFFF  }
0x129: {  	_ =	shalt  }

// kernel: scatter_offload_async_start
scs
__scs_entry_jumppad:
0x0: {  	(pc) =	sbr.rel $0x88, $3  }
0x1: {  	(tag) =	ssettag $0x0;
	lr =	simm.s32 $0x1  }
0x2: {  	[smem:$0x3F90] =	sst lr;
	_ =	strace $0xD0000000  }
0x3: {  	_ = 	snop  }
0x4: {  	_ = 	snop  }
0x5: {  	_ = 	snop  }
0x6: {  	_ = 	snop  }
0x7: {  	_ = 	snop  }
__scs_overlays_trampoline_lowered:
0x8: {  	[smem:$0x3F9F] =	sst s0  }
0x9: {  	[smem:$0x3FA0] =	sst s1  }
0xa: {  	[smem:$0x3FA1] =	sst s2  }
0xb: {  	[smem:$0x3FA2] =	sst s3  }
0xc: {  	[smem:$0x3FA3] =	sst s4  }
0xd: {  	[smem:$0x3FA4] =	sst s5  }
0xe: {  	[smem:$0x3FA5] =	sst s6  }
0xf: {  	[smem:$0x3FA6] =	sst s7  }
0x10: {  	[smem:$0x3FA7] =	sst s8  }
0x11: {  	[smem:$0x3FA8] =	sst s9;
	s0 =	simm.s32 @!p0 $0x0  }
0x12: {  	s1 =	sld [smem:$0x3F8E];
	s0 =	simm.s32 @p0 $0x1  }
0x13: {  	[smem:$0x3FA9] =	sst s0;
	s0 =	simm.s32 @!p1 $0x0  }
0x14: {  	s2 =	sld [smem:$0x3F8D];
	s0 =	simm.s32 @p1 $0x1  }
0x15: {  	[smem:$0x3FAA] =	sst s0;
	s0 =	simm.s32 @!p2 $0x0  }
0x16: {  	s3 =	sld [smem:$0x3FDB];
	s0 =	simm.s32 @p2 $0x1  }
0x17: {  	s4 =	simm.s32 $0x1BF5;
	[smem:$0x3FAC] =	sst s0  }
0x18: {  	s0 =	sld [smem:$0x3F8F];
	_ =	swait.ge [sflag:s4], $0x0  }
0x19: {  	s7 =	sld [smem:$0x3F90]  }
0x1a: {  	s8 =	sadd.s32 $0xFFFFE003, lr  }
0x1b: {  	s9 =	sadd.s32 $0xFFFFFEF7, lr;
	s5 =	simm.s32 $0xFFFFFFFF;
	p2 =	slt.u32 s8, $0xFFFFF086  }
0x1c: {  	p1 =	slt.u32 s9, $0xF7A;
	s5 =	simm.s32 @!p2 $0x0  }
0x1d: {  	s5 =	simm.s32 @p1 $0x1;
	p0 =	seq.s32 s7, s2  }
0x1e: {  	s7 =	smul.u32 @!p0 $0xF7A, s2;
	p2 =	seq.s32 @!p0 s5, $0x0  }
0x1f: {  	s9 =	smul.u32 $0xF7A, s1;
	s8 =	simm.s32 @!p0 $0x1BF5;
	p2 =	por !p2, p0  }
0x20: {  	[sflag:s8] =	ssyncset.s32 @!p0 $0xFFFFF086;
	s6 =	sadd.s32 @!p0 s3, s7;
	s7 =	simm.s32 @!p0 $0x108  }
0x21: {  	s3 =	sadd.s32 s3, s9;
	s6 =	sadd.s32 @!p0 $0x88, s6;
	s7 =	simm.s32 @p2 $0x1082  }
0x22: {  	[simem:s7], [sflag:s8] =	dma.local @!p0 [hbm:s6], $0xF7A  }
0x23: {  	s9 =	sor.u32 $0xD0000000, s2;
	s6 =	simm.s32 $0x108;
	_ =	swait.ge @!p0 [sflag:s8], $0x0  }
0x24: {  	s3 =	sadd.s32 $0x88, s3;
	s6 =	simm.s32 @!p1 $0x1082;
	[sflag:s4] =	ssyncset.s32 $0xFFFFF086  }
0x25: {  	[simem:s6], [sflag:s4] =	dma.local [hbm:s3], $0xF7A  }
0x26: {  	[smem:$0x3F90] =	sst s1;
	(tag) =	ssettag s2;
	_ =	strace s9  }
0x27: {  	s1 =	sld [smem:$0x3FA0]  }
0x28: {  	s2 =	sld [smem:$0x3FA1]  }
0x29: {  	s4 =	sld [smem:$0x3FA3]  }
0x2a: {  	p0 =	seq.s32 s5, $0x0;
	s5 =	sld [smem:$0x3FA4]  }
0x2b: {  	s6 =	sld [smem:$0x3FA5]  }
0x2c: {  	s7 =	sld [smem:$0x3FA6]  }
0x2d: {  	s3 =	simm.s32 $0x108;
	s8 =	sld [smem:$0x3FA7]  }
0x2e: {  	s3 =	simm.s32 @!p0 $0x1082;
	s9 =	sld [smem:$0x3FA8]  }
0x2f: {  	lr =	sadd.s32 s0, s3;
	s0 =	sld [smem:$0x3F9F]  }
0x30: {  	s3 =	sld [smem:$0x3FA2]  }
0x31: {  	[smem:$0x3FAB] =	sst s10  }
0x32: {  	s10 =	sld [smem:$0x3FA9];
	_ =	sdelay $0x3  }
0x33: {  	p0 =	seq.s32 s10, $0x1;
	s10 =	sld [smem:$0x3FAB];
	_ =	sdelay $0x3  }
0x34: {  	[smem:$0x3FAB] =	sst s10  }
0x35: {  	s10 =	sld [smem:$0x3FAA];
	_ =	sdelay $0x3  }
0x36: {  	p1 =	seq.s32 s10, $0x1;
	s10 =	sld [smem:$0x3FAB];
	_ =	sdelay $0x3  }
0x37: {  	[smem:$0x3FAB] =	sst s10  }
0x38: {  	s10 =	sld [smem:$0x3FAC]  }
0x39: {  	_ = 	snop;
	(pc) =	sbr.ind lr, $3  }
0x3a: {  	_ = 	snop  }
0x3b: {  	_ = 	snop  }
0x3c: {  	p2 =	seq.s32 s10, $0x1;
	s10 =	sld [smem:$0x3FAB]  }
0x3d: {  	_ =	shalt  }
0x3e: {  	_ =	shalt  }
0x3f: {  	_ =	shalt  }
0x40: {  	_ =	shalt  }
0x41: {  	_ =	shalt  }
0x42: {  	_ =	shalt  }
0x43: {  	_ =	shalt  }
0x44: {  	_ =	shalt  }
0x45: {  	_ =	shalt  }
0x46: {  	_ =	shalt  }
0x47: {  	_ =	shalt  }
0x48: {  	_ =	shalt  }
0x49: {  	_ =	shalt  }
0x4a: {  	_ =	shalt  }
0x4b: {  	_ =	shalt  }
0x4c: {  	_ =	shalt  }
0x4d: {  	_ =	shalt  }
0x4e: {  	_ =	shalt  }
0x4f: {  	_ =	shalt  }
0x50: {  	_ =	shalt  }
0x51: {  	_ =	shalt  }
0x52: {  	_ =	shalt  }
0x53: {  	_ =	shalt  }
0x54: {  	_ =	shalt  }
0x55: {  	_ =	shalt  }
0x56: {  	_ =	shalt  }
0x57: {  	_ =	shalt  }
0x58: {  	_ =	shalt  }
0x59: {  	_ =	shalt  }
0x5a: {  	_ =	shalt  }
0x5b: {  	_ =	shalt  }
0x5c: {  	_ =	shalt  }
0x5d: {  	_ =	shalt  }
0x5e: {  	_ =	shalt  }
0x5f: {  	_ =	shalt  }
0x60: {  	_ =	shalt  }
0x61: {  	_ =	shalt  }
0x62: {  	_ =	shalt  }
0x63: {  	_ =	shalt  }
0x64: {  	_ =	shalt  }
0x65: {  	_ =	shalt  }
0x66: {  	_ =	shalt  }
0x67: {  	_ =	shalt  }
0x68: {  	_ =	shalt  }
0x69: {  	_ =	shalt  }
0x6a: {  	_ =	shalt  }
0x6b: {  	_ =	shalt  }
0x6c: {  	_ =	shalt  }
0x6d: {  	_ =	shalt  }
0x6e: {  	_ =	shalt  }
0x6f: {  	_ =	shalt  }
0x70: {  	_ =	shalt  }
0x71: {  	_ =	shalt  }
0x72: {  	_ =	shalt  }
0x73: {  	_ =	shalt  }
0x74: {  	_ =	shalt  }
0x75: {  	_ =	shalt  }
0x76: {  	_ =	shalt  }
0x77: {  	_ =	shalt  }
0x78: {  	_ =	shalt  }
0x79: {  	_ =	shalt  }
0x7a: {  	_ =	shalt  }
0x7b: {  	_ =	shalt  }
0x7c: {  	_ =	shalt  }
0x7d: {  	_ =	shalt  }
0x7e: {  	_ =	shalt  }
0x7f: {  	_ =	shalt  }
0x80: {  	_ =	shalt  }
0x81: {  	_ =	shalt  }
0x82: {  	_ =	shalt  }
0x83: {  	_ =	shalt  }
0x84: {  	_ =	shalt  }
0x85: {  	_ =	shalt  }
0x86: {  	_ =	shalt  }
0x87: {  	_ =	shalt  }
.Lfunc_end0:
.L_simem_size_0:
called_computation_lowered:
.L_overlay_start_0:
0x88: {  	s2 =	sld [smem:$0x3FD9]  }
0x89: {  	s3 =	sld [smem:$0x3FFE];
	_ =	sdelay $0x1  }
0x8a: {  	s1 =	srdreg.scid  }
0x8b: {  	s0 =	sand.u32 $0x1, s1  }
0x8c: {  	s15 =	sshll.u32 s0, $0xA;
	s2 =	sadd.s32 s3, s2  }
0x8d: {  	s2 =	sadd.s32 s2, s15  }
0x8e: {  	[smem:$0x3FB7] =	sst s2  }
0x8f: {  	_ = 	snop  }
0x90: {  	s2 =	sld [smem:$0x3FD0];
	_ =	sdelay $0x2  }
0x91: {  	s4 =	simm.s32 $0xB;
	s16 =	simm.s32 $0x10  }
0x92: {  	[smem:s16], [sflag:s4] =	dma.local [hbm:s2], $0x1  }
0x93: {  	_ =	swait.eq [sflag:s4], $0x1  }
0x94: {  	[sflag:s4] =	ssyncset.done $0x0  }
0x95: {  	s17 =	sld [smem:$0x10];
	[sflag:s4] =	ssyncadd.s32 $0xFFFFFFFF  }
0x96: {  	s18 =	sld [smem:$0x12];
	(tm) =	ssettm $0x1  }
0x97: {  	s19 =	sld [smem:$0x3FFB];
	_ =	sdelay $0x3  }
0x98: {  	_ =	strace s19  }
0x99: {  	s2 =	sld [smem:$0x3FFC];
	_ =	sdelay $0x3  }
0x9a: {  	_ =	strace s2  }
0x9b: {  	s2 =	sld [smem:$0x3FFD];
	_ =	sdelay $0x3  }
0x9c: {  	_ =	strace s2  }
0x9d: {  	_ =	strace $0x8FFFFFFF  }
0x9e: {  	s20 =	sld [smem:$0x3FDB];
	_ =	sdelay $0x1  }
0x9f: {  	s5 =	simm.s32 $_scs_section_size  }
0xa0: {  	s6 =	simm.s32 $_size__tile_overlayer_lowered;
	s7 =	simm.s32 $_tile_overlayer_lowered  }
0xa1: {  	s8 =	simm.s32 $0x1BFF;
	s21 =	sshll.u32 s7, $0x1;
	s5 =	sadd.s32 s5, s20  }
0xa2: {  	s22 =	simm.s32 $0x0;
	s6 =	sshll.u32 s6, $0x1;
	s7 =	sadd.s32 s21, s5  }
0xa3: {  	[timem:s22], [sflag:s8] =	dma.local [hbm:s7], s6  }
0xa4: {  	_ =	swait.ge [sflag:s8], s6  }
0xa5: {  	s6 =	ssub.s32 $0x0, s6;
	[sflag:s8] =	ssyncset.done $0x0  }
0xa6: {  	[sflag:s8] =	ssyncadd.s32 s6;
	_ =	sdelay $0x1  }
0xa7: {  	s23 =	simm.s32 $0x1B8B  }
0xa8: {  	_ =	swait.ge [sflag:s23], $0x1  }
0xa9: {  	[sflag:s23] =	ssyncset.done $0x0  }
0xaa: {  	[sflag:s23] =	ssyncadd.s32 $0xFFFFFFFF  }
0xab: {  	s6 =	sld [smem:$0x0]  }
0xac: {  	s7 =	sand.u32 $0xFFFFFFFE, s1  }
0xad: {  	p0 =	sne.s32 s1, s7  }
0xae: {  	s7 =	sshll.u32 @p0 s7, $0xE  }
0xaf: {  	s7 =	sadd.s32 @p0 $0x11B8D, s7;
	s8 =	sshll.u32 @p0 s6, $0x11  }
0xb0: {  	s7 =	sor.u32 @p0 s8, s7  }
0xb1: {  	[sflag:s7] =	ssyncadd.remote.s32 @p0 $0x1;
	_ =	sdelay $0x1  }
0xb2: {  	s7 =	simm.s32 @p0 $0x1B8D  }
0xb3: {  	_ =	swait.eq @p0 [sflag:s7], $0x1  }
0xb4: {  	[sflag:s7] =	ssyncadd.s32 @p0 $0xFFFFFFFF  }
0xb5: {  	s8 =	sshll.u32 @!p0 s1, $0xE  }
0xb6: {  	s8 =	sor.u32 @!p0 $0x4000, s8;
	s7 =	simm.s32 @!p0 $0x1B8D  }
0xb7: {  	s9 =	sshll.u32 @!p0 s6, $0x11;
	s8 =	sadd.s32 @!p0 $0x11B8D, s8;
	_ =	swait.eq @!p0 [sflag:s7], $0x1  }
0xb8: {  	[sflag:s7] =	ssyncadd.s32 @!p0 $0xFFFFFFFF;
	s7 =	sor.u32 @!p0 s9, s8  }
0xb9: {  	s25 =	simm.s32 $0x1B8E;
	s24 =	sld [smem:$0x3FFE];
	[sflag:s7] =	ssyncadd.remote.s32 @!p0 $0x1  }
0xba: {  	s26 =	simm.s32 $execute0_lowered;
	[smem:$0x3FD2] =	sst s25  }
0xbb: {  	s8 =	sshll.u32 s26, $0x1;
	_ =	strace $0x80000049;
	[dreg:$0x1] =	wrdreg $0xFFFFFFFF  }
0xbc: {  	s28 =	simm.s32 $_size_execute0_lowered;
	s5 =	sadd.s32 s5, s8;
	[dreg:$0x0] =	wrdreg $0x0  }
0xbd: {  	s8 =	sshll.u32 s28, $0x1;
	[dreg:$0x2] =	wrdreg s5  }
0xbe: {  	[dreg:$0x3] =	wrdreg s8  }
0xbf: {  	[dreg:$0x4] =	wrdreg $0xC0  }
0xc0: {  	_ =	task [dreg:s22], $0x5FFFF  }
0xc1: {  	[dreg:$0x1] =	wrdreg $0xFFFFFFFF  }
0xc2: {  	[dreg:$0x0] =	wrdreg $0x60  }
0xc3: {  	[dreg:$0x2] =	wrdreg s24  }
0xc4: {  	[dreg:$0x3] =	wrdreg s18  }
0xc5: {  	[dreg:$0x4] =	wrdreg s17  }
0xc6: {  	[dreg:$0x5] =	wrdreg s1  }
0xc7: {  	[dreg:$0x6] =	wrdreg s6  }
0xc8: {  	[dreg:$0x7] =	wrdreg $0x9  }
0xc9: {  	_ =	task.clear_ibuf [dreg:s22], $0x8FFFF;
	_ =	strace $0x90000049  }
0xca: {  	s29 =	simm.s32 $0x9;
	_ =	strace $0x8000004B  }
0xcb: {  	_ =	swait.ge [sflag:s29], $0x1  }
0xcc: {  	[sflag:s29] =	ssyncadd.s32 $0xFFFFFFFF  }
0xcd: {  	_ =	strace $0x9000004B  }
0xce: {  	_ =	sfence  }
0xcf: {  	s30 =	sld [smem:$0x0];
	_ =	sdelay $0x2  }
0xd0: {  	s31 =	sshll.u32 s1, $0xD;
	s1 =	sshrl.u32 s1, $0x2  }
0xd1: {  	s4 =	sand.u32 $0x4000, s31;
	s1 =	sadd.s32 s1, s30  }
0xd2: {  	s0 =	sor.u32 s4, s0;
	s1 =	sshll.u32 s1, $0x11  }
0xd3: {  	s0 =	sor.u32 s1, s0  }
0xd4: {  	s0 =	sadd.s32 $0x8F2B, s0  }
0xd5: {  	[sflag:s0] =	ssyncadd.remote.s32 $0x1  }
0xd6: {  	_ =	sfence.sel $0xFFFF  }
0xd7: {  	[dreg:$0x0] =	wrdreg $0xFFFFFFFF;
	(pc) =	sbr.abs _section_cstart, $3  }
0xd8: {  	[dreg:$0x1] =	wrdreg $0xFFFFFFFF  }
0xd9: {  	_ =	task.clear_ibuf [dreg:s22], $0x2FFFF;
	_ =	strace $0x9FFFFFFF  }
0xda: {  	(tm) =	ssettm $0x7FFFFFFF  }
0xdb: {  	_ =	shalt  }
tec
execute0_lowered:
.L_overlay_start_1:
0x0: {  	(tag) =	ssettag $0x1  }
0x1: {  	s2 =	rddreg [dreg:$0x0]  }
0x2: {  	s0 =	rddreg [dreg:$0x1]  }
0x3: {  	s4 =	rddreg [dreg:$0x2]  }
0x4: {  	s5 =	rddreg [dreg:$0x3];
	_ =	strace $0x8000004A;
	s1 =	simm.s32 $0x1  }
0x5: {  	s3 =	simm.s32 $0x308;
	v0 =	vimm.s32 $0x0;
	[sflag:s1] =	ssyncpa.u1 $0x0  }
0x6: {  	[tilespmem:s3+$0x70] =	vst v0  }
0x7: {  	[tilespmem:s3+$0x60] =	vst v0  }
0x8: {  	[tilespmem:s3+$0x50] =	vst v0  }
0x9: {  	[tilespmem:s3+$0x40] =	vst v0  }
0xa: {  	[tilespmem:s3+$0x30] =	vst v0  }
0xb: {  	s7 =	simm.s32 $0x40;
	s1 =	sadd.s32 $0x181000, s2;
	s5 =	sand.u32 $0x1, s5;
	[tilespmem:s3+$0x20] =	vst v0  }
0xc: {  	s6 =	sadd.s32 $0xC1000, s2;
	[dreg:$0x6] =	wrdreg s5;
	s5 =	sshll.u32 s5, $0xA;
	[tilespmem:s3+$0x10] =	vst v0  }
.LBB2_1:
0xd: {  	s7 =	sadd.s32 $0x40, s7;
	[tilespmem:s3+$0x0] =	vst v0;
	s3 =	sadd.s32 $0x80, s3  }
0xe: {  	p0 =	slt.u32 s7, $0x30C0;
	[tilespmem:s3+$0x70] =	vst v0  }
0xf: {  	[tilespmem:s3+$0x60] =	vst v0  }
.Ltmp0:
0x10: {  	[tilespmem:s3+$0x50] =	vst v0;
	(pc) =	sbr.rel @p0 .LBB2_1-.Ltmp0, $4  }
0x11: {  	[tilespmem:s3+$0x40] =	vst v0  }
0x12: {  	[tilespmem:s3+$0x30] =	vst v0  }
0x13: {  	[tilespmem:s3+$0x20] =	vst v0  }
0x14: {  	[tilespmem:s3+$0x10] =	vst v0  }
0x15: {  	s2 =	simm.s32 $0x2;
	s28 =	stileid.u32;
	s29 =	simm.s32 $0x9  }
0x16: {  	s30 =	simm.s32 $0xA;
	s31 =	simm.s32 $0xB;
	s8 =	sadd.s32 s5, s4  }
0x17: {  	s0 =	sadd.s32 s5, s0;
	s23 =	simm.s32 $0x0;
	p0 =	por $0x1, $0x1  }
0x18: {  	p1 =	por $0x0, $0x0;
	s16 =	simm.s32 $0x1;
	s10 =	simm.s32 $0xC  }
.Ltmp1:
0x19: {  	s18 =	simm.s32 $0x80;
	s19 =	simm.s32 $0x400;
	(pc) =	sbr.rel .LBB2_3-.Ltmp1, $4  }
0x1a: {  	[tilespmem:s3+$0x0] =	vst v0;
	v0 =	vimm.s32 $0xFFFFFFFF;
	s21 =	simm.s32 $0x0;
	s20 =	simm.s32 $0x0;
	[sflag:s2] =	ssyncpa.u1 $0x0  }
0x1b: {  	s17 =	sshll.u32 s28, $0x9;
	s2 =	smul.u32 $0xC00, s28;
	[tilespmem:$0xC608] =	vst v0;
	[sflag:s29] =	ssyncpa.u1 $0x0  }
0x1c: {  	[dreg:$0x7] =	wrdreg s0;
	s12 =	sadd.s32 $0x200, s17;
	[sflag:s30] =	ssyncpa.u1 $0x0  }
0x1d: {  	v0 =	vlaneseq.u32;
	s22 =	smov.u32 s17;
	s15 =	sshrl.u32 s2, $0x2;
	[sflag:s31] =	ssyncpa.u1 $0x0  }
.LBB2_28:
0x1e: {  	s2 =	sshrl.u32 s31, $0x2  }
.LBB2_30:
0x1f: {  	_ =	swait.ge [sflag:s10], s2  }
0x20: {  	s31 =	ssub.s32 $0x0, s2;
	v1 =	vmov s26;
	vm0 =	veq.s32 v0, $0x0;
	[sflag:s10] =	ssyncset.done $0x0  }
0x21: {  	vm15 =	veq.s32 v0, $0x2;
	v1 =	vsel vm0, s0, v1;
	[sflag:s10] =	ssyncadd.s32 s31  }
0x22: {  	v1 =	vsel vm15, s23, v1;
	[sflag:s10] =	ssyncpa.u1 $0x1  }
0x23: {  	[tilespmem:$0xC608] =	vst v1  }
.LBB2_31:
0x24: {  	s0 =	sadd.s32 $0x40, s22  }
0x25: {  	s2 =	smov.u32 s17;
	s20 =	sadd.s32 $0x1, s20;
	p2 =	slt.s32 s0, s12  }
0x26: {  	s2 =	smov.u32 @p2 s0;
	p2 =	sne.s32 s20, $0xA  }
.Ltmp2:
0x27: {  	_ = 	snop;
	(pc) =	sbr.rel @!p2 .LBB2_32-.Ltmp2, $3  }
0x28: {  	_ =	sdelay $0x1  }
0x29: {  	s23 =	smov.u32 s21;
	s21 =	smov.u32 s22  }
0x2a: {  	p0 =	por !p0, !p0;
	p1 =	por !p1, !p1;
	s22 =	smov.u32 s2  }
.LBB2_3:
0x2b: {  	p2 =	sgt.u32 s20, $0x7  }
0x2c: {  	s0 =	smul.u32 @!p2 $0xAB, s20  }
0x2d: {  	s2 =	smov.u32 s22;
	p3 =	sgt.s32 @!p2 s22, $0x1FC0  }
0x2e: {  	s3 =	sshra.s32 @!p2 s22, $0x1F;
	p3 =	por !p3, p2;
	s0 =	sshrl.u32 @!p2 s0, $0x9  }
0x2f: {  	s3 =	sand.u32 @!p2 s3, s22;
	s2 =	simm.s32 @p3 $0x1FC0;
	s0 =	sand.u32 @!p2 $0x7F, s0  }
0x30: {  	s2 =	ssub.s32 @!p2 s2, s3;
	s0 =	smul.u32 @!p2 $0x3, s0  }
0x31: {  	s4 =	sand.u32 @!p2 $0x7, s22;
	s2 =	sadd.s32 @!p2 $0xFFFFE040, s2  }
0x32: {  	s3 =	sshll.u32 @!p2 s2, $0x2;
	p3 =	sgt.s32 @!p2 s2, $0x3F;
	s0 =	ssub.s32 @!p2 s20, s0  }
0x33: {  	s2 =	ssub.s32 @!p2 $0x100, s3;
	p3 =	por !p3, p2;
	s0 =	sand.u32 @!p2 $0xFF, s0  }
0x34: {  	s3 =	sshrl.u32 @!p2 s22, $0x3;
	s2 =	sshrl.u32 @!p2 s2, $0x2;
	s0 =	sshll.u32 @!p2 s0, $0x6  }
0x35: {  	s3 =	sadd.s32 @!p2 s3, s8;
	s2 =	simm.s32 @!p3 $0x0;
	s0 =	sadd.s32 @!p2 $0xF648, s0  }
0x36: {  	[tilespmem:s0], [sflag:$0xA] =	stream.linear.gather @!p2 [hbm4b:s3+s4], s2, $0x38;
	[tilespmem:$0x1B788] =	vst v63  }
0x37: {  	p2 =	seq.s32 s20, $0x0  }
0x38: {  	p3 =	seq.s32 @!p2 s20, $0x9  }
0x39: {  	p2 =	por p2, p3  }
.Ltmp3:
0x3a: {  	_ = 	snop;
	(pc) =	sbr.rel @p2 .LBB2_13-.Ltmp3, $1  }
0x3b: {  	_ =	sdelay $0x3  }
0x3c: {  	p2 =	sgt.s32 s21, $0x1FC0  }
0x3d: {  	s0 =	smov.u32 s21;
	s2 =	sshra.s32 s21, $0x1F;
	s3 =	sadd.s32 $0xFFFFFFFF, s20  }
0x3e: {  	s0 =	simm.s32 @!p2 $0x1FC0;
	s2 =	sand.u32 s2, s21;
	s4 =	sand.u32 $0xFF, s3  }
0x3f: {  	s0 =	ssub.s32 s0, s2;
	s4 =	smul.u32 $0xAB, s4  }
0x40: {  	s7 =	simm.s32 $0xA;
	s0 =	sadd.s32 $0xFFFFE040, s0  }
0x41: {  	s9 =	sshrl.u32 s21, $0x3;
	s5 =	sshll.u32 s0, $0x2;
	s4 =	sshrl.u32 s4, $0x9  }
0x42: {  	s14 =	sand.u32 $0x7, s21;
	s5 =	ssub.s32 $0x100, s5;
	s4 =	smul.u32 $0x3, s4  }
0x43: {  	s30 =	sand.u32 $0x1, s3;
	p2 =	sgt.s32 s0, $0x3F;
	s0 =	sshrl.u32 s5, $0x2  }
0x44: {  	s5 =	sshll.u32 s30, $0x6;
	s0 =	simm.s32 @p2 $0x0;
	s3 =	ssub.s32 s3, s4  }
0x45: {  	s5 =	sor.u32 $0xF708, s5;
	_ =	swait.ge [sflag:s7], s0;
	s3 =	sand.u32 $0xFF, s3  }
0x46: {  	s31 =	ssub.s32 $0x0, s0;
	[sflag:s7] =	ssyncset.done $0x0;
	s11 =	rddreg [dreg:$0x7]  }
0x47: {  	s25 =	sshll.u32 s3, $0x6;
	[sflag:s7] =	ssyncadd.s32 s31;
	s4 =	sadd.s32 s9, s11  }
0x48: {  	[tilespmem:s5], [sflag:$0xB] =	stream.linear.gather [hbm4b:s4+s14], s0, $0x38;
	[tilespmem:$0x1B788] =	vst v63  }
0x49: {  	v1 =	vld.msk [tilespmem:s25+$0xF648], $0xffff;
	_ =	sdelay $0x3  }
0x4a: {  	s13 =	simm.s32 $0x0  }
0x4b: {  	(v2sf) =	vpush v1, s13;
	_ =	sdelay $0x5  }
0x4c: {  	s14 =	simm.s32 $0x1  }
0x4d: {  	(v2sf) =	vpush v1, s14;
	_ =	sdelay $0x3  }
0x4e: {  	s2 =	simm.s32 $0x1  }
0x4f: {  	s2 =	simm.s32 @!p0 $0x0;
	s30 =	simm.s32 $0x2  }
0x50: {  	s2 =	smul.u32 $0x18000, s2;
	(v2sf) =	vpush v1, s30  }
0x51: {  	s31 =	simm.s32 $0x3  }
0x52: {  	s2 =	sshrl.u32 s2, $0x2;
	s28 =	spop (v2sf);
	(v2sf) =	vpush v1, s31  }
0x53: {  	s24 =	sadd.s32 $0x13F88, s2  }
0x54: {  	s26 =	sadd.s32 $0x12788, s2;
	s0 =	sor.u32 $0x10F88, s2;
	s29 =	sshrl.u32 s28, $0x3  }
0x55: {  	s4 =	sadd.s32 $0xF788, s2;
	s2 =	sshll.u32 s28, $0x7;
	s3 =	smul.u32 $0xC00, s29  }
0x56: {  	s2 =	sand.u32 $0x380, s2  }
0x57: {  	s2 =	sor.u32 s2, s3  }
0x58: {  	s2 =	sshrl.u32 s2, $0x3  }
0x59: {  	s5 =	spop (v2sf);
	s2 =	sadd.s32 s6, s2  }
0x5a: {  	[tilespmem:s4], [sflag:$0x9] =	stream.strided.gather [hbm4b:s2+s18], $0x180, s19, s18, $0x38;
	[tilespmem:$0x1B788] =	vst v63  }
0x5b: {  	s3 =	simm.s32 $0x4;
	s2 =	sshrl.u32 s5, $0x3  }
.LBB2_5:
0x5c: {  	(v2sf) =	vpush v1, s3;
	s2 =	smul.u32 $0xC00, s2;
	s5 =	sshll.u32 s5, $0x7;
	p2 =	seq.s32 s3, $0xF  }
.Ltmp4:
0x5d: {  	s3 =	sadd.s32 $0x1, s3;
	s5 =	sand.u32 $0x380, s5;
	(pc) =	sbr.rel @!p2 .LBB2_5-.Ltmp4, $4  }
0x5e: {  	s2 =	sor.u32 s5, s2  }
0x5f: {  	s5 =	spop (v2sf);
	s14 =	sshrl.u32 s2, $0x3  }
0x60: {  	s4 =	sadd.s32 $0x180, s4;
	s2 =	sshrl.u32 s5, $0x3;
	s14 =	sadd.s32 s6, s14  }
0x61: {  	[tilespmem:s4], [sflag:$0x9] =	stream.strided.gather [hbm4b:s14+s18], $0x180, s19, s18, $0x38;
	[tilespmem:$0x1B788] =	vst v63  }
0x62: {  	s2 =	smul.u32 $0xC00, s2;
	s3 =	sshll.u32 s5, $0x7  }
0x63: {  	s3 =	sand.u32 $0x380, s3  }
0x64: {  	s28 =	spop (v2sf);
	s4 =	sadd.s32 $0x180, s4;
	s2 =	sor.u32 s3, s2  }
0x65: {  	s29 =	sshrl.u32 s28, $0x3;
	s3 =	sshll.u32 s28, $0x7;
	s2 =	sshrl.u32 s2, $0x3  }
0x66: {  	s30 =	smul.u32 $0xC00, s29;
	s3 =	sand.u32 $0x380, s3;
	s2 =	sadd.s32 s6, s2  }
0x67: {  	[tilespmem:s4], [sflag:$0x9] =	stream.strided.gather [hbm4b:s2+s18], $0x180, s19, s18, $0x38;
	[tilespmem:$0x1B788] =	vst v63  }
0x68: {  	s2 =	sor.u32 s3, s30  }
0x69: {  	s2 =	sshrl.u32 s2, $0x3  }
0x6a: {  	s4 =	sadd.s32 $0x180, s4;
	s2 =	sadd.s32 s6, s2  }
0x6b: {  	[tilespmem:s4], [sflag:$0x9] =	stream.strided.gather [hbm4b:s2+s18], $0x180, s19, s18, $0x38;
	[tilespmem:$0x1B788] =	vst v63  }
0x6c: {  	s31 =	spop (v2sf)  }
0x6d: {  	s7 =	sshrl.u32 s31, $0x3  }
0x6e: {  	s3 =	sshll.u32 s31, $0x7;
	s9 =	smul.u32 $0xC00, s7  }
0x6f: {  	s3 =	sand.u32 $0x380, s3  }
0x70: {  	s2 =	sor.u32 s3, s9  }
0x71: {  	s2 =	sshrl.u32 s2, $0x3  }
0x72: {  	s11 =	sadd.s32 $0x180, s4;
	s2 =	sadd.s32 s6, s2  }
0x73: {  	[tilespmem:s11], [sflag:$0x9] =	stream.strided.gather [hbm4b:s2+s18], $0x180, s19, s18, $0x38;
	[tilespmem:$0x1B788] =	vst v63  }
0x74: {  	v1 =	vld.msk [tilespmem:s25+$0xF658], $0xffff;
	_ =	sdelay $0x3  }
0x75: {  	s13 =	simm.s32 $0x0  }
0x76: {  	(v2sf) =	vpush v1, s13;
	_ =	sdelay $0x7  }
0x77: {  	s14 =	simm.s32 $0x1  }
0x78: {  	(v2sf) =	vpush v1, s14;
	_ =	sdelay $0x4  }
0x79: {  	s30 =	simm.s32 $0x2  }
0x7a: {  	s28 =	spop (v2sf);
	(v2sf) =	vpush v1, s30  }
0x7b: {  	s31 =	simm.s32 $0x3  }
0x7c: {  	(v2sf) =	vpush v1, s31;
	_ =	sdelay $0x1  }
0x7d: {  	s29 =	sshrl.u32 s28, $0x3  }
0x7e: {  	s2 =	sshll.u32 s28, $0x7;
	s3 =	smul.u32 $0xC00, s29  }
0x7f: {  	s2 =	sand.u32 $0x380, s2  }
0x80: {  	s2 =	sor.u32 s2, s3  }
0x81: {  	s2 =	sshrl.u32 s2, $0x3  }
0x82: {  	s4 =	spop (v2sf);
	s2 =	sadd.s32 s6, s2  }
0x83: {  	[tilespmem:s0], [sflag:$0x9] =	stream.strided.gather [hbm4b:s2+s18], $0x180, s19, s18, $0x38;
	[tilespmem:$0x1B788] =	vst v63  }
0x84: {  	s3 =	simm.s32 $0x4;
	s2 =	sshrl.u32 s4, $0x3  }
.LBB2_7:
0x85: {  	(v2sf) =	vpush v1, s3;
	s2 =	smul.u32 $0xC00, s2;
	s4 =	sshll.u32 s4, $0x7;
	p2 =	sne.s32 s3, $0xF  }
.Ltmp5:
0x86: {  	s3 =	sadd.s32 $0x1, s3;
	s4 =	sand.u32 $0x380, s4;
	(pc) =	sbr.rel @p2 .LBB2_7-.Ltmp5, $4  }
0x87: {  	s2 =	sor.u32 s4, s2  }
0x88: {  	s4 =	spop (v2sf);
	s5 =	sshrl.u32 s2, $0x3  }
0x89: {  	s0 =	sadd.s32 $0x180, s0;
	s2 =	sshrl.u32 s4, $0x3;
	s5 =	sadd.s32 s6, s5  }
0x8a: {  	[tilespmem:s0], [sflag:$0x9] =	stream.strided.gather [hbm4b:s5+s18], $0x180, s19, s18, $0x38;
	[tilespmem:$0x1B788] =	vst v63  }
0x8b: {  	s2 =	smul.u32 $0xC00, s2;
	s3 =	sshll.u32 s4, $0x7  }
0x8c: {  	s3 =	sand.u32 $0x380, s3  }
0x8d: {  	s30 =	spop (v2sf);
	s0 =	sadd.s32 $0x180, s0;
	s2 =	sor.u32 s3, s2  }
0x8e: {  	s31 =	sshrl.u32 s30, $0x3;
	s3 =	sshll.u32 s30, $0x7;
	s2 =	sshrl.u32 s2, $0x3  }
0x8f: {  	s5 =	smul.u32 $0xC00, s31;
	s3 =	sand.u32 $0x380, s3;
	s2 =	sadd.s32 s6, s2  }
0x90: {  	[tilespmem:s0], [sflag:$0x9] =	stream.strided.gather [hbm4b:s2+s18], $0x180, s19, s18, $0x38;
	[tilespmem:$0x1B788] =	vst v63  }
0x91: {  	s2 =	sor.u32 s3, s5  }
0x92: {  	s2 =	sshrl.u32 s2, $0x3  }
0x93: {  	s0 =	sadd.s32 $0x180, s0;
	s2 =	sadd.s32 s6, s2  }
0x94: {  	[tilespmem:s0], [sflag:$0x9] =	stream.strided.gather [hbm4b:s2+s18], $0x180, s19, s18, $0x38;
	[tilespmem:$0x1B788] =	vst v63  }
0x95: {  	s7 =	spop (v2sf)  }
0x96: {  	s9 =	sshrl.u32 s7, $0x3  }
0x97: {  	s3 =	sshll.u32 s7, $0x7;
	s11 =	smul.u32 $0xC00, s9  }
0x98: {  	s3 =	sand.u32 $0x380, s3  }
0x99: {  	s2 =	sor.u32 s3, s11  }
0x9a: {  	s2 =	sshrl.u32 s2, $0x3  }
0x9b: {  	s0 =	sadd.s32 $0x180, s0;
	s2 =	sadd.s32 s6, s2  }
0x9c: {  	[tilespmem:s0], [sflag:$0x9] =	stream.strided.gather [hbm4b:s2+s18], $0x180, s19, s18, $0x38;
	[tilespmem:$0x1B788] =	vst v63  }
0x9d: {  	v1 =	vld.msk [tilespmem:s25+$0xF668], $0xffff;
	_ =	sdelay $0x3  }
0x9e: {  	s13 =	simm.s32 $0x0  }
0x9f: {  	(v2sf) =	vpush v1, s13;
	_ =	sdelay $0x7  }
0xa0: {  	s14 =	simm.s32 $0x1  }
0xa1: {  	(v2sf) =	vpush v1, s14;
	_ =	sdelay $0x4  }
0xa2: {  	s30 =	simm.s32 $0x2  }
0xa3: {  	s28 =	spop (v2sf);
	(v2sf) =	vpush v1, s30  }
0xa4: {  	s31 =	simm.s32 $0x3  }
0xa5: {  	(v2sf) =	vpush v1, s31;
	_ =	sdelay $0x1  }
0xa6: {  	s29 =	sshrl.u32 s28, $0x3  }
0xa7: {  	s0 =	sshll.u32 s28, $0x7;
	s2 =	smul.u32 $0xC00, s29  }
0xa8: {  	s0 =	sand.u32 $0x380, s0  }
0xa9: {  	s0 =	sor.u32 s0, s2  }
0xaa: {  	s0 =	sshrl.u32 s0, $0x3  }
0xab: {  	s3 =	spop (v2sf);
	s0 =	sadd.s32 s6, s0  }
0xac: {  	[tilespmem:s26], [sflag:$0x9] =	stream.strided.gather [hbm4b:s0+s18], $0x180, s19, s18, $0x38;
	[tilespmem:$0x1B788] =	vst v63  }
0xad: {  	s2 =	sshrl.u32 s3, $0x3;
	s0 =	simm.s32 $0x4  }
.LBB2_9:
0xae: {  	(v2sf) =	vpush v1, s0;
	s2 =	smul.u32 $0xC00, s2;
	s3 =	sshll.u32 s3, $0x7;
	p2 =	sne.s32 s0, $0xF  }
.Ltmp6:
0xaf: {  	s0 =	sadd.s32 $0x1, s0;
	s3 =	sand.u32 $0x380, s3;
	(pc) =	sbr.rel @p2 .LBB2_9-.Ltmp6, $4  }
0xb0: {  	s2 =	sor.u32 s3, s2  }
0xb1: {  	s3 =	spop (v2sf);
	s4 =	sshrl.u32 s2, $0x3  }
0xb2: {  	s26 =	sadd.s32 $0x180, s26;
	s2 =	sshrl.u32 s3, $0x3;
	s4 =	sadd.s32 s6, s4  }
0xb3: {  	[tilespmem:s26], [sflag:$0x9] =	stream.strided.gather [hbm4b:s4+s18], $0x180, s19, s18, $0x38;
	[tilespmem:$0x1B788] =	vst v63  }
0xb4: {  	s0 =	smul.u32 $0xC00, s2;
	s30 =	sshll.u32 s3, $0x7  }
0xb5: {  	s2 =	sand.u32 $0x380, s30  }
0xb6: {  	s31 =	spop (v2sf);
	s4 =	sadd.s32 $0x180, s26;
	s0 =	sor.u32 s2, s0  }
0xb7: {  	s5 =	sshrl.u32 s31, $0x3;
	s2 =	sshll.u32 s31, $0x7;
	s0 =	sshrl.u32 s0, $0x3  }
0xb8: {  	s7 =	smul.u32 $0xC00, s5;
	s2 =	sand.u32 $0x380, s2;
	s0 =	sadd.s32 s6, s0  }
0xb9: {  	[tilespmem:s4], [sflag:$0x9] =	stream.strided.gather [hbm4b:s0+s18], $0x180, s19, s18, $0x38;
	[tilespmem:$0x1B788] =	vst v63  }
0xba: {  	s0 =	sor.u32 s2, s7  }
0xbb: {  	s0 =	sshrl.u32 s0, $0x3  }
0xbc: {  	s4 =	sadd.s32 $0x180, s4;
	s0 =	sadd.s32 s6, s0  }
0xbd: {  	[tilespmem:s4], [sflag:$0x9] =	stream.strided.gather [hbm4b:s0+s18], $0x180, s19, s18, $0x38;
	[tilespmem:$0x1B788] =	vst v63  }
0xbe: {  	s9 =	spop (v2sf)  }
0xbf: {  	s11 =	sshrl.u32 s9, $0x3  }
0xc0: {  	s2 =	sshll.u32 s9, $0x7;
	s13 =	smul.u32 $0xC00, s11  }
0xc1: {  	s2 =	sand.u32 $0x380, s2  }
0xc2: {  	s0 =	sor.u32 s2, s13  }
0xc3: {  	s0 =	sshrl.u32 s0, $0x3  }
0xc4: {  	s14 =	sadd.s32 $0x180, s4;
	s0 =	sadd.s32 s6, s0  }
0xc5: {  	[tilespmem:s14], [sflag:$0x9] =	stream.strided.gather [hbm4b:s0+s18], $0x180, s19, s18, $0x38;
	[tilespmem:$0x1B788] =	vst v63  }
0xc6: {  	v1 =	vld.msk [tilespmem:s25+$0xF678], $0xffff;
	_ =	sdelay $0x3  }
0xc7: {  	s25 =	simm.s32 $0x0  }
0xc8: {  	(v2sf) =	vpush v1, s25;
	_ =	sdelay $0x7  }
0xc9: {  	s26 =	simm.s32 $0x1  }
0xca: {  	(v2sf) =	vpush v1, s26;
	_ =	sdelay $0x4  }
0xcb: {  	s30 =	simm.s32 $0x2  }
0xcc: {  	s28 =	spop (v2sf);
	(v2sf) =	vpush v1, s30  }
0xcd: {  	s31 =	simm.s32 $0x3  }
0xce: {  	(v2sf) =	vpush v1, s31;
	_ =	sdelay $0x1  }
0xcf: {  	s29 =	sshrl.u32 s28, $0x3  }
0xd0: {  	s0 =	sshll.u32 s28, $0x7;
	s2 =	smul.u32 $0xC00, s29  }
0xd1: {  	s0 =	sand.u32 $0x380, s0  }
0xd2: {  	s0 =	sor.u32 s0, s2  }
0xd3: {  	s0 =	sshrl.u32 s0, $0x3  }
0xd4: {  	s3 =	spop (v2sf);
	s0 =	sadd.s32 s6, s0  }
0xd5: {  	[tilespmem:s24], [sflag:$0x9] =	stream.strided.gather [hbm4b:s0+s18], $0x180, s19, s18, $0x38;
	[tilespmem:$0x1B788] =	vst v63  }
0xd6: {  	s2 =	sshrl.u32 s3, $0x3;
	s0 =	simm.s32 $0x4  }
.LBB2_11:
0xd7: {  	(v2sf) =	vpush v1, s0;
	s2 =	smul.u32 $0xC00, s2;
	s3 =	sshll.u32 s3, $0x7;
	p2 =	seq.s32 s0, $0xF  }
.Ltmp7:
0xd8: {  	s0 =	sadd.s32 $0x1, s0;
	s3 =	sand.u32 $0x380, s3;
	(pc) =	sbr.rel @!p2 .LBB2_11-.Ltmp7, $4  }
0xd9: {  	s2 =	sor.u32 s3, s2  }
0xda: {  	s3 =	spop (v2sf);
	s4 =	sshrl.u32 s2, $0x3  }
0xdb: {  	s24 =	sadd.s32 $0x180, s24;
	s2 =	sshrl.u32 s3, $0x3;
	s4 =	sadd.s32 s6, s4  }
0xdc: {  	[tilespmem:s24], [sflag:$0x9] =	stream.strided.gather [hbm4b:s4+s18], $0x180, s19, s18, $0x38;
	[tilespmem:$0x1B788] =	vst v63  }
0xdd: {  	s0 =	smul.u32 $0xC00, s2;
	s13 =	sshll.u32 s3, $0x7  }
0xde: {  	s2 =	sand.u32 $0x380, s13  }
0xdf: {  	s14 =	spop (v2sf);
	s4 =	sadd.s32 $0x180, s24;
	s0 =	sor.u32 s2, s0  }
0xe0: {  	s25 =	sshrl.u32 s14, $0x3;
	s2 =	sshll.u32 s14, $0x7;
	s0 =	sshrl.u32 s0, $0x3  }
0xe1: {  	s26 =	smul.u32 $0xC00, s25;
	s2 =	sand.u32 $0x380, s2;
	s0 =	sadd.s32 s6, s0  }
0xe2: {  	[tilespmem:s4], [sflag:$0x9] =	stream.strided.gather [hbm4b:s0+s18], $0x180, s19, s18, $0x38;
	[tilespmem:$0x1B788] =	vst v63  }
0xe3: {  	s0 =	sor.u32 s2, s26  }
0xe4: {  	s0 =	sshrl.u32 s0, $0x3  }
0xe5: {  	s4 =	sadd.s32 $0x180, s4;
	s0 =	sadd.s32 s6, s0  }
0xe6: {  	[tilespmem:s4], [sflag:$0x9] =	stream.strided.gather [hbm4b:s0+s18], $0x180, s19, s18, $0x38;
	[tilespmem:$0x1B788] =	vst v63  }
0xe7: {  	s28 =	spop (v2sf)  }
0xe8: {  	s29 =	sshrl.u32 s28, $0x3  }
0xe9: {  	s2 =	sshll.u32 s28, $0x7;
	s30 =	smul.u32 $0xC00, s29  }
0xea: {  	s2 =	sand.u32 $0x380, s2  }
0xeb: {  	s0 =	sor.u32 s2, s30  }
0xec: {  	s0 =	sshrl.u32 s0, $0x3  }
0xed: {  	s31 =	sadd.s32 $0x180, s4;
	s0 =	sadd.s32 s6, s0  }
0xee: {  	[tilespmem:s31], [sflag:$0x9] =	stream.strided.gather [hbm4b:s0+s18], $0x180, s19, s18, $0x38;
	[tilespmem:$0x1B788] =	vst v63  }
.LBB2_13:
0xef: {  	p2 =	slt.u32 s20, $0x2  }
.Ltmp8:
0xf0: {  	_ = 	snop;
	(pc) =	sbr.rel @p2 .LBB2_31-.Ltmp8, $1  }
0xf1: {  	_ =	sdelay $0x3  }
0xf2: {  	p2 =	sgt.s32 s23, $0x1FC0;
	s0 =	smov.u32 s23;
	s2 =	sshra.s32 s23, $0x1F  }
0xf3: {  	s0 =	simm.s32 @!p2 $0x1FC0;
	s2 =	sand.u32 s2, s23  }
0xf4: {  	s0 =	ssub.s32 s0, s2  }
0xf5: {  	s0 =	sadd.s32 $0xFFFFE040, s0  }
0xf6: {  	s3 =	simm.s32 $0x9;
	s29 =	sshll.u32 s0, $0x2  }
0xf7: {  	_ =	swait.ge [sflag:s3], $0x6000;
	s2 =	ssub.s32 $0x100, s29  }
0xf8: {  	[sflag:s3] =	ssyncset.done $0x0;
	p2 =	sgt.s32 s0, $0x3F;
	s0 =	sshrl.u32 s2, $0x2  }
0xf9: {  	s30 =	simm.s32 $0xB;
	[sflag:s3] =	ssyncadd.s32 $0xFFFFA000;
	s0 =	simm.s32 @p2 $0x0  }
0xfa: {  	_ =	swait.ge [sflag:s30], s0  }
0xfb: {  	s0 =	ssub.s32 $0x0, s0;
	[sflag:s30] =	ssyncset.done $0x0  }
0xfc: {  	[sflag:s30] =	ssyncadd.s32 s0  }
0xfd: {  	v1 =	vld [tilespmem:$0xC608];
	_ =	sdelay $0x4  }
0xfe: {  	(v2sf) =	vpush v1, $0x0  }
0xff: {  	(v2sf) =	vpush v1, $0x1  }
0x100: {  	(v2sf) =	vpush v1, $0x2;
	_ =	sdelay $0x3  }
0x101: {  	s0 =	sadd.s32 $0x40, s23  }
0x102: {  	s2 =	ssub.s32 $0x4000, s23;
	p2 =	slt.s32 s12, s0  }
0x103: {  	s0 =	smov.u32 @p2 s12;
	p2 =	sgt.s32 s2, $0x0  }
0x104: {  	s24 =	ssub.s32 s0, s23;
	s2 =	simm.s32 @!p2 $0x0  }
0x105: {  	p2 =	slt.s32 s2, s24  }
0x106: {  	s24 =	smov.u32 @p2 s2  }
0x107: {  	p2 =	slt.s32 s24, $0x1  }
.Ltmp9:
0x108: {  	_ = 	snop;
	(pc) =	sbr.rel @p2 .LBB2_18-.Ltmp9, $4  }
0x109: {  	s0 =	simm.s32 $0x1  }
0x10a: {  	s0 =	simm.s32 @!p1 $0x0;
	s4 =	spop (v2sf)  }
0x10b: {  	s31 =	sshll.u32 s0, $0x6;
	s28 =	spop (v2sf)  }
0x10c: {  	s25 =	sor.u32 $0xF708, s31;
	s23 =	spop (v2sf)  }
0x10d: {  	s2 =	smin.u32 s24, $0x10  }
0x10e: {  	v1 =	vmov s2  }
0x10f: {  	vm1 =	vgt.u32 v1, v0;
	_ =	sdelay $0x1  }
0x110: {  	p3 =	sgt.s32 s24, $0x10  }
.Ltmp10:
0x111: {  	_ = 	snop;
	(pc) =	sbr.rel @!p3 .LBB2_17-.Ltmp10, $3  }
0x112: {  	_ =	sdelay $0x1  }
0x113: {  	v1 =	vld.msk [tilespmem:s25+$0x0 ss:$0x1], vm1  }
0x114: {  	s26 =	simm.s32 $0x10;
	s3 =	sadd.s32 $0xFFFFFFF0, s24;
	s5 =	smov.u32 s25;
	vm0 =	vmmov vm1  }
.LBB2_16:
0x115: {  	s2 =	smin.u32 s3, $0x10;
	s26 =	sadd.s32 $0x10, s26  }
0x116: {  	v2 =	vmov s2;
	p3 =	slt.s32 s26, s24  }
0x117: {  	vm1 =	vgt.u32 v2, v0  }
0x118: {  	v2 =	vshrl.u32 v1, $0x3  }
0x119: {  	v1 =	vshll.u32 v1, $0x4;
	v2 =	vmul.u32 $0x180, v2  }
0x11a: {  	v1 =	vand.u32 $0x70, v1  }
.Ltmp11:
0x11b: {  	v1 =	vor.u32 v1, v2;
	(pc) =	sbr.rel @p3 .LBB2_16-.Ltmp11, $3  }
0x11c: {  	[tilespmem:s5+$0x0] =	vst.msk vm0, v1;
	s5 =	sadd.s32 $0x10, s5;
	vm0 =	vmmov vm1  }
0x11d: {  	v1 =	vld.msk [tilespmem:s5+$0x0 ss:$0x1], vm1;
	_ =	sdelay $0x1  }
0x11e: {  	s3 =	sadd.s32 $0xFFFFFFF0, s3  }
.LBB2_17:
0x11f: {  	_ =	sdelay $0x2  }
0x120: {  	v2 =	vshrl.u32 v1, $0x3  }
0x121: {  	v1 =	vshll.u32 v1, $0x4;
	v2 =	vmul.u32 $0x180, v2  }
0x122: {  	v1 =	vand.u32 $0x70, v1  }
0x123: {  	v1 =	vor.u32 v1, v2  }
0x124: {  	[tilespmem:s5+$0x0] =	vst.msk vm0, v1  }
.LBB2_18:
0x125: {  	s2 =	sand.u32 $0x1, s20  }
0x126: {  	p3 =	sne.s32 s28, $0xFFFFFFFF;
	s2 =	sshll.u32 s2, $0x6  }
0x127: {  	v1 =	vld.msk @!p3 [tilespmem:s2+$0xF708], $0x1;
	_ =	sdelay $0x4  }
0x128: {  	(v2sf) =	vpush @!p3 v1, $0x0;
	_ =	sdelay $0xc  }
.Ltmp12:
0x129: {  	_ = 	snop;
	(pc) =	sbr.rel @p2 .LBB2_29-.Ltmp12, $4  }
0x12a: {  	_ = 	snop  }
0x12b: {  	s30 =	spop @!p3 (v2sf)  }
0x12c: {  	s23 =	simm.s32 @!p3 $0x0;
	s26 =	smov.u32 s30  }
0x12d: {  	[sflag:s10] =	ssyncpa.u1 $0x0;
	s30 =	smov.u32 @p3 s4;
	s26 =	smov.u32 @p3 s28  }
0x12e: {  	v1 =	vld.msk [tilespmem:s25+$0x0], $0x1;
	_ =	sdelay $0x4  }
0x12f: {  	(v2sf) =	vpush v1, $0x0;
	_ =	sdelay $0xe  }
0x130: {  	s4 =	spop (v2sf)  }
0x131: {  	s0 =	smul.u32 $0x18000, s0;
	p2 =	seq.s32 s30, s4  }
0x132: {  	s28 =	simm.s32 $0x0;
	s3 =	smov.u32 s30;
	p3 =	sgt.s32 @!p2 s30, $0x0  }
0x133: {  	s0 =	sshrl.u32 s0, $0x2;
	s2 =	smul.u32 @!p2 $0x600, s28;
	p3 =	por !p3, p2  }
0x134: {  	s9 =	smov.u32 s8;
	s29 =	sadd.s32 $0xF848, s0;
	s3 =	simm.s32 @p3 $0x0  }
0x135: {  	s0 =	sadd.s32 $0xFFFFFFFF, s24;
	s2 =	sshra.s32 @!p2 s2, $0x2;
	s14 =	smin.u32 @!p2 s3, $0xBFEF0  }
0x136: {  	p3 =	sne.s32 s0, $0x0;
	s31 =	sadd.s32 @!p2 $0x6488, s2;
	s3 =	sand.u32 @!p2 $0xFFFF8, s14  }
0x137: {  	s7 =	sadd.s32 @!p2 $0x80, s14;
	s8 =	sadd.s32 @!p2 s1, s3;
	s3 =	sand.u32 @!p2 $0x7, s14  }
0x138: {  	[tilespmem:s31], [sflag:$0x2] =	stream.linear.gather @!p2 [hbm4b:s8+s3], $0x80, $0x38;
	[tilespmem:$0x1B788] =	vst v63  }
.Ltmp13:
0x139: {  	s5 =	simm.s32 @!p2 $0x1;
	s7 =	sand.u32 @!p2 $0x1FFFF8, s7;
	(pc) =	sbr.rel @!p3 .LBB2_21-.Ltmp13, $4  }
0x13a: {  	s14 =	sadd.s32 @!p2 $0x100, s14;
	s8 =	sadd.s32 @!p2 $0x6508, s2;
	s7 =	sadd.s32 @!p2 s1, s7  }
0x13b: {  	[tilespmem:s8], [sflag:$0x2] =	stream.linear.gather @!p2 [hbm4b:s7+s3], $0x80, $0x38;
	[tilespmem:$0x1B788] =	vst v63  }
0x13c: {  	s5 =	smov.u32 @p2 s28;
	s7 =	sand.u32 @!p2 $0x1FFFF8, s14  }
0x13d: {  	s2 =	sadd.s32 @!p2 $0x6588, s2;
	s31 =	sadd.s32 $0x1, s25;
	s14 =	sadd.s32 @!p2 s1, s7  }
.LBB2_20:
0x13e: {  	s7 =	smov.u32 s5  }
0x13f: {  	[tilespmem:s2], [sflag:$0x2] =	stream.linear.gather @!p2 [hbm4b:s14+s3], $0x80, $0x38;
	[tilespmem:$0x1B788] =	vst v63  }
0x140: {  	s0 =	sadd.s32 $0xFFFFFFFF, s0;
	s2 =	smov.u32 s4  }
0x141: {  	p3 =	sne.s32 s0, $0x0;
	v1 =	vld.msk [tilespmem:s31+$0x0], $0x1;
	_ =	sdelay $0x4  }
0x142: {  	(v2sf) =	vpush v1, $0x0;
	_ =	sdelay $0xe  }
0x143: {  	s4 =	spop (v2sf)  }
0x144: {  	p2 =	seq.s32 s2, s4  }
0x145: {  	p4 =	sgt.s32 @!p2 s2, $0x0  }
0x146: {  	s3 =	smul.u32 @!p2 $0x600, s5;
	s5 =	sadd.s32 @!p2 $0x1, s5;
	p4 =	por !p4, p2  }
0x147: {  	s5 =	smov.u32 @p2 s7;
	s2 =	simm.s32 @p4 $0x0  }
0x148: {  	s7 =	sshra.s32 @!p2 s3, $0x2;
	s2 =	smin.u32 @!p2 s2, $0xBFEF0  }
0x149: {  	s8 =	sadd.s32 @!p2 $0x6488, s7;
	s14 =	sadd.s32 @!p2 $0x6508, s7;
	s3 =	sand.u32 @!p2 $0xFFFF8, s2  }
0x14a: {  	s10 =	sadd.s32 @!p2 $0x80, s2;
	s11 =	sadd.s32 @!p2 $0x100, s2;
	s13 =	sadd.s32 @!p2 s1, s3  }
.Ltmp14:
0x14b: {  	s3 =	sand.u32 @!p2 $0x7, s2;
	s2 =	sand.u32 @!p2 $0x1FFFF8, s10;
	(pc) =	sbr.rel @p3 .LBB2_20-.Ltmp14, $4  }
0x14c: {  	[tilespmem:s8], [sflag:$0x2] =	stream.linear.gather @!p2 [hbm4b:s13+s3], $0x80, $0x38;
	[tilespmem:$0x1B788] =	vst v63  }
0x14d: {  	s10 =	sand.u32 @!p2 $0x1FFFF8, s11;
	s8 =	sadd.s32 @!p2 s1, s2;
	s2 =	sadd.s32 @!p2 $0x6588, s7  }
0x14e: {  	[tilespmem:s14], [sflag:$0x2] =	stream.linear.gather @!p2 [hbm4b:s8+s3], $0x80, $0x38;
	[tilespmem:$0x1B788] =	vst v63  }
0x14f: {  	s31 =	sadd.s32 $0x1, s31;
	s14 =	sadd.s32 @!p2 s1, s10  }
.LBB2_21:
0x150: {  	s0 =	smul.u32 $0x600, s5  }
0x151: {  	[tilespmem:s2], [sflag:$0x2] =	stream.linear.gather @!p2 [hbm4b:s14+s3], $0x80, $0x38;
	[tilespmem:$0x1B788] =	vst v63  }
.Ltmp15:
0x152: {  	_ = 	snop;
	(pc) =	sbr.rel .LBB2_22-.Ltmp15, $4  }
0x153: {  	s14 =	simm.s32 $0x2;
	s0 =	sshrl.u32 s0, $0x2  }
0x154: {  	_ =	swait.ge [sflag:s14], s0  }
0x155: {  	s31 =	simm.s32 $0x0;
	s0 =	ssub.s32 $0x0, s0;
	[sflag:s14] =	ssyncset.done $0x0  }
0x156: {  	s8 =	smov.u32 s9;
	s10 =	simm.s32 $0xC;
	[sflag:s14] =	ssyncadd.s32 s0  }
.LBB2_23:
0x157: {  	v1 =	vld [tilespmem:s29+$0xFFFFFF40];
	_ =	sdelay $0x4  }
0x158: {  	[tilespmem:s4+$0x308] =	vst.add.f32.msk $0xffff, v1  }
0x159: {  	v1 =	vld [tilespmem:s29+$0xFFFFFF50];
	_ =	sdelay $0x4  }
0x15a: {  	[tilespmem:s4+$0x318] =	vst.add.f32.msk $0xffff, v1  }
0x15b: {  	v1 =	vld [tilespmem:s29+$0xFFFFFF60];
	_ =	sdelay $0x4  }
0x15c: {  	[tilespmem:s4+$0x328] =	vst.add.f32.msk $0xffff, v1  }
0x15d: {  	v1 =	vld [tilespmem:s29+$0xFFFFFF70];
	_ =	sdelay $0x4  }
0x15e: {  	[tilespmem:s4+$0x338] =	vst.add.f32.msk $0xffff, v1  }
0x15f: {  	v1 =	vld [tilespmem:s29+$0xFFFFFF80];
	_ =	sdelay $0x4  }
0x160: {  	[tilespmem:s4+$0x348] =	vst.add.f32.msk $0xffff, v1  }
0x161: {  	v1 =	vld [tilespmem:s29+$0xFFFFFF90];
	_ =	sdelay $0x4  }
0x162: {  	[tilespmem:s4+$0x358] =	vst.add.f32.msk $0xffff, v1  }
0x163: {  	v1 =	vld [tilespmem:s29+$0xFFFFFFA0];
	_ =	sdelay $0x4  }
0x164: {  	[tilespmem:s4+$0x368] =	vst.add.f32.msk $0xffff, v1  }
0x165: {  	v1 =	vld [tilespmem:s29+$0xFFFFFFB0];
	_ =	sdelay $0x4  }
0x166: {  	[tilespmem:s4+$0x378] =	vst.add.f32.msk $0xffff, v1  }
0x167: {  	v1 =	vld [tilespmem:s29+$0xFFFFFFC0];
	_ =	sdelay $0x4  }
0x168: {  	[tilespmem:s4+$0x388] =	vst.add.f32.msk $0xffff, v1  }
0x169: {  	v1 =	vld [tilespmem:s29+$0xFFFFFFD0];
	_ =	sdelay $0x4  }
0x16a: {  	[tilespmem:s4+$0x398] =	vst.add.f32.msk $0xffff, v1  }
0x16b: {  	v1 =	vld [tilespmem:s29+$0xFFFFFFE0];
	_ =	sdelay $0x4  }
0x16c: {  	[tilespmem:s4+$0x3A8] =	vst.add.f32.msk $0xffff, v1  }
0x16d: {  	v1 =	vld [tilespmem:s29+$0xFFFFFFF0];
	_ =	sdelay $0x4  }
0x16e: {  	[tilespmem:s4+$0x3B8] =	vst.add.f32.msk $0xffff, v1  }
0x16f: {  	v1 =	vld [tilespmem:s29+$0x0];
	_ =	sdelay $0x4  }
0x170: {  	[tilespmem:s4+$0x3C8] =	vst.add.f32.msk $0xffff, v1  }
0x171: {  	v1 =	vld [tilespmem:s29+$0x10];
	_ =	sdelay $0x4  }
0x172: {  	[tilespmem:s4+$0x3D8] =	vst.add.f32.msk $0xffff, v1  }
0x173: {  	v1 =	vld [tilespmem:s29+$0x20];
	_ =	sdelay $0x4  }
0x174: {  	[tilespmem:s4+$0x3E8] =	vst.add.f32.msk $0xffff, v1  }
0x175: {  	v1 =	vld [tilespmem:s29+$0x30];
	_ =	sdelay $0x4  }
0x176: {  	[tilespmem:s4+$0x3F8] =	vst.add.f32.msk $0xffff, v1  }
0x177: {  	v1 =	vld [tilespmem:s29+$0x40];
	_ =	sdelay $0x4  }
0x178: {  	[tilespmem:s4+$0x408] =	vst.add.f32.msk $0xffff, v1  }
0x179: {  	v1 =	vld [tilespmem:s29+$0x50];
	_ =	sdelay $0x4  }
0x17a: {  	[tilespmem:s4+$0x418] =	vst.add.f32.msk $0xffff, v1  }
0x17b: {  	v1 =	vld [tilespmem:s29+$0x60];
	_ =	sdelay $0x4  }
0x17c: {  	[tilespmem:s4+$0x428] =	vst.add.f32.msk $0xffff, v1  }
0x17d: {  	v1 =	vld [tilespmem:s29+$0x70];
	_ =	sdelay $0x4  }
0x17e: {  	[tilespmem:s4+$0x438] =	vst.add.f32.msk $0xffff, v1  }
0x17f: {  	v1 =	vld [tilespmem:s29+$0x80];
	_ =	sdelay $0x4  }
0x180: {  	[tilespmem:s4+$0x448] =	vst.add.f32.msk $0xffff, v1  }
0x181: {  	v1 =	vld [tilespmem:s29+$0x90];
	_ =	sdelay $0x4  }
0x182: {  	[tilespmem:s4+$0x458] =	vst.add.f32.msk $0xffff, v1  }
0x183: {  	v1 =	vld [tilespmem:s29+$0xA0];
	_ =	sdelay $0x4  }
0x184: {  	[tilespmem:s4+$0x468] =	vst.add.f32.msk $0xffff, v1  }
0x185: {  	v1 =	vld [tilespmem:s29+$0xB0];
	_ =	sdelay $0x4  }
0x186: {  	[tilespmem:s4+$0x478] =	vst.add.f32.msk $0xffff, v1  }
.LBB2_27:
0x187: {  	s24 =	sadd.s32 $0xFFFFFFFF, s24  }
0x188: {  	p2 =	sne.s32 s24, $0x0  }
.Ltmp16:
0x189: {  	_ = 	snop;
	(pc) =	sbr.rel @!p2 .LBB2_28-.Ltmp16, $2  }
0x18a: {  	_ =	sdelay $0x2  }
0x18b: {  	s25 =	sadd.s32 $0x1, s25;
	s29 =	sadd.s32 $0x180, s29;
	s30 =	smov.u32 s0  }
.LBB2_22:
0x18c: {  	v1 =	vld.msk [tilespmem:s25+$0x0], $0x1;
	_ =	sdelay $0x4  }
0x18d: {  	(v2sf) =	vpush v1, $0x0;
	_ =	sdelay $0xe  }
0x18e: {  	s0 =	spop (v2sf)  }
0x18f: {  	p2 =	sne.s32 s30, s0  }
.Ltmp17:
0x190: {  	_ = 	snop;
	(pc) =	sbr.rel @!p2 .LBB2_23-.Ltmp17, $3  }
0x191: {  	_ = 	snop  }
0x192: {  	s2 =	smul.u32 $0x600, s23;
	_ =	sdelay $0x1  }
0x193: {  	s4 =	sshra.s32 s2, $0x2  }
0x194: {  	p2 =	seq.s32 s30, s26  }
.Ltmp18:
0x195: {  	_ = 	snop;
	(pc) =	sbr.rel @!p2 .LBB2_25-.Ltmp18, $1  }
0x196: {  	_ =	sdelay $0x3  }
.Ltmp19:
0x197: {  	s2 =	sadd.s32 $0x308, s4;
	(pc) =	sbr.rel .LBB2_26-.Ltmp19, $4  }
0x198: {  	[spmem:s15] =	stream.linear.scatter [tilespmem:s2], [sflag:$0x1], $0x180, $0x38;
	[tilespmem:$0x1B788] =	vst v63  }
0x199: {  	_ =	swait.ge [sflag:s16], $0x180  }
0x19a: {  	[sflag:s16] =	ssyncset.done $0x0  }
0x19b: {  	[sflag:s16] =	ssyncadd.s32 $0xFFFFFE80  }
.LBB2_25:
0x19c: {  	s2 =	smul.u32 $0x600, s28;
	_ =	sdelay $0x1  }
0x19d: {  	s2 =	sshra.s32 s2, $0x2  }
0x19e: {  	v1 =	vld [tilespmem:s2+$0x6488];
	_ =	sdelay $0x4  }
0x19f: {  	[tilespmem:s4+$0x308] =	vst.add.f32.msk $0xffff, v1  }
0x1a0: {  	v1 =	vld [tilespmem:s2+$0x6498];
	_ =	sdelay $0x4  }
0x1a1: {  	[tilespmem:s4+$0x318] =	vst.add.f32.msk $0xffff, v1  }
0x1a2: {  	v1 =	vld [tilespmem:s2+$0x64A8];
	_ =	sdelay $0x4  }
0x1a3: {  	[tilespmem:s4+$0x328] =	vst.add.f32.msk $0xffff, v1  }
0x1a4: {  	v1 =	vld [tilespmem:s2+$0x64B8];
	_ =	sdelay $0x4  }
0x1a5: {  	[tilespmem:s4+$0x338] =	vst.add.f32.msk $0xffff, v1  }
0x1a6: {  	v1 =	vld [tilespmem:s2+$0x64C8];
	_ =	sdelay $0x4  }
0x1a7: {  	[tilespmem:s4+$0x348] =	vst.add.f32.msk $0xffff, v1  }
0x1a8: {  	v1 =	vld [tilespmem:s2+$0x64D8];
	_ =	sdelay $0x4  }
0x1a9: {  	[tilespmem:s4+$0x358] =	vst.add.f32.msk $0xffff, v1  }
0x1aa: {  	v1 =	vld [tilespmem:s2+$0x64E8];
	_ =	sdelay $0x4  }
0x1ab: {  	[tilespmem:s4+$0x368] =	vst.add.f32.msk $0xffff, v1  }
0x1ac: {  	v1 =	vld [tilespmem:s2+$0x64F8];
	_ =	sdelay $0x4  }
0x1ad: {  	[tilespmem:s4+$0x378] =	vst.add.f32.msk $0xffff, v1  }
0x1ae: {  	v1 =	vld [tilespmem:s2+$0x6508];
	_ =	sdelay $0x4  }
0x1af: {  	[tilespmem:s4+$0x388] =	vst.add.f32.msk $0xffff, v1  }
0x1b0: {  	v1 =	vld [tilespmem:s2+$0x6518];
	_ =	sdelay $0x4  }
0x1b1: {  	[tilespmem:s4+$0x398] =	vst.add.f32.msk $0xffff, v1  }
0x1b2: {  	v1 =	vld [tilespmem:s2+$0x6528];
	_ =	sdelay $0x4  }
0x1b3: {  	[tilespmem:s4+$0x3A8] =	vst.add.f32.msk $0xffff, v1  }
0x1b4: {  	v1 =	vld [tilespmem:s2+$0x6538];
	_ =	sdelay $0x4  }
0x1b5: {  	[tilespmem:s4+$0x3B8] =	vst.add.f32.msk $0xffff, v1  }
0x1b6: {  	v1 =	vld [tilespmem:s2+$0x6548];
	_ =	sdelay $0x4  }
0x1b7: {  	[tilespmem:s4+$0x3C8] =	vst.add.f32.msk $0xffff, v1  }
0x1b8: {  	v1 =	vld [tilespmem:s2+$0x6558];
	_ =	sdelay $0x4  }
0x1b9: {  	[tilespmem:s4+$0x3D8] =	vst.add.f32.msk $0xffff, v1  }
0x1ba: {  	v1 =	vld [tilespmem:s2+$0x6568];
	_ =	sdelay $0x4  }
0x1bb: {  	[tilespmem:s4+$0x3E8] =	vst.add.f32.msk $0xffff, v1  }
0x1bc: {  	v1 =	vld [tilespmem:s2+$0x6578];
	_ =	sdelay $0x4  }
0x1bd: {  	[tilespmem:s4+$0x3F8] =	vst.add.f32.msk $0xffff, v1  }
0x1be: {  	v1 =	vld [tilespmem:s2+$0x6588];
	_ =	sdelay $0x4  }
0x1bf: {  	[tilespmem:s4+$0x408] =	vst.add.f32.msk $0xffff, v1  }
0x1c0: {  	v1 =	vld [tilespmem:s2+$0x6598];
	_ =	sdelay $0x4  }
0x1c1: {  	[tilespmem:s4+$0x418] =	vst.add.f32.msk $0xffff, v1  }
0x1c2: {  	v1 =	vld [tilespmem:s2+$0x65A8];
	_ =	sdelay $0x4  }
0x1c3: {  	[tilespmem:s4+$0x428] =	vst.add.f32.msk $0xffff, v1  }
0x1c4: {  	v1 =	vld [tilespmem:s2+$0x65B8];
	_ =	sdelay $0x4  }
0x1c5: {  	[tilespmem:s4+$0x438] =	vst.add.f32.msk $0xffff, v1  }
0x1c6: {  	v1 =	vld [tilespmem:s2+$0x65C8];
	_ =	sdelay $0x4  }
0x1c7: {  	[tilespmem:s4+$0x448] =	vst.add.f32.msk $0xffff, v1  }
0x1c8: {  	v1 =	vld [tilespmem:s2+$0x65D8];
	_ =	sdelay $0x4  }
0x1c9: {  	[tilespmem:s4+$0x458] =	vst.add.f32.msk $0xffff, v1  }
0x1ca: {  	v1 =	vld [tilespmem:s2+$0x65E8];
	_ =	sdelay $0x4  }
0x1cb: {  	[tilespmem:s4+$0x468] =	vst.add.f32.msk $0xffff, v1  }
0x1cc: {  	v1 =	vld [tilespmem:s2+$0x65F8];
	_ =	sdelay $0x2  }
0x1cd: {  	p2 =	sgt.u32 s30, $0xBFEF0  }
0x1ce: {  	s2 =	sand.u32 @!p2 $0xFFFF8, s30  }
0x1cf: {  	s3 =	sadd.s32 $0x308, s4;
	s5 =	sand.u32 @!p2 $0x7, s30;
	s2 =	sadd.s32 @!p2 s1, s2;
	[tilespmem:s4+$0x478] =	vst.add.f32.msk $0xffff, v1  }
0x1d0: {  	[hbm4b:s2+s5] =	stream.linear.scatter @!p2 [tilespmem:s3], [sflag:$0xC], $0x80, $0x38;
	[tilespmem:$0x1B788] =	vst v63  }
0x1d1: {  	s2 =	sadd.s32 @!p2 $0x80, s30  }
0x1d2: {  	s2 =	sand.u32 @!p2 $0x1FFFF8, s2  }
0x1d3: {  	s3 =	sadd.s32 $0x388, s4;
	s2 =	sadd.s32 @!p2 s1, s2  }
0x1d4: {  	[hbm4b:s2+s5] =	stream.linear.scatter @!p2 [tilespmem:s3], [sflag:$0xC], $0x80, $0x38;
	[tilespmem:$0x1B788] =	vst v63  }
0x1d5: {  	s2 =	sadd.s32 @!p2 $0x100, s30  }
0x1d6: {  	s2 =	sand.u32 @!p2 $0x1FFFF8, s2  }
0x1d7: {  	s3 =	sadd.s32 $0x408, s4;
	s2 =	sadd.s32 @!p2 s1, s2  }
0x1d8: {  	[hbm4b:s2+s5] =	stream.linear.scatter @!p2 [tilespmem:s3], [sflag:$0xC], $0x80, $0x38;
	[tilespmem:$0x1B788] =	vst v63  }
0x1d9: {  	s2 =	simm.s32 $0x0  }
0x1da: {  	s2 =	simm.s32 @!p2 $0x600  }
0x1db: {  	s31 =	sadd.s32 s2, s31  }
.LBB2_26:
0x1dc: {  	s2 =	sadd.s32 $0x1, s23;
	v1 =	vld [tilespmem:s29+$0xFFFFFF40]  }
0x1dd: {  	s23 =	sand.u32 $0x3F, s2  }
0x1de: {  	s2 =	smul.u32 $0x600, s23;
	_ =	sdelay $0x1  }
0x1df: {  	s2 =	sshrl.u32 s2, $0x2  }
0x1e0: {  	[tilespmem:s2+$0x308] =	vst v1  }
0x1e1: {  	v1 =	vld [tilespmem:s29+$0xFFFFFF50];
	_ =	sdelay $0x4  }
0x1e2: {  	[tilespmem:s2+$0x318] =	vst v1  }
0x1e3: {  	v1 =	vld [tilespmem:s29+$0xFFFFFF60];
	_ =	sdelay $0x4  }
0x1e4: {  	[tilespmem:s2+$0x328] =	vst v1  }
0x1e5: {  	v1 =	vld [tilespmem:s29+$0xFFFFFF70];
	_ =	sdelay $0x4  }
0x1e6: {  	[tilespmem:s2+$0x338] =	vst v1  }
0x1e7: {  	v1 =	vld [tilespmem:s29+$0xFFFFFF80];
	_ =	sdelay $0x4  }
0x1e8: {  	[tilespmem:s2+$0x348] =	vst v1  }
0x1e9: {  	v1 =	vld [tilespmem:s29+$0xFFFFFF90];
	_ =	sdelay $0x4  }
0x1ea: {  	[tilespmem:s2+$0x358] =	vst v1  }
0x1eb: {  	v1 =	vld [tilespmem:s29+$0xFFFFFFA0];
	_ =	sdelay $0x4  }
0x1ec: {  	[tilespmem:s2+$0x368] =	vst v1  }
0x1ed: {  	v1 =	vld [tilespmem:s29+$0xFFFFFFB0];
	_ =	sdelay $0x4  }
0x1ee: {  	[tilespmem:s2+$0x378] =	vst v1  }
0x1ef: {  	v1 =	vld [tilespmem:s29+$0xFFFFFFC0];
	_ =	sdelay $0x4  }
0x1f0: {  	[tilespmem:s2+$0x388] =	vst v1  }
0x1f1: {  	v1 =	vld [tilespmem:s29+$0xFFFFFFD0];
	_ =	sdelay $0x4  }
0x1f2: {  	[tilespmem:s2+$0x398] =	vst v1  }
0x1f3: {  	v1 =	vld [tilespmem:s29+$0xFFFFFFE0];
	_ =	sdelay $0x4  }
0x1f4: {  	[tilespmem:s2+$0x3A8] =	vst v1  }
0x1f5: {  	v1 =	vld [tilespmem:s29+$0xFFFFFFF0];
	_ =	sdelay $0x4  }
0x1f6: {  	[tilespmem:s2+$0x3B8] =	vst v1  }
0x1f7: {  	v1 =	vld [tilespmem:s29+$0x0];
	_ =	sdelay $0x4  }
0x1f8: {  	[tilespmem:s2+$0x3C8] =	vst v1  }
0x1f9: {  	v1 =	vld [tilespmem:s29+$0x10];
	_ =	sdelay $0x4  }
0x1fa: {  	[tilespmem:s2+$0x3D8] =	vst v1  }
0x1fb: {  	v1 =	vld [tilespmem:s29+$0x20];
	_ =	sdelay $0x4  }
0x1fc: {  	[tilespmem:s2+$0x3E8] =	vst v1  }
0x1fd: {  	v1 =	vld [tilespmem:s29+$0x30];
	_ =	sdelay $0x4  }
0x1fe: {  	[tilespmem:s2+$0x3F8] =	vst v1  }
0x1ff: {  	v1 =	vld [tilespmem:s29+$0x40];
	_ =	sdelay $0x4  }
0x200: {  	[tilespmem:s2+$0x408] =	vst v1  }
0x201: {  	v1 =	vld [tilespmem:s29+$0x50];
	_ =	sdelay $0x4  }
0x202: {  	[tilespmem:s2+$0x418] =	vst v1  }
0x203: {  	v1 =	vld [tilespmem:s29+$0x60];
	_ =	sdelay $0x4  }
0x204: {  	[tilespmem:s2+$0x428] =	vst v1  }
0x205: {  	v1 =	vld [tilespmem:s29+$0x70];
	_ =	sdelay $0x4  }
0x206: {  	[tilespmem:s2+$0x438] =	vst v1  }
0x207: {  	v1 =	vld [tilespmem:s29+$0x80];
	_ =	sdelay $0x4  }
0x208: {  	[tilespmem:s2+$0x448] =	vst v1  }
0x209: {  	v1 =	vld [tilespmem:s29+$0x90];
	_ =	sdelay $0x4  }
0x20a: {  	[tilespmem:s2+$0x458] =	vst v1  }
0x20b: {  	v1 =	vld [tilespmem:s29+$0xA0];
	_ =	sdelay $0x4  }
0x20c: {  	[tilespmem:s2+$0x468] =	vst v1  }
0x20d: {  	v1 =	vld [tilespmem:s29+$0xB0]  }
.Ltmp20:
0x20e: {  	_ = 	snop;
	(pc) =	sbr.rel .LBB2_27-.Ltmp20, $2  }
0x20f: {  	_ =	sdelay $0x2  }
0x210: {  	s28 =	sadd.s32 $0x1, s28;
	[tilespmem:s2+$0x478] =	vst v1  }
.LBB2_29:
.Ltmp21:
0x211: {  	(pc) =	sbr.rel .LBB2_30-.Ltmp21, $4  }
0x212: {  	_ = 	snop  }
0x213: {  	s0 =	simm.s32 $0x2  }
0x214: {  	_ =	swait.ge [sflag:s0], $0x0  }
0x215: {  	s2 =	simm.s32 $0x0;
	[sflag:s0] =	ssyncset.done $0x0;
	s0 =	smov.u32 s30  }
.LBB2_32:
0x216: {  	_ =	sfence.sel $0x180000  }
0x217: {  	s0 =	simm.s32 $0x9;
	[bflag:$0x0] =	sbarrier.arrive $0xFFFF  }
0x218: {  	s24 =	simm.s32 $0xA;
	[sflag:s0] =	ssyncpa.u1 $0x1  }
0x219: {  	s25 =	simm.s32 $0xB;
	[sflag:s24] =	ssyncpa.u1 $0x1  }
0x21a: {  	s26 =	simm.s32 $0x2;
	[sflag:s25] =	ssyncpa.u1 $0x1  }
0x21b: {  	[sflag:s26] =	ssyncpa.u1 $0x1  }
0x21c: {  	v0 =	vld [tilespmem:$0xC608];
	_ =	sdelay $0x4  }
0x21d: {  	(v2sf) =	vpush v0, $0x0  }
0x21e: {  	(v2sf) =	vpush v0, $0x1  }
0x21f: {  	(v2sf) =	vpush v0, $0x2;
	_ =	sdelay $0xc  }
0x220: {  	s0 =	spop (v2sf)  }
0x221: {  	s2 =	spop (v2sf)  }
0x222: {  	s3 =	smov.u32 s0;
	p0 =	sne.s32 s0, s2;
	s4 =	spop (v2sf)  }
0x223: {  	s3 =	simm.s32 @!p0 $0xFFFFFFFF;
	p0 =	seq.s32 s4, $0xFFFFFFFF  }
0x224: {  	v2 =	vimm.s32 $0x1;
	v3 =	vlaneseq.u32;
	v1 =	vmov s3;
	p1 =	sne.s32 @!p0 s0, s2  }
0x225: {  	s16 =	stileid.u32;
	v0 =	vperm.xlane v0, v2;
	s0 =	simm.s32 @!p0 $0x1;
	v1 =	vperm.xlane v1, v3;
	p1 =	por !p1, p0  }
0x226: {  	vm0 =	vcmask $0x3F04;
	s3 =	sshll.u32 s16, $0x1;
	s2 =	smul.u32 @!p0 $0x600, s4;
	s0 =	simm.s32 @p1 $0x0  }
0x227: {  	s6 =	simm.s32 $0xC608;
	v0 =	vsel vm0, v1, v0;
	s0 =	sor.u32 @!p0 s0, s3  }
0x228: {  	s5 =	sor.u32 $0x3000, s3;
	s2 =	sshra.s32 @!p0 s2, $0x2;
	[tilespmem:$0xC608] =	vst v0;
	s0 =	smul.u32 @!p0 $0x600, s0  }
0x229: {  	[spmem:s5] =	stream.linear.scatter [tilespmem:s6], [sflag:$0x1], $0x2, $0x38;
	[tilespmem:$0x1B788] =	vst v63  }
0x22a: {  	s2 =	sadd.s32 @!p0 $0x308, s2;
	s0 =	sshrl.u32 @!p0 s0, $0x2  }
0x22b: {  	[spmem:s0] =	stream.linear.scatter @!p0 [tilespmem:s2], [sflag:$0x1], $0x180, $0x38;
	[tilespmem:$0x1B788] =	vst v63  }
0x22c: {  	s0 =	simm.s32 @!p0 $0x182  }
0x22d: {  	s28 =	simm.s32 $0x1;
	s0 =	simm.s32 @p0 $0x2  }
0x22e: {  	_ =	swait.ge [sflag:s28], s0  }
0x22f: {  	s0 =	ssub.s32 $0x0, s0;
	[sflag:s28] =	ssyncset.done $0x0  }
0x230: {  	p0 =	sne.s32 s16, $0x0;
	[sflag:s28] =	ssyncadd.s32 s0  }
.Ltmp22:
0x231: {  	_ =	sfence.stream.spmem;
	(pc) =	sbr.rel @p0 .LBB2_52-.Ltmp22, $4  }
0x232: {  	s29 =	simm.s32 $0x3;
	[bflag:$0x0] =	sbarrier.arrive $0xFFFF  }
0x233: {  	s30 =	simm.s32 $0x4;
	[sflag:s29] =	ssyncpa.u1 $0x1  }
0x234: {  	s31 =	simm.s32 $0x3C;
	[sflag:s30] =	ssyncpa.u1 $0x1  }
0x235: {  	s15 =	rddreg [dreg:$0x6];
	[sflag:s31] =	ssyncpa.u1 $0x1  }
0x236: {  	_ =	sfence.stream.spmem;
	s0 =	simm.s32 $0x5  }
0x237: {  	s2 =	simm.s32 $0x3000;
	s3 =	simm.s32 $0xC618;
	[sflag:s0] =	ssyncpa.u1 $0x0  }
0x238: {  	[tilespmem:s3], [sflag:$0x5] =	stream.linear.gather [spmem:s2], $0x20, $0x38;
	[tilespmem:$0x1B788] =	vst v63  }
0x239: {  	s26 =	simm.s32 $0x0;
	s28 =	simm.s32 $0xC638  }
0x23a: {  	[tilespmem:s28], [sflag:$0x5] =	stream.linear.gather [spmem:s26], $0x3000, $0x38;
	[tilespmem:$0x1B788] =	vst v63  }
0x23b: {  	_ =	swait.ge [sflag:s0], $0x3020  }
0x23c: {  	[sflag:s0] =	ssyncset.done $0x0  }
0x23d: {  	s29 =	simm.s32 $0x0;
	[sflag:s0] =	ssyncadd.s32 $0xFFFFCFE0  }
0x23e: {  	v0 =	vld.msk [tilespmem:s29+$0xC618], $0x1;
	_ =	sdelay $0x1  }
0x23f: {  	s30 =	simm.s32 $0x1  }
0x240: {  	v1 =	vld.msk [tilespmem:s30+$0xC618], $0x1;
	_ =	sdelay $0x1  }
0x241: {  	(v2sf) =	vpush v0, $0x0;
	_ =	sdelay $0x2  }
0x242: {  	(v2sf) =	vpush v1, $0x0;
	_ =	sdelay $0x2  }
0x243: {  	s31 =	simm.s32 $0x2  }
0x244: {  	v0 =	vld.msk [tilespmem:s31+$0xC618], $0x1;
	_ =	sdelay $0x2  }
0x245: {  	s4 =	simm.s32 $0xFFFFFFFF;
	s3 =	simm.s32 $0xFFFFFFFF;
	s0 =	simm.s32 $0xC  }
.LBB2_34:
0x246: {  	s2 =	smov.u32 s3;
	s5 =	smov.u32 s4  }
0x247: {  	s3 =	sshra.s32 s0, $0x2;
	p1 =	sne.s32 s0, $0x7C;
	s0 =	sadd.s32 $0x4, s0;
	(v2sf) =	vpush v0, $0x0  }
0x248: {  	v0 =	vld.msk [tilespmem:s3+$0xC618], $0x1  }
.Ltmp23:
0x249: {  	(pc) =	sbr.rel @p1 .LBB2_34-.Ltmp23, $4  }
0x24a: {  	s3 =	spop (v2sf)  }
0x24b: {  	p2 =	sne.s32 s4, $0xFFFFFFFF;
	s4 =	smov.u32 s3  }
0x24c: {  	p3 =	seq.s32 s3, $0xFFFFFFFF;
	s4 =	smov.u32 @p2 s5  }
0x24d: {  	s3 =	smov.u32 @p3 s2;
	s4 =	smov.u32 @p3 s5  }
0x24e: {  	(v2sf) =	vpush v0, $0x0;
	_ =	sdelay $0x8  }
0x24f: {  	s0 =	spop (v2sf);
	p1 =	sne.s32 s4, $0xFFFFFFFF  }
0x250: {  	s9 =	simm.s32 $0x6;
	s6 =	simm.s32 $0x0;
	s2 =	smov.u32 s0  }
0x251: {  	s10 =	simm.s32 $0xC488;
	p2 =	seq.s32 s0, $0xFFFFFFFF;
	s2 =	smov.u32 @p1 s4  }
0x252: {  	s11 =	simm.s32 $0xC508;
	s2 =	smov.u32 @p2 s4;
	s4 =	spop (v2sf)  }
0x253: {  	s12 =	simm.s32 $0xC588;
	p1 =	sne.s32 s2, $0xFFFFFFFF;
	s5 =	smov.u32 s4  }
.Ltmp24:
0x254: {  	s5 =	smov.u32 @p1 s2;
	p1 =	seq.s32 s4, $0xFFFFFFFF;
	(pc) =	sbr.rel .LBB2_36-.Ltmp24, $4  }
0x255: {  	s13 =	simm.s32 $0x0;
	s5 =	smov.u32 @p1 s2;
	s7 =	spop (v2sf)  }
0x256: {  	s0 =	smov.u32 @p2 s3;
	p2 =	sne.s32 s5, $0xFFFFFFFF;
	s8 =	smov.u32 s7  }
0x257: {  	s4 =	smov.u32 @p1 s0;
	p1 =	seq.s32 s7, $0xFFFFFFFF;
	s8 =	smov.u32 @p2 s5  }
0x258: {  	[sflag:s9] =	ssyncpa.u1 $0x0;
	s7 =	smov.u32 @p1 s4;
	s8 =	smov.u32 @p1 s5  }
.LBB2_41:
0x259: {  	s0 =	smul.u32 $0x600, s13;
	_ =	sdelay $0x1  }
0x25a: {  	s0 =	sshra.s32 s0, $0x2  }
0x25b: {  	v0 =	vld [tilespmem:s0+$0xC638];
	_ =	sdelay $0x1  }
0x25c: {  	s2 =	smul.u32 $0x600, s5;
	_ =	sdelay $0x1  }
0x25d: {  	s2 =	sshra.s32 s2, $0x2  }
0x25e: {  	[tilespmem:s2+$0xC638] =	vst.add.f32.msk $0xffff, v0  }
0x25f: {  	v0 =	vld [tilespmem:s0+$0xC648];
	_ =	sdelay $0x4  }
0x260: {  	[tilespmem:s2+$0xC648] =	vst.add.f32.msk $0xffff, v0  }
0x261: {  	v0 =	vld [tilespmem:s0+$0xC658];
	_ =	sdelay $0x4  }
0x262: {  	[tilespmem:s2+$0xC658] =	vst.add.f32.msk $0xffff, v0  }
0x263: {  	v0 =	vld [tilespmem:s0+$0xC668];
	_ =	sdelay $0x4  }
0x264: {  	[tilespmem:s2+$0xC668] =	vst.add.f32.msk $0xffff, v0  }
0x265: {  	v0 =	vld [tilespmem:s0+$0xC678];
	_ =	sdelay $0x4  }
0x266: {  	[tilespmem:s2+$0xC678] =	vst.add.f32.msk $0xffff, v0  }
0x267: {  	v0 =	vld [tilespmem:s0+$0xC688];
	_ =	sdelay $0x4  }
0x268: {  	[tilespmem:s2+$0xC688] =	vst.add.f32.msk $0xffff, v0  }
0x269: {  	v0 =	vld [tilespmem:s0+$0xC698];
	_ =	sdelay $0x4  }
0x26a: {  	[tilespmem:s2+$0xC698] =	vst.add.f32.msk $0xffff, v0  }
0x26b: {  	v0 =	vld [tilespmem:s0+$0xC6A8];
	_ =	sdelay $0x4  }
0x26c: {  	[tilespmem:s2+$0xC6A8] =	vst.add.f32.msk $0xffff, v0  }
0x26d: {  	v0 =	vld [tilespmem:s0+$0xC6B8];
	_ =	sdelay $0x4  }
0x26e: {  	[tilespmem:s2+$0xC6B8] =	vst.add.f32.msk $0xffff, v0  }
0x26f: {  	v0 =	vld [tilespmem:s0+$0xC6C8];
	_ =	sdelay $0x4  }
0x270: {  	[tilespmem:s2+$0xC6C8] =	vst.add.f32.msk $0xffff, v0  }
0x271: {  	v0 =	vld [tilespmem:s0+$0xC6D8];
	_ =	sdelay $0x4  }
0x272: {  	[tilespmem:s2+$0xC6D8] =	vst.add.f32.msk $0xffff, v0  }
0x273: {  	v0 =	vld [tilespmem:s0+$0xC6E8];
	_ =	sdelay $0x4  }
0x274: {  	[tilespmem:s2+$0xC6E8] =	vst.add.f32.msk $0xffff, v0  }
0x275: {  	v0 =	vld [tilespmem:s0+$0xC6F8];
	_ =	sdelay $0x4  }
0x276: {  	[tilespmem:s2+$0xC6F8] =	vst.add.f32.msk $0xffff, v0  }
0x277: {  	v0 =	vld [tilespmem:s0+$0xC708];
	_ =	sdelay $0x4  }
0x278: {  	[tilespmem:s2+$0xC708] =	vst.add.f32.msk $0xffff, v0  }
0x279: {  	v0 =	vld [tilespmem:s0+$0xC718];
	_ =	sdelay $0x4  }
0x27a: {  	[tilespmem:s2+$0xC718] =	vst.add.f32.msk $0xffff, v0  }
0x27b: {  	v0 =	vld [tilespmem:s0+$0xC728];
	_ =	sdelay $0x4  }
0x27c: {  	[tilespmem:s2+$0xC728] =	vst.add.f32.msk $0xffff, v0  }
0x27d: {  	v0 =	vld [tilespmem:s0+$0xC738];
	_ =	sdelay $0x4  }
0x27e: {  	[tilespmem:s2+$0xC738] =	vst.add.f32.msk $0xffff, v0  }
0x27f: {  	v0 =	vld [tilespmem:s0+$0xC748];
	_ =	sdelay $0x4  }
0x280: {  	[tilespmem:s2+$0xC748] =	vst.add.f32.msk $0xffff, v0  }
0x281: {  	v0 =	vld [tilespmem:s0+$0xC758];
	_ =	sdelay $0x4  }
0x282: {  	[tilespmem:s2+$0xC758] =	vst.add.f32.msk $0xffff, v0  }
0x283: {  	v0 =	vld [tilespmem:s0+$0xC768];
	_ =	sdelay $0x4  }
0x284: {  	[tilespmem:s2+$0xC768] =	vst.add.f32.msk $0xffff, v0  }
0x285: {  	v0 =	vld [tilespmem:s0+$0xC778];
	_ =	sdelay $0x4  }
0x286: {  	[tilespmem:s2+$0xC778] =	vst.add.f32.msk $0xffff, v0  }
0x287: {  	v0 =	vld [tilespmem:s0+$0xC788];
	_ =	sdelay $0x4  }
0x288: {  	[tilespmem:s2+$0xC788] =	vst.add.f32.msk $0xffff, v0  }
0x289: {  	v0 =	vld [tilespmem:s0+$0xC798];
	_ =	sdelay $0x4  }
0x28a: {  	[tilespmem:s2+$0xC798] =	vst.add.f32.msk $0xffff, v0  }
0x28b: {  	v0 =	vld [tilespmem:s0+$0xC7A8];
	_ =	sdelay $0x4  }
0x28c: {  	[tilespmem:s2+$0xC7A8] =	vst.add.f32.msk $0xffff, v0  }
.LBB2_46:
0x28d: {  	s13 =	sadd.s32 $0x1, s13  }
0x28e: {  	p1 =	sne.s32 s13, $0x20  }
.Ltmp25:
0x28f: {  	_ = 	snop;
	(pc) =	sbr.rel @!p1 .LBB2_47-.Ltmp25, $1  }
0x290: {  	_ =	sdelay $0x3  }
.LBB2_36:
0x291: {  	v0 =	vld.msk [tilespmem:s13+$0xC618], $0x1;
	_ =	sdelay $0x4  }
0x292: {  	(v2sf) =	vpush v0, $0x0;
	_ =	sdelay $0xe  }
0x293: {  	s0 =	spop (v2sf)  }
0x294: {  	p1 =	seq.s32 s0, $0xFFFFFFFF  }
.Ltmp26:
0x295: {  	_ = 	snop;
	(pc) =	sbr.rel @p1 .LBB2_46-.Ltmp26, $1  }
0x296: {  	_ =	sdelay $0x3  }
0x297: {  	p1 =	slt.s32 s6, $0x1  }
.Ltmp27:
0x298: {  	_ = 	snop;
	(pc) =	sbr.rel @p1 .LBB2_42-.Ltmp27, $1  }
0x299: {  	_ =	sdelay $0x3  }
0x29a: {  	s4 =	simm.s32 $0xC618;
	p1 =	por $0x0, $0x0  }
0x29b: {  	v1 =	vld.msk @!p1 [tilespmem:s4+$0x0], $0x1;
	_ =	sdelay $0x4  }
0x29c: {  	(v2sf) =	vpush @!p1 v1, $0x0;
	_ =	sdelay $0xd  }
0x29d: {  	p3 =	sne.s32 s6, $0x1  }
.Ltmp28:
0x29e: {  	s2 =	spop @!p1 (v2sf);
	(pc) =	sbr.rel @!p3 .LBB2_40-.Ltmp28, $4  }
0x29f: {  	p2 =	seq.s32 @!p1 s0, s2  }
0x2a0: {  	s5 =	simm.s32 $0x0;
	p2 =	por !p2, p1  }
0x2a1: {  	s2 =	simm.s32 $0xFFFFFFFF;
	s5 =	simm.s32 @p2 $0xFFFFFFFF  }
0x2a2: {  	s14 =	simm.s32 $0x1;
	s5 =	smov.u32 @p1 s2  }
.LBB2_39:
0x2a3: {  	s2 =	smov.u32 s5;
	p1 =	sne.s32 s5, $0xFFFFFFFF  }
0x2a4: {  	s4 =	sadd.s32 $0x1, s4;
	s5 =	smov.u32 s14;
	s14 =	sadd.s32 $0x1, s14  }
0x2a5: {  	p2 =	sne.s32 s6, s14;
	v1 =	vld.msk @!p1 [tilespmem:s4+$0x0], $0x1;
	_ =	sdelay $0x4  }
0x2a6: {  	(v2sf) =	vpush @!p1 v1, $0x0;
	_ =	sdelay $0xe  }
.Ltmp29:
0x2a7: {  	s3 =	spop @!p1 (v2sf);
	(pc) =	sbr.rel @p2 .LBB2_39-.Ltmp29, $4  }
0x2a8: {  	p3 =	seq.s32 @!p1 s0, s3  }
0x2a9: {  	p3 =	por !p3, p1  }
0x2aa: {  	s5 =	simm.s32 @p3 $0xFFFFFFFF  }
0x2ab: {  	s5 =	smov.u32 @p1 s2  }
.LBB2_40:
0x2ac: {  	p1 =	seq.s32 s5, $0xFFFFFFFF  }
.Ltmp30:
0x2ad: {  	_ = 	snop;
	(pc) =	sbr.rel @!p1 .LBB2_41-.Ltmp30, $1  }
0x2ae: {  	_ =	sdelay $0x3  }
.LBB2_42:
0x2af: {  	p1 =	sgt.u32 s0, $0xBFEF0  }
0x2b0: {  	p2 =	seq.s32 @!p1 s0, s8  }
0x2b1: {  	p1 =	por p1, p2  }
0x2b2: {  	p2 =	sne.s32 @!p1 s0, s7  }
0x2b3: {  	p1 =	por p1, !p2  }
.Ltmp31:
0x2b4: {  	_ = 	snop;
	(pc) =	sbr.rel @p1 .LBB2_43-.Ltmp31, $1  }
0x2b5: {  	_ =	sdelay $0x3  }
0x2b6: {  	s2 =	sand.u32 $0xFFFF8, s0  }
0x2b7: {  	s3 =	sand.u32 $0x7, s0;
	s29 =	sadd.s32 $0x80, s0;
	s2 =	sadd.s32 s1, s2  }
0x2b8: {  	[tilespmem:s10], [sflag:$0x6] =	stream.linear.gather [hbm4b:s2+s3], $0x80, $0x38;
	[tilespmem:$0x1B788] =	vst v63  }
0x2b9: {  	s30 =	sadd.s32 $0x100, s0;
	s2 =	sand.u32 $0x1FFFF8, s29  }
0x2ba: {  	s0 =	sand.u32 $0x1FFFF8, s30;
	s2 =	sadd.s32 s1, s2  }
0x2bb: {  	[tilespmem:s11], [sflag:$0x6] =	stream.linear.gather [hbm4b:s2+s3], $0x80, $0x38;
	[tilespmem:$0x1B788] =	vst v63  }
0x2bc: {  	s0 =	sadd.s32 s1, s0  }
0x2bd: {  	[tilespmem:s12], [sflag:$0x6] =	stream.linear.gather [hbm4b:s0+s3], $0x80, $0x38;
	[tilespmem:$0x1B788] =	vst v63  }
0x2be: {  	_ =	swait.ge [sflag:s9], $0x180  }
0x2bf: {  	[sflag:s9] =	ssyncset.done $0x0  }
0x2c0: {  	[sflag:s9] =	ssyncadd.s32 $0xFFFFFE80  }
0x2c1: {  	v1 =	vld [tilespmem:$0xC488];
	_ =	sdelay $0x1  }
0x2c2: {  	s0 =	smul.u32 $0x600, s13;
	_ =	sdelay $0x1  }
0x2c3: {  	s31 =	sshra.s32 s0, $0x2  }
0x2c4: {  	[tilespmem:s31+$0xC638] =	vst.add.f32.msk $0xffff, v1  }
0x2c5: {  	v1 =	vld [tilespmem:$0xC498];
	_ =	sdelay $0x4  }
0x2c6: {  	[tilespmem:s31+$0xC648] =	vst.add.f32.msk $0xffff, v1  }
0x2c7: {  	v1 =	vld [tilespmem:$0xC4A8];
	_ =	sdelay $0x4  }
0x2c8: {  	[tilespmem:s31+$0xC658] =	vst.add.f32.msk $0xffff, v1  }
0x2c9: {  	v1 =	vld [tilespmem:$0xC4B8];
	_ =	sdelay $0x4  }
0x2ca: {  	[tilespmem:s31+$0xC668] =	vst.add.f32.msk $0xffff, v1  }
0x2cb: {  	v1 =	vld [tilespmem:$0xC4C8];
	_ =	sdelay $0x4  }
0x2cc: {  	[tilespmem:s31+$0xC678] =	vst.add.f32.msk $0xffff, v1  }
0x2cd: {  	v1 =	vld [tilespmem:$0xC4D8];
	_ =	sdelay $0x4  }
0x2ce: {  	[tilespmem:s31+$0xC688] =	vst.add.f32.msk $0xffff, v1  }
0x2cf: {  	v1 =	vld [tilespmem:$0xC4E8];
	_ =	sdelay $0x4  }
0x2d0: {  	[tilespmem:s31+$0xC698] =	vst.add.f32.msk $0xffff, v1  }
0x2d1: {  	v1 =	vld [tilespmem:$0xC4F8];
	_ =	sdelay $0x4  }
0x2d2: {  	[tilespmem:s31+$0xC6A8] =	vst.add.f32.msk $0xffff, v1  }
0x2d3: {  	v1 =	vld [tilespmem:$0xC508];
	_ =	sdelay $0x4  }
0x2d4: {  	[tilespmem:s31+$0xC6B8] =	vst.add.f32.msk $0xffff, v1  }
0x2d5: {  	v1 =	vld [tilespmem:$0xC518];
	_ =	sdelay $0x4  }
0x2d6: {  	[tilespmem:s31+$0xC6C8] =	vst.add.f32.msk $0xffff, v1  }
0x2d7: {  	v1 =	vld [tilespmem:$0xC528];
	_ =	sdelay $0x4  }
0x2d8: {  	[tilespmem:s31+$0xC6D8] =	vst.add.f32.msk $0xffff, v1  }
0x2d9: {  	v1 =	vld [tilespmem:$0xC538];
	_ =	sdelay $0x4  }
0x2da: {  	[tilespmem:s31+$0xC6E8] =	vst.add.f32.msk $0xffff, v1  }
0x2db: {  	v1 =	vld [tilespmem:$0xC548];
	_ =	sdelay $0x4  }
0x2dc: {  	[tilespmem:s31+$0xC6F8] =	vst.add.f32.msk $0xffff, v1  }
0x2dd: {  	v1 =	vld [tilespmem:$0xC558];
	_ =	sdelay $0x4  }
0x2de: {  	[tilespmem:s31+$0xC708] =	vst.add.f32.msk $0xffff, v1  }
0x2df: {  	v1 =	vld [tilespmem:$0xC568];
	_ =	sdelay $0x4  }
0x2e0: {  	[tilespmem:s31+$0xC718] =	vst.add.f32.msk $0xffff, v1  }
0x2e1: {  	v1 =	vld [tilespmem:$0xC578];
	_ =	sdelay $0x4  }
0x2e2: {  	[tilespmem:s31+$0xC728] =	vst.add.f32.msk $0xffff, v1  }
0x2e3: {  	v1 =	vld [tilespmem:$0xC588];
	_ =	sdelay $0x4  }
0x2e4: {  	[tilespmem:s31+$0xC738] =	vst.add.f32.msk $0xffff, v1  }
0x2e5: {  	v1 =	vld [tilespmem:$0xC598];
	_ =	sdelay $0x4  }
0x2e6: {  	[tilespmem:s31+$0xC748] =	vst.add.f32.msk $0xffff, v1  }
0x2e7: {  	v1 =	vld [tilespmem:$0xC5A8];
	_ =	sdelay $0x4  }
0x2e8: {  	[tilespmem:s31+$0xC758] =	vst.add.f32.msk $0xffff, v1  }
0x2e9: {  	v1 =	vld [tilespmem:$0xC5B8];
	_ =	sdelay $0x4  }
0x2ea: {  	[tilespmem:s31+$0xC768] =	vst.add.f32.msk $0xffff, v1  }
0x2eb: {  	v1 =	vld [tilespmem:$0xC5C8];
	_ =	sdelay $0x4  }
0x2ec: {  	[tilespmem:s31+$0xC778] =	vst.add.f32.msk $0xffff, v1  }
0x2ed: {  	v1 =	vld [tilespmem:$0xC5D8];
	_ =	sdelay $0x4  }
0x2ee: {  	[tilespmem:s31+$0xC788] =	vst.add.f32.msk $0xffff, v1  }
0x2ef: {  	v1 =	vld [tilespmem:$0xC5E8];
	_ =	sdelay $0x4  }
0x2f0: {  	[tilespmem:s31+$0xC798] =	vst.add.f32.msk $0xffff, v1  }
0x2f1: {  	v1 =	vld [tilespmem:$0xC5F8];
	_ =	sdelay $0x4  }
0x2f2: {  	[tilespmem:s31+$0xC7A8] =	vst.add.f32.msk $0xffff, v1  }
.LBB2_45:
0x2f3: {  	[tilespmem:s6+$0xC618] =	vst.msk $0x1, v0;
	s0 =	sshra.s32 s0, $0x2  }
0x2f4: {  	v0 =	vld [tilespmem:s0+$0xC638];
	_ =	sdelay $0x1  }
0x2f5: {  	s2 =	smul.u32 $0x600, s6;
	_ =	sdelay $0x1  }
0x2f6: {  	s2 =	sshra.s32 s2, $0x2  }
0x2f7: {  	[tilespmem:s2+$0xC638] =	vst v0  }
0x2f8: {  	v0 =	vld [tilespmem:s0+$0xC648];
	_ =	sdelay $0x4  }
0x2f9: {  	[tilespmem:s2+$0xC648] =	vst v0  }
0x2fa: {  	v0 =	vld [tilespmem:s0+$0xC658];
	_ =	sdelay $0x4  }
0x2fb: {  	[tilespmem:s2+$0xC658] =	vst v0  }
0x2fc: {  	v0 =	vld [tilespmem:s0+$0xC668];
	_ =	sdelay $0x4  }
0x2fd: {  	[tilespmem:s2+$0xC668] =	vst v0  }
0x2fe: {  	v0 =	vld [tilespmem:s0+$0xC678];
	_ =	sdelay $0x4  }
0x2ff: {  	[tilespmem:s2+$0xC678] =	vst v0  }
0x300: {  	v0 =	vld [tilespmem:s0+$0xC688];
	_ =	sdelay $0x4  }
0x301: {  	[tilespmem:s2+$0xC688] =	vst v0  }
0x302: {  	v0 =	vld [tilespmem:s0+$0xC698];
	_ =	sdelay $0x4  }
0x303: {  	[tilespmem:s2+$0xC698] =	vst v0  }
0x304: {  	v0 =	vld [tilespmem:s0+$0xC6A8];
	_ =	sdelay $0x4  }
0x305: {  	[tilespmem:s2+$0xC6A8] =	vst v0  }
0x306: {  	v0 =	vld [tilespmem:s0+$0xC6B8];
	_ =	sdelay $0x4  }
0x307: {  	[tilespmem:s2+$0xC6B8] =	vst v0  }
0x308: {  	v0 =	vld [tilespmem:s0+$0xC6C8];
	_ =	sdelay $0x4  }
0x309: {  	[tilespmem:s2+$0xC6C8] =	vst v0  }
0x30a: {  	v0 =	vld [tilespmem:s0+$0xC6D8];
	_ =	sdelay $0x4  }
0x30b: {  	[tilespmem:s2+$0xC6D8] =	vst v0  }
0x30c: {  	v0 =	vld [tilespmem:s0+$0xC6E8];
	_ =	sdelay $0x4  }
0x30d: {  	[tilespmem:s2+$0xC6E8] =	vst v0  }
0x30e: {  	v0 =	vld [tilespmem:s0+$0xC6F8];
	_ =	sdelay $0x4  }
0x30f: {  	[tilespmem:s2+$0xC6F8] =	vst v0  }
0x310: {  	v0 =	vld [tilespmem:s0+$0xC708];
	_ =	sdelay $0x4  }
0x311: {  	[tilespmem:s2+$0xC708] =	vst v0  }
0x312: {  	v0 =	vld [tilespmem:s0+$0xC718];
	_ =	sdelay $0x4  }
0x313: {  	[tilespmem:s2+$0xC718] =	vst v0  }
0x314: {  	v0 =	vld [tilespmem:s0+$0xC728];
	_ =	sdelay $0x4  }
0x315: {  	[tilespmem:s2+$0xC728] =	vst v0  }
0x316: {  	v0 =	vld [tilespmem:s0+$0xC738];
	_ =	sdelay $0x4  }
0x317: {  	[tilespmem:s2+$0xC738] =	vst v0  }
0x318: {  	v0 =	vld [tilespmem:s0+$0xC748];
	_ =	sdelay $0x4  }
0x319: {  	[tilespmem:s2+$0xC748] =	vst v0  }
0x31a: {  	v0 =	vld [tilespmem:s0+$0xC758];
	_ =	sdelay $0x4  }
0x31b: {  	[tilespmem:s2+$0xC758] =	vst v0  }
0x31c: {  	v0 =	vld [tilespmem:s0+$0xC768];
	_ =	sdelay $0x4  }
0x31d: {  	[tilespmem:s2+$0xC768] =	vst v0  }
0x31e: {  	v0 =	vld [tilespmem:s0+$0xC778];
	_ =	sdelay $0x4  }
0x31f: {  	[tilespmem:s2+$0xC778] =	vst v0  }
0x320: {  	v0 =	vld [tilespmem:s0+$0xC788];
	_ =	sdelay $0x4  }
0x321: {  	[tilespmem:s2+$0xC788] =	vst v0  }
0x322: {  	v0 =	vld [tilespmem:s0+$0xC798];
	_ =	sdelay $0x4  }
0x323: {  	[tilespmem:s2+$0xC798] =	vst v0  }
0x324: {  	v0 =	vld [tilespmem:s0+$0xC7A8]  }
.Ltmp32:
0x325: {  	_ = 	snop;
	(pc) =	sbr.rel .LBB2_46-.Ltmp32, $2  }
0x326: {  	_ =	sdelay $0x2  }
0x327: {  	s6 =	sadd.s32 $0x1, s6;
	[tilespmem:s2+$0xC7A8] =	vst v0  }
.LBB2_43:
.Ltmp33:
0x328: {  	(pc) =	sbr.rel .LBB2_45-.Ltmp33, $2  }
0x329: {  	_ =	sdelay $0x1  }
0x32a: {  	s0 =	smul.u32 $0x600, s13;
	_ =	sdelay $0x1  }
.LBB2_47:
0x32b: {  	s0 =	simm.s32 $0x6;
	p1 =	seq.s32 s6, $0x0  }
0x32c: {  	[sflag:s0] =	ssyncpa.u1 $0x1;
	v0 =	vimm.s32 @p1 $0xFFFFFFFF  }
0x32d: {  	s0 =	sadd.s32 $0xFFFFFFFF, s6;
	[tilespmem:$0xF638] =	vst @p1 v0  }
0x32e: {  	v0 =	vld.msk @!p1 [tilespmem:s0+$0xC618], $0x1;
	_ =	sdelay $0x1  }
0x32f: {  	v1 =	vld.msk @!p1 [tilespmem:$0xC618], $0x1;
	_ =	sdelay $0x2  }
0x330: {  	p2 =	seq.s32 @!p1 s0, $0x0;
	v0 =	vbroadcast @!p1 v0, $0x0  }
0x331: {  	vm0 =	vmmov @!p1 $0x1;
	p3 =	por !p2, p1  }
0x332: {  	p2 =	sne.s32 @!p1 s8, s7;
	v1 =	vnsel @!p1 vm0, $0xFFFFFFFF, v1;
	vm0 =	vcmask @!p1 $0x308;
	v0 =	vpsel !p3, $0xFFFFFFFF, v0  }
0x333: {  	p3 =	por !p2, p1;
	v0 =	vsel @!p1 vm0, v1, v0  }
0x334: {  	s2 =	simm.s32 @!p1 $0xC638;
	s3 =	simm.s32 @!p1 $0x0;
	s4 =	smul.u32 @!p3 $0x600, s0;
	[tilespmem:$0xF638] =	vst @!p1 v0  }
0x335: {  	[spmem:s3] =	stream.linear.scatter @!p1 [tilespmem:s2], [sflag:$0x1], $0x180, $0x38;
	[tilespmem:$0x1B788] =	vst v63  }
0x336: {  	s2 =	sshra.s32 @!p3 s4, $0x2  }
0x337: {  	s3 =	simm.s32 @!p3 $0x180;
	s2 =	sadd.s32 @!p3 $0xC638, s2  }
0x338: {  	[spmem:s3] =	stream.linear.scatter @!p3 [tilespmem:s2], [sflag:$0x1], $0x180, $0x38;
	[tilespmem:$0x1B788] =	vst v63  }
0x339: {  	s2 =	simm.s32 @!p3 $0x1  }
0x33a: {  	_ =	swait.ge @!p3 [sflag:s2], $0x300  }
0x33b: {  	p1 =	por p2, p1;
	[sflag:s2] =	ssyncset.done @!p3 $0x0  }
0x33c: {  	[sflag:s2] =	ssyncadd.s32 @!p3 $0xFFFFFD00;
	s2 =	simm.s32 @!p1 $0x1  }
0x33d: {  	_ =	swait.ge @!p1 [sflag:s2], $0x180  }
0x33e: {  	s29 =	simm.s32 $0xF638;
	[sflag:s2] =	ssyncset.done @!p1 $0x0  }
0x33f: {  	s30 =	simm.s32 $0x3000;
	s31 =	simm.s32 $0x1;
	[sflag:s2] =	ssyncadd.s32 @!p1 $0xFFFFFE80  }
0x340: {  	[spmem:s30] =	stream.linear.scatter [tilespmem:s29], [sflag:$0x1], $0x10, $0x38;
	[tilespmem:$0x1B788] =	vst v63  }
0x341: {  	_ =	swait.ge [sflag:s31], $0x10  }
0x342: {  	[sflag:s31] =	ssyncset.done $0x0  }
0x343: {  	p1 =	seq.s32 s15, $0x0;
	s9 =	rddreg [dreg:$0x3];
	[sflag:s31] =	ssyncadd.s32 $0xFFFFFFF0  }
0x344: {  	s3 =	sshll.u32 @p1 s9, $0xE;
	s8 =	rddreg [dreg:$0x4]  }
0x345: {  	s2 =	sadd.s32 @p1 $0x15C3C, s3;
	s3 =	sshll.u32 @p1 s8, $0x11  }
0x346: {  	_ =	sfence.stream.spmem;
	s2 =	sor.u32 @p1 s3, s2  }
0x347: {  	[sflag:s2] =	ssyncadd.remote.s32 @p1 $0x1;
	s2 =	simm.s32 @p1 $0x4  }
0x348: {  	s4 =	simm.s32 @!p1 $0x3C;
	s3 =	sand.u32 $0xFFFFFFFE, s9;
	_ =	swait.ge @p1 [sflag:s2], $0x62  }
0x349: {  	s5 =	simm.s32 @!p1 $0x0;
	s3 =	sadd.s32 @!p1 $0x4, s3;
	[sflag:s2] =	ssyncset.done @p1 $0x0  }
0x34a: {  	s7 =	simm.s32 @!p1 $0x300;
	[sflag:s2] =	ssyncadd.s32 @p1 $0xFFFFFF9E;
	s2 =	sshll.u32 @!p1 s3, $0x1A  }
0x34b: {  	s3 =	sshll.u32 @!p1 s3, $0xD;
	s2 =	sor.u32 @!p1 s2, s8;
	_ =	swait.eq @!p1 [sflag:s4], $0x1  }
0x34c: {  	s3 =	sor.u32 @!p1 $0x1C04, s3;
	s4 =	simm.s32 @!p1 $0x1C03;
	s2 =	sor.u32 @!p1 $0x80004000, s2  }
0x34d: {  	[spmem:s7], [sflag:s3] =	dma.general @!p1 [spmem:s5], [sflag:s4], length:$0x60, [dreg:$0x0], stride_count:$0x0, ici_dest:s2, dma_misc:DstOpCode:WRITE  }
0x34e: {  	p2 =	slt.s32 s0, $0x2;
	s5 =	simm.s32 @!p1 $0x600;
	s7 =	simm.s32 @!p1 $0x602  }
0x34f: {  	[spmem:s7], [sflag:s3] =	dma.general @!p1 [spmem:s5], [sflag:s4], length:$0x2, [dreg:$0x0], stride_count:$0x0, ici_dest:s2, dma_misc:DstOpCode:WRITE  }
.Ltmp34:
0x350: {  	s2 =	simm.s32 @!p1 $0x3;
	(pc) =	sbr.rel @p2 .LBB2_51-.Ltmp34, $4  }
0x351: {  	s3 =	sshll.u32 @!p1 s9, $0xE;
	_ =	swait.ge @!p1 [sflag:s2], $0x62  }
0x352: {  	s4 =	sshll.u32 @!p1 s8, $0x11;
	s3 =	sadd.s32 @!p1 $0x11C3C, s3;
	[sflag:s2] =	ssyncset.done @!p1 $0x0  }
0x353: {  	[sflag:s2] =	ssyncadd.s32 @!p1 $0xFFFFFF9E;
	s2 =	sor.u32 @!p1 s4, s3  }
0x354: {  	s0 =	simm.s32 $0x0;
	[sflag:s2] =	ssyncadd.remote.s32 @!p1 $0xFFFFFFFF  }
0x355: {  	s0 =	simm.s32 $0xC619  }
0x356: {  	v0 =	vld.msk [tilespmem:s0+$0x0], $0x1;
	_ =	sdelay $0x4  }
0x357: {  	(v2sf) =	vpush v0, $0x0;
	_ =	sdelay $0xe  }
0x358: {  	s2 =	spop (v2sf)  }
0x359: {  	s3 =	sadd.s32 $0xFFFFFFFE, s6;
	s0 =	simm.s32 $0xC7B8;
	p1 =	sgt.u32 s2, $0xBFEF0  }
0x35a: {  	s4 =	sand.u32 @!p1 $0xFFFF8, s2;
	s5 =	sadd.s32 @!p1 $0x80, s2;
	s6 =	sadd.s32 @!p1 $0x100, s2  }
0x35b: {  	s2 =	sand.u32 @!p1 $0x7, s2;
	s4 =	sadd.s32 @!p1 s1, s4;
	s5 =	sand.u32 @!p1 $0x1FFFF8, s5  }
0x35c: {  	[hbm4b:s4+s2] =	stream.linear.scatter @!p1 [tilespmem:s0], [sflag:$0x5], $0x80, $0x38;
	[tilespmem:$0x1B788] =	vst v63  }
0x35d: {  	s4 =	simm.s32 @!p1 $0xC838;
	s5 =	sadd.s32 @!p1 s1, s5  }
0x35e: {  	[hbm4b:s5+s2] =	stream.linear.scatter @!p1 [tilespmem:s4], [sflag:$0x5], $0x80, $0x38;
	[tilespmem:$0x1B788] =	vst v63  }
0x35f: {  	s4 =	sadd.s32 $0xFFFFFFFF, s3  }
0x360: {  	p2 =	sne.s32 s4, $0x0  }
.Ltmp35:
0x361: {  	_ = 	snop;
	(pc) =	sbr.rel @!p2 .LBB2_50-.Ltmp35, $4  }
0x362: {  	s6 =	sand.u32 @!p1 $0x1FFFF8, s6  }
0x363: {  	s3 =	simm.s32 @!p1 $0xC8B8;
	s5 =	sadd.s32 @!p1 s1, s6  }
0x364: {  	[hbm4b:s5+s2] =	stream.linear.scatter @!p1 [tilespmem:s3], [sflag:$0x5], $0x80, $0x38;
	[tilespmem:$0x1B788] =	vst v63  }
0x365: {  	s7 =	simm.s32 $0xC61A;
	s6 =	simm.s32 $0x0;
	s5 =	simm.s32 $0x0  }
.LBB2_49:
0x366: {  	s2 =	simm.s32 $0x0  }
0x367: {  	v0 =	vld.msk [tilespmem:s7+$0x0], $0x1;
	s4 =	sadd.s32 $0xFFFFFFFF, s4;
	s2 =	simm.s32 @!p1 $0x600  }
0x368: {  	p2 =	sne.s32 s4, $0x0;
	s6 =	sadd.s32 s6, s2;
	_ =	sdelay $0x3  }
0x369: {  	(v2sf) =	vpush v0, $0x0;
	_ =	sdelay $0xe  }
0x36a: {  	s2 =	spop (v2sf)  }
0x36b: {  	s0 =	sadd.s32 $0x180, s0;
	p1 =	sgt.u32 s2, $0xBFEF0  }
0x36c: {  	s3 =	sand.u32 @!p1 $0xFFFF8, s2;
	s8 =	sadd.s32 @!p1 $0x80, s2;
	s9 =	sadd.s32 @!p1 $0x100, s2  }
0x36d: {  	s2 =	sand.u32 @!p1 $0x7, s2;
	s3 =	sadd.s32 @!p1 s1, s3;
	s8 =	sand.u32 @!p1 $0x1FFFF8, s8  }
0x36e: {  	[hbm4b:s3+s2] =	stream.linear.scatter @!p1 [tilespmem:s0], [sflag:$0x5], $0x80, $0x38;
	[tilespmem:$0x1B788] =	vst v63  }
.Ltmp36:
0x36f: {  	_ = 	snop;
	(pc) =	sbr.rel @p2 .LBB2_49-.Ltmp36, $4  }
0x370: {  	s9 =	sand.u32 @!p1 $0x1FFFF8, s9;
	s3 =	sadd.s32 @!p1 $0x80, s0;
	s8 =	sadd.s32 @!p1 s1, s8  }
0x371: {  	[hbm4b:s8+s2] =	stream.linear.scatter @!p1 [tilespmem:s3], [sflag:$0x5], $0x80, $0x38;
	[tilespmem:$0x1B788] =	vst v63  }
0x372: {  	s7 =	sadd.s32 $0x1, s7;
	s3 =	sadd.s32 @!p1 $0x100, s0;
	s8 =	sadd.s32 @!p1 s1, s9  }
0x373: {  	[hbm4b:s8+s2] =	stream.linear.scatter @!p1 [tilespmem:s3], [sflag:$0x5], $0x80, $0x38;
	[tilespmem:$0x1B788] =	vst v63  }
.LBB2_50:
0x374: {  	s5 =	simm.s32 @!p1 $0x600  }
0x375: {  	s0 =	sadd.s32 s6, s5  }
0x376: {  	s0 =	sshrl.u32 s0, $0x2  }
.LBB2_51:
0x377: {  	s2 =	simm.s32 $0x5  }
0x378: {  	_ =	swait.ge [sflag:s2], s0  }
0x379: {  	s31 =	ssub.s32 $0x0, s0;
	[sflag:s2] =	ssyncset.done $0x0  }
0x37a: {  	[sflag:s2] =	ssyncadd.s32 s31  }
0x37b: {  	[sflag:s2] =	ssyncpa.u1 $0x1  }
.LBB2_52:
0x37c: {  	s0 =	sor.u32 s15, s16  }
0x37d: {  	p1 =	sne.s32 s0, $0x0  }
.Ltmp37:
0x37e: {  	_ = 	snop;
	(pc) =	sbr.rel @p1 .LBB2_70-.Ltmp37, $3  }
0x37f: {  	_ =	sdelay $0x1  }
0x380: {  	[bflag:$0x0] =	sbarrier.arrive $0xFFFF  }
0x381: {  	_ =	sfence  }
0x382: {  	s0 =	simm.s32 $0x7  }
0x383: {  	s2 =	simm.s32 $0x3000;
	s3 =	simm.s32 $0xC618;
	[sflag:s0] =	ssyncpa.u1 $0x0  }
0x384: {  	[tilespmem:s3], [sflag:$0x7] =	stream.linear.gather [spmem:s2], $0x20, $0x38;
	[tilespmem:$0x1B788] =	vst v63  }
0x385: {  	s31 =	simm.s32 $0xC638;
	s2 =	simm.s32 $0x0  }
0x386: {  	[tilespmem:s31], [sflag:$0x7] =	stream.linear.gather [spmem:s2], $0x3000, $0x38;
	[tilespmem:$0x1B788] =	vst v63  }
.Ltmp38:
0x387: {  	_ = 	snop;
	(pc) =	sbr.rel .LBB2_54-.Ltmp38, $4  }
0x388: {  	_ =	swait.ge [sflag:s0], $0x3020  }
0x389: {  	s4 =	simm.s32 $0xC488;
	[sflag:s0] =	ssyncset.done $0x0  }
0x38a: {  	s5 =	simm.s32 $0xC508;
	s3 =	simm.s32 $0x8;
	[sflag:s0] =	ssyncadd.s32 $0xFFFFCFE0  }
0x38b: {  	s6 =	simm.s32 $0xC588;
	s7 =	simm.s32 $0x0;
	[sflag:s3] =	ssyncpa.u1 $0x0  }
.LBB2_62:
0x38c: {  	s8 =	sand.u32 $0xFFFF8, s0  }
0x38d: {  	s9 =	sand.u32 $0x7, s0;
	s29 =	sadd.s32 $0x80, s0;
	s8 =	sadd.s32 s1, s8  }
0x38e: {  	[tilespmem:s4], [sflag:$0x8] =	stream.linear.gather [hbm4b:s8+s9], $0x80, $0x38;
	[tilespmem:$0x1B788] =	vst v63  }
0x38f: {  	s30 =	sadd.s32 $0x100, s0;
	s8 =	sand.u32 $0x1FFFF8, s29  }
0x390: {  	s0 =	sand.u32 $0x1FFFF8, s30;
	s8 =	sadd.s32 s1, s8  }
0x391: {  	[tilespmem:s5], [sflag:$0x8] =	stream.linear.gather [hbm4b:s8+s9], $0x80, $0x38;
	[tilespmem:$0x1B788] =	vst v63  }
0x392: {  	s0 =	sadd.s32 s1, s0  }
0x393: {  	[tilespmem:s6], [sflag:$0x8] =	stream.linear.gather [hbm4b:s0+s9], $0x80, $0x38;
	[tilespmem:$0x1B788] =	vst v63  }
0x394: {  	_ =	swait.ge [sflag:s3], $0x180  }
0x395: {  	[sflag:s3] =	ssyncset.done $0x0  }
0x396: {  	[sflag:s3] =	ssyncadd.s32 $0xFFFFFE80  }
0x397: {  	v1 =	vld [tilespmem:$0xC488];
	_ =	sdelay $0x1  }
0x398: {  	s0 =	smul.u32 $0x600, s7;
	_ =	sdelay $0x1  }
0x399: {  	s31 =	sshra.s32 s0, $0x2  }
0x39a: {  	[tilespmem:s31+$0xC638] =	vst.add.f32.msk $0xffff, v1  }
0x39b: {  	v1 =	vld [tilespmem:$0xC498];
	_ =	sdelay $0x4  }
0x39c: {  	[tilespmem:s31+$0xC648] =	vst.add.f32.msk $0xffff, v1  }
0x39d: {  	v1 =	vld [tilespmem:$0xC4A8];
	_ =	sdelay $0x4  }
0x39e: {  	[tilespmem:s31+$0xC658] =	vst.add.f32.msk $0xffff, v1  }
0x39f: {  	v1 =	vld [tilespmem:$0xC4B8];
	_ =	sdelay $0x4  }
0x3a0: {  	[tilespmem:s31+$0xC668] =	vst.add.f32.msk $0xffff, v1  }
0x3a1: {  	v1 =	vld [tilespmem:$0xC4C8];
	_ =	sdelay $0x4  }
0x3a2: {  	[tilespmem:s31+$0xC678] =	vst.add.f32.msk $0xffff, v1  }
0x3a3: {  	v1 =	vld [tilespmem:$0xC4D8];
	_ =	sdelay $0x4  }
0x3a4: {  	[tilespmem:s31+$0xC688] =	vst.add.f32.msk $0xffff, v1  }
0x3a5: {  	v1 =	vld [tilespmem:$0xC4E8];
	_ =	sdelay $0x4  }
0x3a6: {  	[tilespmem:s31+$0xC698] =	vst.add.f32.msk $0xffff, v1  }
0x3a7: {  	v1 =	vld [tilespmem:$0xC4F8];
	_ =	sdelay $0x4  }
0x3a8: {  	[tilespmem:s31+$0xC6A8] =	vst.add.f32.msk $0xffff, v1  }
0x3a9: {  	v1 =	vld [tilespmem:$0xC508];
	_ =	sdelay $0x4  }
0x3aa: {  	[tilespmem:s31+$0xC6B8] =	vst.add.f32.msk $0xffff, v1  }
0x3ab: {  	v1 =	vld [tilespmem:$0xC518];
	_ =	sdelay $0x4  }
0x3ac: {  	[tilespmem:s31+$0xC6C8] =	vst.add.f32.msk $0xffff, v1  }
0x3ad: {  	v1 =	vld [tilespmem:$0xC528];
	_ =	sdelay $0x4  }
0x3ae: {  	[tilespmem:s31+$0xC6D8] =	vst.add.f32.msk $0xffff, v1  }
0x3af: {  	v1 =	vld [tilespmem:$0xC538];
	_ =	sdelay $0x4  }
0x3b0: {  	[tilespmem:s31+$0xC6E8] =	vst.add.f32.msk $0xffff, v1  }
0x3b1: {  	v1 =	vld [tilespmem:$0xC548];
	_ =	sdelay $0x4  }
0x3b2: {  	[tilespmem:s31+$0xC6F8] =	vst.add.f32.msk $0xffff, v1  }
0x3b3: {  	v1 =	vld [tilespmem:$0xC558];
	_ =	sdelay $0x4  }
0x3b4: {  	[tilespmem:s31+$0xC708] =	vst.add.f32.msk $0xffff, v1  }
0x3b5: {  	v1 =	vld [tilespmem:$0xC568];
	_ =	sdelay $0x4  }
0x3b6: {  	[tilespmem:s31+$0xC718] =	vst.add.f32.msk $0xffff, v1  }
0x3b7: {  	v1 =	vld [tilespmem:$0xC578];
	_ =	sdelay $0x4  }
0x3b8: {  	[tilespmem:s31+$0xC728] =	vst.add.f32.msk $0xffff, v1  }
0x3b9: {  	v1 =	vld [tilespmem:$0xC588];
	_ =	sdelay $0x4  }
0x3ba: {  	[tilespmem:s31+$0xC738] =	vst.add.f32.msk $0xffff, v1  }
0x3bb: {  	v1 =	vld [tilespmem:$0xC598];
	_ =	sdelay $0x4  }
0x3bc: {  	[tilespmem:s31+$0xC748] =	vst.add.f32.msk $0xffff, v1  }
0x3bd: {  	v1 =	vld [tilespmem:$0xC5A8];
	_ =	sdelay $0x4  }
0x3be: {  	[tilespmem:s31+$0xC758] =	vst.add.f32.msk $0xffff, v1  }
0x3bf: {  	v1 =	vld [tilespmem:$0xC5B8];
	_ =	sdelay $0x4  }
0x3c0: {  	[tilespmem:s31+$0xC768] =	vst.add.f32.msk $0xffff, v1  }
0x3c1: {  	v1 =	vld [tilespmem:$0xC5C8];
	_ =	sdelay $0x4  }
0x3c2: {  	[tilespmem:s31+$0xC778] =	vst.add.f32.msk $0xffff, v1  }
0x3c3: {  	v1 =	vld [tilespmem:$0xC5D8];
	_ =	sdelay $0x4  }
0x3c4: {  	[tilespmem:s31+$0xC788] =	vst.add.f32.msk $0xffff, v1  }
0x3c5: {  	v1 =	vld [tilespmem:$0xC5E8];
	_ =	sdelay $0x4  }
0x3c6: {  	[tilespmem:s31+$0xC798] =	vst.add.f32.msk $0xffff, v1  }
0x3c7: {  	v1 =	vld [tilespmem:$0xC5F8];
	_ =	sdelay $0x4  }
0x3c8: {  	[tilespmem:s31+$0xC7A8] =	vst.add.f32.msk $0xffff, v1  }
.LBB2_63:
0x3c9: {  	[tilespmem:s2+$0xC618] =	vst.msk $0x1, v0;
	s0 =	sshra.s32 s0, $0x2  }
0x3ca: {  	v0 =	vld [tilespmem:s0+$0xC638];
	_ =	sdelay $0x1  }
0x3cb: {  	s8 =	smul.u32 $0x600, s2;
	_ =	sdelay $0x1  }
0x3cc: {  	s8 =	sshra.s32 s8, $0x2  }
0x3cd: {  	[tilespmem:s8+$0xC638] =	vst v0  }
0x3ce: {  	v0 =	vld [tilespmem:s0+$0xC648];
	_ =	sdelay $0x4  }
0x3cf: {  	[tilespmem:s8+$0xC648] =	vst v0  }
0x3d0: {  	v0 =	vld [tilespmem:s0+$0xC658];
	_ =	sdelay $0x4  }
0x3d1: {  	[tilespmem:s8+$0xC658] =	vst v0  }
0x3d2: {  	v0 =	vld [tilespmem:s0+$0xC668];
	_ =	sdelay $0x4  }
0x3d3: {  	[tilespmem:s8+$0xC668] =	vst v0  }
0x3d4: {  	v0 =	vld [tilespmem:s0+$0xC678];
	_ =	sdelay $0x4  }
0x3d5: {  	[tilespmem:s8+$0xC678] =	vst v0  }
0x3d6: {  	v0 =	vld [tilespmem:s0+$0xC688];
	_ =	sdelay $0x4  }
0x3d7: {  	[tilespmem:s8+$0xC688] =	vst v0  }
0x3d8: {  	v0 =	vld [tilespmem:s0+$0xC698];
	_ =	sdelay $0x4  }
0x3d9: {  	[tilespmem:s8+$0xC698] =	vst v0  }
0x3da: {  	v0 =	vld [tilespmem:s0+$0xC6A8];
	_ =	sdelay $0x4  }
0x3db: {  	[tilespmem:s8+$0xC6A8] =	vst v0  }
0x3dc: {  	v0 =	vld [tilespmem:s0+$0xC6B8];
	_ =	sdelay $0x4  }
0x3dd: {  	[tilespmem:s8+$0xC6B8] =	vst v0  }
0x3de: {  	v0 =	vld [tilespmem:s0+$0xC6C8];
	_ =	sdelay $0x4  }
0x3df: {  	[tilespmem:s8+$0xC6C8] =	vst v0  }
0x3e0: {  	v0 =	vld [tilespmem:s0+$0xC6D8];
	_ =	sdelay $0x4  }
0x3e1: {  	[tilespmem:s8+$0xC6D8] =	vst v0  }
0x3e2: {  	v0 =	vld [tilespmem:s0+$0xC6E8];
	_ =	sdelay $0x4  }
0x3e3: {  	[tilespmem:s8+$0xC6E8] =	vst v0  }
0x3e4: {  	v0 =	vld [tilespmem:s0+$0xC6F8];
	_ =	sdelay $0x4  }
0x3e5: {  	[tilespmem:s8+$0xC6F8] =	vst v0  }
0x3e6: {  	v0 =	vld [tilespmem:s0+$0xC708];
	_ =	sdelay $0x4  }
0x3e7: {  	[tilespmem:s8+$0xC708] =	vst v0  }
0x3e8: {  	v0 =	vld [tilespmem:s0+$0xC718];
	_ =	sdelay $0x4  }
0x3e9: {  	[tilespmem:s8+$0xC718] =	vst v0  }
0x3ea: {  	v0 =	vld [tilespmem:s0+$0xC728];
	_ =	sdelay $0x4  }
0x3eb: {  	[tilespmem:s8+$0xC728] =	vst v0  }
0x3ec: {  	v0 =	vld [tilespmem:s0+$0xC738];
	_ =	sdelay $0x4  }
0x3ed: {  	[tilespmem:s8+$0xC738] =	vst v0  }
0x3ee: {  	v0 =	vld [tilespmem:s0+$0xC748];
	_ =	sdelay $0x4  }
0x3ef: {  	[tilespmem:s8+$0xC748] =	vst v0  }
0x3f0: {  	v0 =	vld [tilespmem:s0+$0xC758];
	_ =	sdelay $0x4  }
0x3f1: {  	[tilespmem:s8+$0xC758] =	vst v0  }
0x3f2: {  	v0 =	vld [tilespmem:s0+$0xC768];
	_ =	sdelay $0x4  }
0x3f3: {  	[tilespmem:s8+$0xC768] =	vst v0  }
0x3f4: {  	v0 =	vld [tilespmem:s0+$0xC778];
	_ =	sdelay $0x4  }
0x3f5: {  	[tilespmem:s8+$0xC778] =	vst v0  }
0x3f6: {  	v0 =	vld [tilespmem:s0+$0xC788];
	_ =	sdelay $0x4  }
0x3f7: {  	[tilespmem:s8+$0xC788] =	vst v0  }
0x3f8: {  	v0 =	vld [tilespmem:s0+$0xC798];
	_ =	sdelay $0x4  }
0x3f9: {  	[tilespmem:s8+$0xC798] =	vst v0  }
0x3fa: {  	v0 =	vld [tilespmem:s0+$0xC7A8];
	_ =	sdelay $0x4  }
0x3fb: {  	s2 =	sadd.s32 $0x1, s2;
	[tilespmem:s8+$0xC7A8] =	vst v0  }
.LBB2_64:
0x3fc: {  	s7 =	sadd.s32 $0x1, s7  }
0x3fd: {  	p1 =	sne.s32 s7, $0x20  }
.Ltmp39:
0x3fe: {  	_ = 	snop;
	(pc) =	sbr.rel @!p1 .LBB2_65-.Ltmp39, $1  }
0x3ff: {  	_ =	sdelay $0x3  }
.LBB2_54:
0x400: {  	v0 =	vld.msk [tilespmem:s7+$0xC618], $0x1;
	_ =	sdelay $0x4  }
0x401: {  	(v2sf) =	vpush v0, $0x0;
	_ =	sdelay $0xe  }
0x402: {  	s0 =	spop (v2sf)  }
0x403: {  	p1 =	seq.s32 s0, $0xFFFFFFFF  }
.Ltmp40:
0x404: {  	_ = 	snop;
	(pc) =	sbr.rel @p1 .LBB2_64-.Ltmp40, $1  }
0x405: {  	_ =	sdelay $0x3  }
0x406: {  	p1 =	slt.s32 s2, $0x1  }
.Ltmp41:
0x407: {  	_ = 	snop;
	(pc) =	sbr.rel @p1 .LBB2_60-.Ltmp41, $1  }
0x408: {  	_ =	sdelay $0x3  }
0x409: {  	s8 =	simm.s32 $0xC618;
	p1 =	por $0x0, $0x0  }
0x40a: {  	v1 =	vld.msk @!p1 [tilespmem:s8+$0x0], $0x1;
	_ =	sdelay $0x4  }
0x40b: {  	(v2sf) =	vpush @!p1 v1, $0x0;
	_ =	sdelay $0xd  }
0x40c: {  	p3 =	sne.s32 s2, $0x1  }
.Ltmp42:
0x40d: {  	s9 =	spop @!p1 (v2sf);
	(pc) =	sbr.rel @!p3 .LBB2_58-.Ltmp42, $4  }
0x40e: {  	p2 =	seq.s32 @!p1 s0, s9  }
0x40f: {  	s9 =	simm.s32 $0x0;
	p2 =	por !p2, p1  }
0x410: {  	s11 =	simm.s32 $0xFFFFFFFF;
	s9 =	simm.s32 @p2 $0xFFFFFFFF  }
0x411: {  	s10 =	simm.s32 $0x1;
	s9 =	smov.u32 @p1 s11  }
.LBB2_57:
0x412: {  	s11 =	smov.u32 s9;
	p1 =	sne.s32 s9, $0xFFFFFFFF  }
0x413: {  	s8 =	sadd.s32 $0x1, s8;
	s9 =	smov.u32 s10;
	s10 =	sadd.s32 $0x1, s10  }
0x414: {  	p2 =	sne.s32 s2, s10;
	v1 =	vld.msk @!p1 [tilespmem:s8+$0x0], $0x1;
	_ =	sdelay $0x4  }
0x415: {  	(v2sf) =	vpush @!p1 v1, $0x0;
	_ =	sdelay $0xe  }
.Ltmp43:
0x416: {  	s12 =	spop @!p1 (v2sf);
	(pc) =	sbr.rel @p2 .LBB2_57-.Ltmp43, $4  }
0x417: {  	p3 =	seq.s32 @!p1 s0, s12  }
0x418: {  	p3 =	por !p3, p1  }
0x419: {  	s9 =	simm.s32 @p3 $0xFFFFFFFF  }
0x41a: {  	s9 =	smov.u32 @p1 s11  }
.LBB2_58:
0x41b: {  	p1 =	seq.s32 s9, $0xFFFFFFFF  }
.Ltmp44:
0x41c: {  	_ = 	snop;
	(pc) =	sbr.rel @p1 .LBB2_60-.Ltmp44, $1  }
0x41d: {  	_ =	sdelay $0x3  }
0x41e: {  	s0 =	smul.u32 $0x600, s7;
	_ =	sdelay $0x1  }
0x41f: {  	s0 =	sshra.s32 s0, $0x2  }
0x420: {  	v0 =	vld [tilespmem:s0+$0xC638];
	_ =	sdelay $0x1  }
0x421: {  	s8 =	smul.u32 $0x600, s9;
	_ =	sdelay $0x1  }
0x422: {  	s8 =	sshra.s32 s8, $0x2  }
0x423: {  	[tilespmem:s8+$0xC638] =	vst.add.f32.msk $0xffff, v0  }
0x424: {  	v0 =	vld [tilespmem:s0+$0xC648];
	_ =	sdelay $0x4  }
0x425: {  	[tilespmem:s8+$0xC648] =	vst.add.f32.msk $0xffff, v0  }
0x426: {  	v0 =	vld [tilespmem:s0+$0xC658];
	_ =	sdelay $0x4  }
0x427: {  	[tilespmem:s8+$0xC658] =	vst.add.f32.msk $0xffff, v0  }
0x428: {  	v0 =	vld [tilespmem:s0+$0xC668];
	_ =	sdelay $0x4  }
0x429: {  	[tilespmem:s8+$0xC668] =	vst.add.f32.msk $0xffff, v0  }
0x42a: {  	v0 =	vld [tilespmem:s0+$0xC678];
	_ =	sdelay $0x4  }
0x42b: {  	[tilespmem:s8+$0xC678] =	vst.add.f32.msk $0xffff, v0  }
0x42c: {  	v0 =	vld [tilespmem:s0+$0xC688];
	_ =	sdelay $0x4  }
0x42d: {  	[tilespmem:s8+$0xC688] =	vst.add.f32.msk $0xffff, v0  }
0x42e: {  	v0 =	vld [tilespmem:s0+$0xC698];
	_ =	sdelay $0x4  }
0x42f: {  	[tilespmem:s8+$0xC698] =	vst.add.f32.msk $0xffff, v0  }
0x430: {  	v0 =	vld [tilespmem:s0+$0xC6A8];
	_ =	sdelay $0x4  }
0x431: {  	[tilespmem:s8+$0xC6A8] =	vst.add.f32.msk $0xffff, v0  }
0x432: {  	v0 =	vld [tilespmem:s0+$0xC6B8];
	_ =	sdelay $0x4  }
0x433: {  	[tilespmem:s8+$0xC6B8] =	vst.add.f32.msk $0xffff, v0  }
0x434: {  	v0 =	vld [tilespmem:s0+$0xC6C8];
	_ =	sdelay $0x4  }
0x435: {  	[tilespmem:s8+$0xC6C8] =	vst.add.f32.msk $0xffff, v0  }
0x436: {  	v0 =	vld [tilespmem:s0+$0xC6D8];
	_ =	sdelay $0x4  }
0x437: {  	[tilespmem:s8+$0xC6D8] =	vst.add.f32.msk $0xffff, v0  }
0x438: {  	v0 =	vld [tilespmem:s0+$0xC6E8];
	_ =	sdelay $0x4  }
0x439: {  	[tilespmem:s8+$0xC6E8] =	vst.add.f32.msk $0xffff, v0  }
0x43a: {  	v0 =	vld [tilespmem:s0+$0xC6F8];
	_ =	sdelay $0x4  }
0x43b: {  	[tilespmem:s8+$0xC6F8] =	vst.add.f32.msk $0xffff, v0  }
0x43c: {  	v0 =	vld [tilespmem:s0+$0xC708];
	_ =	sdelay $0x4  }
0x43d: {  	[tilespmem:s8+$0xC708] =	vst.add.f32.msk $0xffff, v0  }
0x43e: {  	v0 =	vld [tilespmem:s0+$0xC718];
	_ =	sdelay $0x4  }
0x43f: {  	[tilespmem:s8+$0xC718] =	vst.add.f32.msk $0xffff, v0  }
0x440: {  	v0 =	vld [tilespmem:s0+$0xC728];
	_ =	sdelay $0x4  }
0x441: {  	[tilespmem:s8+$0xC728] =	vst.add.f32.msk $0xffff, v0  }
0x442: {  	v0 =	vld [tilespmem:s0+$0xC738];
	_ =	sdelay $0x4  }
0x443: {  	[tilespmem:s8+$0xC738] =	vst.add.f32.msk $0xffff, v0  }
0x444: {  	v0 =	vld [tilespmem:s0+$0xC748];
	_ =	sdelay $0x4  }
0x445: {  	[tilespmem:s8+$0xC748] =	vst.add.f32.msk $0xffff, v0  }
0x446: {  	v0 =	vld [tilespmem:s0+$0xC758];
	_ =	sdelay $0x4  }
0x447: {  	[tilespmem:s8+$0xC758] =	vst.add.f32.msk $0xffff, v0  }
0x448: {  	v0 =	vld [tilespmem:s0+$0xC768];
	_ =	sdelay $0x4  }
0x449: {  	[tilespmem:s8+$0xC768] =	vst.add.f32.msk $0xffff, v0  }
0x44a: {  	v0 =	vld [tilespmem:s0+$0xC778];
	_ =	sdelay $0x4  }
0x44b: {  	[tilespmem:s8+$0xC778] =	vst.add.f32.msk $0xffff, v0  }
0x44c: {  	v0 =	vld [tilespmem:s0+$0xC788];
	_ =	sdelay $0x4  }
0x44d: {  	[tilespmem:s8+$0xC788] =	vst.add.f32.msk $0xffff, v0  }
0x44e: {  	v0 =	vld [tilespmem:s0+$0xC798];
	_ =	sdelay $0x4  }
0x44f: {  	[tilespmem:s8+$0xC798] =	vst.add.f32.msk $0xffff, v0  }
0x450: {  	v0 =	vld [tilespmem:s0+$0xC7A8]  }
.Ltmp45:
0x451: {  	_ = 	snop;
	(pc) =	sbr.rel .LBB2_64-.Ltmp45, $2  }
0x452: {  	_ =	sdelay $0x2  }
0x453: {  	[tilespmem:s8+$0xC7A8] =	vst.add.f32.msk $0xffff, v0  }
.LBB2_60:
0x454: {  	p1 =	slt.u32 s0, $0xBFEF1  }
.Ltmp46:
0x455: {  	_ = 	snop;
	(pc) =	sbr.rel @p1 .LBB2_62-.Ltmp46, $1  }
0x456: {  	_ =	sdelay $0x3  }
.Ltmp47:
0x457: {  	(pc) =	sbr.rel .LBB2_63-.Ltmp47, $2  }
0x458: {  	_ =	sdelay $0x1  }
0x459: {  	s0 =	smul.u32 $0x600, s7;
	_ =	sdelay $0x1  }
.LBB2_65:
0x45a: {  	p1 =	slt.s32 s2, $0x1  }
.Ltmp48:
0x45b: {  	_ = 	snop;
	(pc) =	sbr.rel @p1 .LBB2_69-.Ltmp48, $3  }
0x45c: {  	_ =	sdelay $0x1  }
0x45d: {  	s0 =	simm.s32 $0x8  }
0x45e: {  	[sflag:s0] =	ssyncpa.u1 $0x1;
	s0 =	simm.s32 $0x0  }
0x45f: {  	s3 =	simm.s32 $0xC618  }
0x460: {  	v0 =	vld.msk [tilespmem:s3+$0x0], $0x1;
	_ =	sdelay $0x4  }
0x461: {  	(v2sf) =	vpush v0, $0x0;
	_ =	sdelay $0xe  }
0x462: {  	s4 =	spop (v2sf)  }
0x463: {  	s2 =	sadd.s32 $0xFFFFFFFF, s2;
	p1 =	sgt.u32 s4, $0xBFEF0  }
0x464: {  	s3 =	simm.s32 $0xC638;
	p2 =	sne.s32 s2, $0x0;
	s5 =	sand.u32 @!p1 $0xFFFF8, s4  }
0x465: {  	s6 =	sadd.s32 @!p1 $0x80, s4;
	s7 =	sadd.s32 @!p1 $0x100, s4;
	s4 =	sand.u32 @!p1 $0x7, s4  }
0x466: {  	s5 =	sadd.s32 @!p1 s1, s5;
	s6 =	sand.u32 @!p1 $0x1FFFF8, s6;
	s7 =	sand.u32 @!p1 $0x1FFFF8, s7  }
0x467: {  	[hbm4b:s5+s4] =	stream.linear.scatter @!p1 [tilespmem:s3], [sflag:$0x7], $0x80, $0x38;
	[tilespmem:$0x1B788] =	vst v63  }
.Ltmp49:
0x468: {  	s5 =	simm.s32 @!p1 $0xC6B8;
	s6 =	sadd.s32 @!p1 s1, s6;
	(pc) =	sbr.rel @!p2 .LBB2_68-.Ltmp49, $4  }
0x469: {  	[hbm4b:s6+s4] =	stream.linear.scatter @!p1 [tilespmem:s5], [sflag:$0x7], $0x80, $0x38;
	[tilespmem:$0x1B788] =	vst v63  }
0x46a: {  	s5 =	simm.s32 @!p1 $0xC738;
	s6 =	sadd.s32 @!p1 s1, s7  }
0x46b: {  	[hbm4b:s6+s4] =	stream.linear.scatter @!p1 [tilespmem:s5], [sflag:$0x7], $0x80, $0x38;
	[tilespmem:$0x1B788] =	vst v63  }
0x46c: {  	s4 =	simm.s32 $0x0;
	s5 =	simm.s32 $0xC619  }
.LBB2_67:
0x46d: {  	s6 =	simm.s32 $0x0  }
0x46e: {  	v0 =	vld.msk [tilespmem:s5+$0x0], $0x1;
	s2 =	sadd.s32 $0xFFFFFFFF, s2;
	s6 =	simm.s32 @!p1 $0x600  }
0x46f: {  	p2 =	sne.s32 s2, $0x0;
	s0 =	sadd.s32 s0, s6;
	_ =	sdelay $0x3  }
0x470: {  	(v2sf) =	vpush v0, $0x0;
	_ =	sdelay $0xe  }
0x471: {  	s6 =	spop (v2sf)  }
0x472: {  	s3 =	sadd.s32 $0x180, s3;
	p1 =	sgt.u32 s6, $0xBFEF0  }
0x473: {  	s7 =	sand.u32 @!p1 $0xFFFF8, s6;
	s8 =	sadd.s32 @!p1 $0x80, s6;
	s9 =	sadd.s32 @!p1 $0x100, s6  }
0x474: {  	s6 =	sand.u32 @!p1 $0x7, s6;
	s7 =	sadd.s32 @!p1 s1, s7;
	s8 =	sand.u32 @!p1 $0x1FFFF8, s8  }
0x475: {  	[hbm4b:s7+s6] =	stream.linear.scatter @!p1 [tilespmem:s3], [sflag:$0x7], $0x80, $0x38;
	[tilespmem:$0x1B788] =	vst v63  }
.Ltmp50:
0x476: {  	_ = 	snop;
	(pc) =	sbr.rel @p2 .LBB2_67-.Ltmp50, $4  }
0x477: {  	s9 =	sand.u32 @!p1 $0x1FFFF8, s9;
	s7 =	sadd.s32 @!p1 $0x80, s3;
	s8 =	sadd.s32 @!p1 s1, s8  }
0x478: {  	[hbm4b:s8+s6] =	stream.linear.scatter @!p1 [tilespmem:s7], [sflag:$0x7], $0x80, $0x38;
	[tilespmem:$0x1B788] =	vst v63  }
0x479: {  	s5 =	sadd.s32 $0x1, s5;
	s7 =	sadd.s32 @!p1 $0x100, s3;
	s8 =	sadd.s32 @!p1 s1, s9  }
0x47a: {  	[hbm4b:s8+s6] =	stream.linear.scatter @!p1 [tilespmem:s7], [sflag:$0x7], $0x80, $0x38;
	[tilespmem:$0x1B788] =	vst v63  }
.LBB2_68:
0x47b: {  	s4 =	simm.s32 @!p1 $0x600  }
0x47c: {  	s0 =	sadd.s32 s0, s4  }
0x47d: {  	s0 =	sshrl.u32 s0, $0x2  }
.LBB2_69:
0x47e: {  	s1 =	simm.s32 $0x7  }
0x47f: {  	_ =	swait.ge [sflag:s1], s0  }
0x480: {  	s31 =	ssub.s32 $0x0, s0;
	[sflag:s1] =	ssyncset.done $0x0  }
0x481: {  	[sflag:s1] =	ssyncadd.s32 s31  }
0x482: {  	[sflag:s1] =	ssyncpa.u1 $0x1  }
.LBB2_70:
0x483: {  	_ =	sfence;
	s0 =	simm.s32 $0x1  }
0x484: {  	[sflag:s0] =	ssyncpa.u1 $0x1  }
0x485: {  	_ =	strace $0x9000004A  }
0x486: {  	[bflag:$0x2] =	sbarrier.arrive $0xFFFF  }
0x487: {  	s0 =	rddreg [dreg:$0x5]  }
0x488: {  	s0 =	sadd.s32 @!p0 $0x100000, s0  }
0x489: {  	[sflag:s0] =	ssyncadd.tile.s32 @!p0 $0x1;
	_ =	shalt  }
.Lfunc_end2:
_tile_overlayer_lowered:
.L_overlay_start_2:
0x48a: {  	(tag) =	ssettag $0x2  }
0x48b: {  	s0 =	rddreg [dreg:$0x0];
	s2 =	stileid.u32  }
0x48c: {  	s1 =	rddreg [dreg:$0x1];
	p0 =	sne.s32 s2, $0x0  }
0x48d: {  	s3 =	rddreg [dreg:$0x2];
	[bflag:$0x3] =	sbarrier.arrive $0xFFFF;
	s2 =	simm.s32 @!p0 $0x1C01  }
0x48e: {  	[timem:s3], [sflag:s2] =	dma.local @!p0 [hbm:s0], s1  }
0x48f: {  	s0 =	simm.s32 @!p0 $0x1  }
0x490: {  	_ =	swait.ge @!p0 [sflag:s0], s1  }
0x491: {  	s1 =	ssub.s32 @!p0 $0x0, s1;
	[sflag:s0] =	ssyncset.done @!p0 $0x0  }
0x492: {  	[sflag:s0] =	ssyncadd.s32 @!p0 s1  }
0x493: {  	[bflag:$0x3] =	sbarrier.arrive $0xFFFF  }
0x494: {  	_ =	shalt  }

</sc_bundles>
